<compile_context>
chip_gen: v7x
topology: tpu7x:2x2x1
jax: 0.10.2.dev20260603
libtpu: 0.0.44.dev20260713+nightly
codegen_flags: <defaults>
</compile_context>

<pallas_src>
import functools

import numpy as np
import jax
import jax.numpy as jnp
from jax import lax
from jax.experimental import pallas as pl
from jax.experimental.pallas import tpu as pltpu
from jax.experimental.pallas import tpu_sc as plsc

_D = 16
_LANES = 128
_HB = 2048
_NIQ = 4


def _pos_encoding(seq_len, embed_dim):
    pos = np.arange(seq_len)[:, np.newaxis]
    i = np.arange(embed_dim)[np.newaxis, :]
    angle_rates = 1.0 / np.power(10000, 2 * (i // 2) / np.float32(embed_dim))
    a = pos * angle_rates
    a[:, 0::2] = np.sin(a[:, 0::2])
    a[:, 1::2] = np.cos(a[:, 1::2])
    return a.astype(np.float32)


@functools.lru_cache(maxsize=None)
def _build(seq_len, batch, vocab):
    nc, ns = 2, 16
    assert ns == _D and batch % _HB == 0 and seq_len % nc == 0
    nct = batch // _LANES
    hct = _HB // _LANES
    nh = batch // _HB
    s_half = seq_len // nc
    nsteps = s_half * nh
    assert nsteps % _NIQ == 0

    mesh = plsc.VectorSubcoreMesh(core_axis_name="c", subcore_axis_name="s")

    @functools.partial(
        pl.kernel,
        out_type=jax.ShapeDtypeStruct((seq_len, _D // 8, nct, 8, _LANES),
                                      jnp.float32),
        mesh=mesh,
        scratch_types=[
            pltpu.VMEM((vocab,), jnp.float32),
            pltpu.VMEM((_NIQ, _HB // _LANES, _LANES), jnp.int32),
            pltpu.VMEM((2, hct, _LANES), jnp.float32),
            pltpu.VMEM((seq_len, _D), jnp.float32),
            [pltpu.SemaphoreType.DMA] * _NIQ,
            [pltpu.SemaphoreType.DMA] * 2,
        ],
        compiler_params=pltpu.CompilerParams(
            use_tc_tiling_on_sc=False, needs_layout_passes=False),
    )
    def run(x_hbm, psp_hbm, tabt_hbm, out_hbm, row_v, xbuf, obuf, psp_v,
            isems, osems):
        d = lax.axis_index("s")
        half = lax.axis_index("c")
        s0 = half * s_half
        dg = d // 8
        r = d % 8
        pltpu.sync_copy(psp_hbm.at[d], psp_v)
        pltpu.sync_copy(tabt_hbm.at[d], row_v)

        def h_to_sb(h):
            return s0 + h // nh, (h % nh) * _HB

        def idx_src(h):
            s, b0 = h_to_sb(h)
            return x_hbm.at[s // 8, pl.ds(b0 // _LANES, hct), s % 8]

        def idx_copy(h, t):
            return pltpu.async_copy(idx_src(h), xbuf.at[t], isems[t])

        def idx_wait(h, t):
            pltpu.make_async_copy(idx_src(h), xbuf.at[t], isems[t]).wait()

        def out_dst(h):
            s, b0 = h_to_sb(h)
            return out_hbm.at[s, dg, pl.ds((b0 // _LANES), hct), r]

        def out_copy(h, ot):
            return pltpu.async_copy(obuf.at[ot], out_dst(h), osems[ot])

        def out_wait(h, ot):
            pltpu.make_async_copy(obuf.at[ot], out_dst(h), osems[ot]).wait()

        def compute(h, t, ot):
            s, _ = h_to_sb(h)
            pv = psp_v[s]
            xb = xbuf.at[t]
            ob = obuf.at[ot]

            @plsc.parallel_loop(0, _HB // 16, unroll=8)
            def vloop(g):
                idx16 = xb[g // 8, pl.ds((g % 8) * 16, 16)]
                vals = plsc.load_gather(row_v, [idx16])
                ob[g // 8, pl.ds((g % 8) * 16, 16)] = vals + pv

        for t in range(_NIQ):
            idx_copy(t, t)

        def chunk_body(c4, carry):
            h_base = c4 * _NIQ
            for e in range(_NIQ):
                h = h_base + e
                ot = e % 2
                idx_wait(h, e)
                @pl.when(h >= 2)
                def _():
                    out_wait(h - 2, ot)
                compute(h, e, ot)
                out_copy(h, ot)
                @pl.when(h + _NIQ < nsteps)
                def _():
                    idx_copy(h + _NIQ, e)
            return carry

        lax.fori_loop(0, nsteps // _NIQ, chunk_body, 0)
        for h, ot in ((nsteps - 2, 0), (nsteps - 1, 1)):
            out_wait(h, ot)

    return run


def kernel(x_in, table):
    b, s = x_in.shape
    vocab, d = table.shape
    x4 = (x_in.T.astype(jnp.int32)
          .reshape(s // 8, 8, b // _LANES, _LANES).transpose((0, 2, 1, 3)))
    table_t = table.T
    pos = _pos_encoding(s, d)
    psp = jnp.asarray(np.tile(pos.T[:, :, None], (1, 1, 16)))
    out_lin = _build(s, b, vocab)(x4, psp, table_t)
    nw = out_lin.shape[2]
    return out_lin.transpose((2, 4, 0, 1, 3)).reshape(nw * _LANES, s, d)

# --- scband reference (transcript-rebuilt; emitter-appended) ---
"""Pipeline reference for scband-chords-embedder-32830730010677 (READ-ONLY COPY).

The authoritative reference and input builder live on the scoring server;
editing this copy changes nothing except your own understanding.
"""

import jax, jax.numpy as jnp
import numpy as np

CHORDS_POOL_SIZE = 100000
MAX_POS = 512
EMBED_DIM = 16


def positional_encoding(max_pos, embed_dim):
    pos = np.arange(max_pos)[:, np.newaxis]
    i = np.arange(embed_dim)[np.newaxis, :]
    angle_rates = 1.0 / np.power(10000, 2 * (i // 2) / np.float32(embed_dim))
    angle_rads = pos * angle_rates
    angle_rads[:, 0::2] = np.sin(angle_rads[:, 0::2])
    angle_rads[:, 1::2] = np.cos(angle_rads[:, 1::2])
    pos_encoding = angle_rads[np.newaxis, ...]
    return jnp.asarray(pos_encoding, dtype=jnp.float32)


def setup_inputs(seed: int = 0) -> dict:
    key = jax.random.key(seed)
    k1, k2 = jax.random.split(key)
    x_in = jax.random.randint(k1, (4096, 200), 0, CHORDS_POOL_SIZE, dtype=jnp.int64 if jax.config.jax_enable_x64 else jnp.int32)
    # Embedding table (Keras Embedding default: uniform init)
    table = jax.random.uniform(k2, (CHORDS_POOL_SIZE, EMBED_DIM), dtype=jnp.float32, minval=-0.05, maxval=0.05)
    return {"x_in": x_in, "table": table}


def reference(x_in, table):
    # Embedding lookup (gather)
    chords_emb = jnp.take(table, x_in, axis=0)  # [B, S, D]
    pos_emb = positional_encoding(MAX_POS, EMBED_DIM)  # [1, MAX_POS, D]
    seq_len = x_in.shape[1]
    combine = chords_emb + pos_emb[:, :seq_len, :]
    # Dropout is identity at inference (training=None -> no-op in deterministic reference)
    return combine

if __name__ == "__main__":
    import jax
    _d = setup_inputs()
    print(jax.jit(kernel)(*tuple(_d.values())))

</pallas_src>

<mosaic_0001>
#map = affine_map<(d0, d1) -> (0, 0, 0, 0)>
#map1 = affine_map<(d0, d1) -> (0, 0, 0)>
#map2 = affine_map<(d0, d1) -> (0, 0)>
#map3 = affine_map<(d0, d1) -> (0, 0, 0, 0, 0)>
module attributes {stable_mosaic.version = 14 : i64} {
  func.func @run(%arg0: i32, %arg1: i32, %arg2: memref<25x32x8x128xi32, #tpu.memory_space<hbm>>, %arg3: memref<16x200x16xf32, #tpu.memory_space<hbm>>, %arg4: memref<16x100000xf32, #tpu.memory_space<hbm>>, %arg5: memref<200x2x32x8x128xf32, #tpu.memory_space<hbm>>, %arg6: memref<100000xf32, #tpu.memory_space<vmem>>, %arg7: memref<4x16x128xi32, #tpu.memory_space<vmem>>, %arg8: memref<2x16x128xf32, #tpu.memory_space<vmem>>, %arg9: memref<200x16xf32, #tpu.memory_space<vmem>>, %arg10: memref<!tpu.dma_semaphore, #tpu.memory_space<semaphore_mem>>, %arg11: memref<!tpu.dma_semaphore, #tpu.memory_space<semaphore_mem>>, %arg12: memref<!tpu.dma_semaphore, #tpu.memory_space<semaphore_mem>>, %arg13: memref<!tpu.dma_semaphore, #tpu.memory_space<semaphore_mem>>, %arg14: memref<!tpu.dma_semaphore, #tpu.memory_space<semaphore_mem>>, %arg15: memref<!tpu.dma_semaphore, #tpu.memory_space<semaphore_mem>>) attributes {dimension_semantics = [#tpu.dimension_semantics<core_parallel>, #tpu.dimension_semantics<subcore_parallel>], iteration_bounds = array<i64: 2, 16>, scalar_prefetch = 0 : i64, scratch_operands = 10 : i64, tpu.core_type = #tpu.core_type<sc_vector_subcore>, window_params = [{transform_indices = #map}, {transform_indices = #map1}, {transform_indices = #map2}, {transform_indices = #map3}]} {
    %mul3A = arith.constant 100 : i32
    %mul3A_0 = arith.muli %arg0, %mul3A : i32
    %jit3A = arith.constant 8 : i32
    %div3A = arith.divsi %arg1, %jit3A : i32
    %sign3A = arith.constant 0 : i32
    %sign3A_1 = arith.cmpi sgt, %arg1, %sign3A : i32
    %sign3A_2 = arith.extui %sign3A_1 : i1 to i32
    %sign3A_3 = arith.constant 0 : i32
    %sign3A_4 = arith.cmpi slt, %arg1, %sign3A_3 : i32
    %sign3A_5 = arith.extui %sign3A_4 : i1 to i32
    %sign3A_6 = arith.subi %sign3A_2, %sign3A_5 : i32
    %sign3A_7 = arith.constant 0 : i32
    %sign3A_8 = arith.cmpi sgt, %jit3A, %sign3A_7 : i32
    %sign3A_9 = arith.extui %sign3A_8 : i1 to i32
    %sign3A_10 = arith.constant 0 : i32
    %sign3A_11 = arith.cmpi slt, %jit3A, %sign3A_10 : i32
    %sign3A_12 = arith.extui %sign3A_11 : i1 to i32
    %sign3A_13 = arith.subi %sign3A_9, %sign3A_12 : i32
    %ne3A = arith.cmpi ne, %sign3A_6, %sign3A_13 : i32
    %rem3A = arith.remsi %arg1, %jit3A : i32
    %ne3A_14 = arith.constant 0 : i32
    %ne3A_15 = arith.cmpi ne, %rem3A, %ne3A_14 : i32
    %and3A = arith.andi %ne3A, %ne3A_15 : i1
    %sub3A = arith.constant 1 : i32
    %sub3A_16 = arith.subi %div3A, %sub3A : i32
    %select_n3A = arith.select %and3A, %sub3A_16, %div3A : i32
    %jit3A_17 = arith.constant 8 : i32
    %eq3A = arith.constant 0 : i32
    %eq3A_18 = arith.cmpi eq, %jit3A_17, %eq3A : i32
    %jit3A_19 = arith.constant 1 : i32
    %select_n3A_20 = arith.select %eq3A_18, %jit3A_19, %jit3A_17 : i32
    %rem3A_21 = arith.remsi %arg1, %select_n3A_20 : i32
    %ne3A_22 = arith.constant 0 : i32
    %ne3A_23 = arith.cmpi ne, %rem3A_21, %ne3A_22 : i32
    %lt3A = arith.constant 0 : i32
    %lt3A_24 = arith.cmpi slt, %rem3A_21, %lt3A : i32
    %lt3A_25 = arith.constant 0 : i32
    %lt3A_26 = arith.cmpi slt, %select_n3A_20, %lt3A_25 : i32
    %ne3A_27 = arith.xori %lt3A_24, %lt3A_26 : i1
    %and3A_28 = arith.andi %ne3A_27, %ne3A_23 : i1
    %add3A = arith.addi %rem3A_21, %select_n3A_20 : i32
    %select_n3A_29 = arith.select %and3A_28, %add3A, %rem3A_21 : i32
    "tpu.region"() ({
      %run_scoped3A = tpu.sem_alloc : memref<!tpu.dma_semaphore, #tpu.memory_space<semaphore_mem>>
      %dma_start3A_307 = arith.constant 0 : i32
      %dma_start3A_308 = arith.constant 0 : i32
      %dma_start3A_309 = tpu.memref_slice %arg3[%arg1, %dma_start3A_307, %dma_start3A_308] : memref<16x200x16xf32, #tpu.memory_space<hbm>> -> memref<1x200x16xf32, #tpu.memory_space<hbm>>
      %dma_start3A_310 = tpu.memref_squeeze %dma_start3A_309 : memref<1x200x16xf32, #tpu.memory_space<hbm>> -> memref<200x16xf32, #tpu.memory_space<hbm>>
      %dma_start3A_311 = arith.constant 0 : i32
      %dma_start3A_312 = arith.constant 0 : i32
      %dma_start3A_313 = tpu.memref_slice %arg3[%arg1, %dma_start3A_311, %dma_start3A_312] : memref<16x200x16xf32, #tpu.memory_space<hbm>> -> memref<1x200x16xf32, #tpu.memory_space<hbm>>
      %dma_start3A_314 = tpu.memref_squeeze %dma_start3A_313 : memref<1x200x16xf32, #tpu.memory_space<hbm>> -> memref<200x16xf32, #tpu.memory_space<hbm>>
      tpu.enqueue_dma source(%dma_start3A_314 : memref<200x16xf32, #tpu.memory_space<hbm>>) target(%arg9 : memref<200x16xf32, #tpu.memory_space<vmem>>) target_semaphore(%run_scoped3A : memref<!tpu.dma_semaphore, #tpu.memory_space<semaphore_mem>>)
      %dma_wait3A_315 = arith.constant 0 : i32
      %dma_wait3A_316 = arith.constant 0 : i32
      %dma_wait3A_317 = tpu.memref_slice %arg3[%arg1, %dma_wait3A_315, %dma_wait3A_316] : memref<16x200x16xf32, #tpu.memory_space<hbm>> -> memref<1x200x16xf32, #tpu.memory_space<hbm>>
      %dma_wait3A_318 = tpu.memref_squeeze %dma_wait3A_317 : memref<1x200x16xf32, #tpu.memory_space<hbm>> -> memref<200x16xf32, #tpu.memory_space<hbm>>
      %dma_wait3A_319 = arith.constant 0 : i32
      %dma_wait3A_320 = arith.constant 0 : i32
      %dma_wait3A_321 = tpu.memref_slice %arg3[%arg1, %dma_wait3A_319, %dma_wait3A_320] : memref<16x200x16xf32, #tpu.memory_space<hbm>> -> memref<1x200x16xf32, #tpu.memory_space<hbm>>
      %dma_wait3A_322 = tpu.memref_squeeze %dma_wait3A_321 : memref<1x200x16xf32, #tpu.memory_space<hbm>> -> memref<200x16xf32, #tpu.memory_space<hbm>>
      tpu.wait_dma2 semaphore(%run_scoped3A : memref<!tpu.dma_semaphore, #tpu.memory_space<semaphore_mem>>) src(%dma_wait3A_322 : memref<200x16xf32, #tpu.memory_space<hbm>>) dst(%arg9 : memref<200x16xf32, #tpu.memory_space<vmem>>)
      tpu.yield
    }) : () -> ()
    "tpu.region"() ({
      %run_scoped3A = tpu.sem_alloc : memref<!tpu.dma_semaphore, #tpu.memory_space<semaphore_mem>>
      %dma_start3A_307 = arith.constant 0 : i32
      %dma_start3A_308 = tpu.memref_slice %arg4[%arg1, %dma_start3A_307] : memref<16x100000xf32, #tpu.memory_space<hbm>> -> memref<1x100000xf32, #tpu.memory_space<hbm>>
      %dma_start3A_309 = tpu.memref_squeeze %dma_start3A_308 : memref<1x100000xf32, #tpu.memory_space<hbm>> -> memref<100000xf32, #tpu.memory_space<hbm>>
      %dma_start3A_310 = arith.constant 0 : i32
      %dma_start3A_311 = tpu.memref_slice %arg4[%arg1, %dma_start3A_310] : memref<16x100000xf32, #tpu.memory_space<hbm>> -> memref<1x100000xf32, #tpu.memory_space<hbm>>
      %dma_start3A_312 = tpu.memref_squeeze %dma_start3A_311 : memref<1x100000xf32, #tpu.memory_space<hbm>> -> memref<100000xf32, #tpu.memory_space<hbm>>
      tpu.enqueue_dma source(%dma_start3A_312 : memref<100000xf32, #tpu.memory_space<hbm>>) target(%arg6 : memref<100000xf32, #tpu.memory_space<vmem>>) target_semaphore(%run_scoped3A : memref<!tpu.dma_semaphore, #tpu.memory_space<semaphore_mem>>)
      %dma_wait3A_313 = arith.constant 0 : i32
      %dma_wait3A_314 = tpu.memref_slice %arg4[%arg1, %dma_wait3A_313] : memref<16x100000xf32, #tpu.memory_space<hbm>> -> memref<1x100000xf32, #tpu.memory_space<hbm>>
      %dma_wait3A_315 = tpu.memref_squeeze %dma_wait3A_314 : memref<1x100000xf32, #tpu.memory_space<hbm>> -> memref<100000xf32, #tpu.memory_space<hbm>>
      %dma_wait3A_316 = arith.constant 0 : i32
      %dma_wait3A_317 = tpu.memref_slice %arg4[%arg1, %dma_wait3A_316] : memref<16x100000xf32, #tpu.memory_space<hbm>> -> memref<1x100000xf32, #tpu.memory_space<hbm>>
      %dma_wait3A_318 = tpu.memref_squeeze %dma_wait3A_317 : memref<1x100000xf32, #tpu.memory_space<hbm>> -> memref<100000xf32, #tpu.memory_space<hbm>>
      tpu.wait_dma2 semaphore(%run_scoped3A : memref<!tpu.dma_semaphore, #tpu.memory_space<semaphore_mem>>) src(%dma_wait3A_318 : memref<100000xf32, #tpu.memory_space<hbm>>) dst(%arg6 : memref<100000xf32, #tpu.memory_space<vmem>>)
      tpu.yield
    }) : () -> ()
    %add3A_30 = arith.constant 0 : i32
    %add3A_31 = arith.addi %mul3A_0, %add3A_30 : i32
    %jit3A_32 = arith.constant 8 : i32
    %div3A_33 = arith.divsi %add3A_31, %jit3A_32 : i32
    %sign3A_34 = arith.constant 0 : i32
    %sign3A_35 = arith.cmpi sgt, %add3A_31, %sign3A_34 : i32
    %sign3A_36 = arith.extui %sign3A_35 : i1 to i32
    %sign3A_37 = arith.constant 0 : i32
    %sign3A_38 = arith.cmpi slt, %add3A_31, %sign3A_37 : i32
    %sign3A_39 = arith.extui %sign3A_38 : i1 to i32
    %sign3A_40 = arith.subi %sign3A_36, %sign3A_39 : i32
    %sign3A_41 = arith.constant 0 : i32
    %sign3A_42 = arith.cmpi sgt, %jit3A_32, %sign3A_41 : i32
    %sign3A_43 = arith.extui %sign3A_42 : i1 to i32
    %sign3A_44 = arith.constant 0 : i32
    %sign3A_45 = arith.cmpi slt, %jit3A_32, %sign3A_44 : i32
    %sign3A_46 = arith.extui %sign3A_45 : i1 to i32
    %sign3A_47 = arith.subi %sign3A_43, %sign3A_46 : i32
    %ne3A_48 = arith.cmpi ne, %sign3A_40, %sign3A_47 : i32
    %rem3A_49 = arith.remsi %add3A_31, %jit3A_32 : i32
    %ne3A_50 = arith.constant 0 : i32
    %ne3A_51 = arith.cmpi ne, %rem3A_49, %ne3A_50 : i32
    %and3A_52 = arith.andi %ne3A_48, %ne3A_51 : i1
    %sub3A_53 = arith.constant 1 : i32
    %sub3A_54 = arith.subi %div3A_33, %sub3A_53 : i32
    %select_n3A_55 = arith.select %and3A_52, %sub3A_54, %div3A_33 : i32
    %jit3A_56 = arith.constant 8 : i32
    %eq3A_57 = arith.constant 0 : i32
    %eq3A_58 = arith.cmpi eq, %jit3A_56, %eq3A_57 : i32
    %jit3A_59 = arith.constant 1 : i32
    %select_n3A_60 = arith.select %eq3A_58, %jit3A_59, %jit3A_56 : i32
    %rem3A_61 = arith.remsi %add3A_31, %select_n3A_60 : i32
    %ne3A_62 = arith.constant 0 : i32
    %ne3A_63 = arith.cmpi ne, %rem3A_61, %ne3A_62 : i32
    %lt3A_64 = arith.constant 0 : i32
    %lt3A_65 = arith.cmpi slt, %rem3A_61, %lt3A_64 : i32
    %lt3A_66 = arith.constant 0 : i32
    %lt3A_67 = arith.cmpi slt, %select_n3A_60, %lt3A_66 : i32
    %ne3A_68 = arith.xori %lt3A_65, %lt3A_67 : i1
    %and3A_69 = arith.andi %ne3A_68, %ne3A_63 : i1
    %add3A_70 = arith.addi %rem3A_61, %select_n3A_60 : i32
    %select_n3A_71 = arith.select %and3A_69, %add3A_70, %rem3A_61 : i32
    %dma_start3A = arith.constant 0 : i32
    %dma_start3A_72 = arith.constant 0 : i32
    %dma_start3A_73 = arith.constant 0 : i32
    %dma_start3A_74 = tpu.memref_slice %arg7[%dma_start3A, %dma_start3A_72, %dma_start3A_73] : memref<4x16x128xi32, #tpu.memory_space<vmem>> -> memref<1x16x128xi32, #tpu.memory_space<vmem>>
    %dma_start3A_75 = tpu.memref_squeeze %dma_start3A_74 : memref<1x16x128xi32, #tpu.memory_space<vmem>> -> memref<16x128xi32, #tpu.memory_space<vmem>>
    %dma_start3A_76 = arith.constant 0 : i32
    %dma_start3A_77 = arith.constant 0 : i32
    %dma_start3A_78 = tpu.memref_slice %arg2[%select_n3A_55, %dma_start3A_76, %select_n3A_71, %dma_start3A_77] : memref<25x32x8x128xi32, #tpu.memory_space<hbm>> -> memref<1x16x1x128xi32, #tpu.memory_space<hbm>>
    %dma_start3A_79 = tpu.memref_squeeze %dma_start3A_78 : memref<1x16x1x128xi32, #tpu.memory_space<hbm>> -> memref<16x128xi32, #tpu.memory_space<hbm>>
    %dma_start3A_80 = arith.constant 0 : i32
    %dma_start3A_81 = arith.constant 0 : i32
    %dma_start3A_82 = tpu.memref_slice %arg7[%dma_start3A, %dma_start3A_80, %dma_start3A_81] : memref<4x16x128xi32, #tpu.memory_space<vmem>> -> memref<1x16x128xi32, #tpu.memory_space<vmem>>
    %dma_start3A_83 = tpu.memref_squeeze %dma_start3A_82 : memref<1x16x128xi32, #tpu.memory_space<vmem>> -> memref<16x128xi32, #tpu.memory_space<vmem>>
    %dma_start3A_84 = arith.constant 0 : i32
    %dma_start3A_85 = arith.constant 0 : i32
    %dma_start3A_86 = tpu.memref_slice %arg2[%select_n3A_55, %dma_start3A_84, %select_n3A_71, %dma_start3A_85] : memref<25x32x8x128xi32, #tpu.memory_space<hbm>> -> memref<1x16x1x128xi32, #tpu.memory_space<hbm>>
    %dma_start3A_87 = tpu.memref_squeeze %dma_start3A_86 : memref<1x16x1x128xi32, #tpu.memory_space<hbm>> -> memref<16x128xi32, #tpu.memory_space<hbm>>
    tpu.enqueue_dma source(%dma_start3A_87 : memref<16x128xi32, #tpu.memory_space<hbm>>) target(%dma_start3A_83 : memref<16x128xi32, #tpu.memory_space<vmem>>) target_semaphore(%arg10 : memref<!tpu.dma_semaphore, #tpu.memory_space<semaphore_mem>>)
    %add3A_88 = arith.constant 0 : i32
    %add3A_89 = arith.addi %mul3A_0, %add3A_88 : i32
    %jit3A_90 = arith.constant 8 : i32
    %div3A_91 = arith.divsi %add3A_89, %jit3A_90 : i32
    %sign3A_92 = arith.constant 0 : i32
    %sign3A_93 = arith.cmpi sgt, %add3A_89, %sign3A_92 : i32
    %sign3A_94 = arith.extui %sign3A_93 : i1 to i32
    %sign3A_95 = arith.constant 0 : i32
    %sign3A_96 = arith.cmpi slt, %add3A_89, %sign3A_95 : i32
    %sign3A_97 = arith.extui %sign3A_96 : i1 to i32
    %sign3A_98 = arith.subi %sign3A_94, %sign3A_97 : i32
    %sign3A_99 = arith.constant 0 : i32
    %sign3A_100 = arith.cmpi sgt, %jit3A_90, %sign3A_99 : i32
    %sign3A_101 = arith.extui %sign3A_100 : i1 to i32
    %sign3A_102 = arith.constant 0 : i32
    %sign3A_103 = arith.cmpi slt, %jit3A_90, %sign3A_102 : i32
    %sign3A_104 = arith.extui %sign3A_103 : i1 to i32
    %sign3A_105 = arith.subi %sign3A_101, %sign3A_104 : i32
    %ne3A_106 = arith.cmpi ne, %sign3A_98, %sign3A_105 : i32
    %rem3A_107 = arith.remsi %add3A_89, %jit3A_90 : i32
    %ne3A_108 = arith.constant 0 : i32
    %ne3A_109 = arith.cmpi ne, %rem3A_107, %ne3A_108 : i32
    %and3A_110 = arith.andi %ne3A_106, %ne3A_109 : i1
    %sub3A_111 = arith.constant 1 : i32
    %sub3A_112 = arith.subi %div3A_91, %sub3A_111 : i32
    %select_n3A_113 = arith.select %and3A_110, %sub3A_112, %div3A_91 : i32
    %jit3A_114 = arith.constant 8 : i32
    %eq3A_115 = arith.constant 0 : i32
    %eq3A_116 = arith.cmpi eq, %jit3A_114, %eq3A_115 : i32
    %jit3A_117 = arith.constant 1 : i32
    %select_n3A_118 = arith.select %eq3A_116, %jit3A_117, %jit3A_114 : i32
    %rem3A_119 = arith.remsi %add3A_89, %select_n3A_118 : i32
    %ne3A_120 = arith.constant 0 : i32
    %ne3A_121 = arith.cmpi ne, %rem3A_119, %ne3A_120 : i32
    %lt3A_122 = arith.constant 0 : i32
    %lt3A_123 = arith.cmpi slt, %rem3A_119, %lt3A_122 : i32
    %lt3A_124 = arith.constant 0 : i32
    %lt3A_125 = arith.cmpi slt, %select_n3A_118, %lt3A_124 : i32
    %ne3A_126 = arith.xori %lt3A_123, %lt3A_125 : i1
    %and3A_127 = arith.andi %ne3A_126, %ne3A_121 : i1
    %add3A_128 = arith.addi %rem3A_119, %select_n3A_118 : i32
    %select_n3A_129 = arith.select %and3A_127, %add3A_128, %rem3A_119 : i32
    %dma_start3A_130 = arith.constant 1 : i32
    %dma_start3A_131 = arith.constant 0 : i32
    %dma_start3A_132 = arith.constant 0 : i32
    %dma_start3A_133 = tpu.memref_slice %arg7[%dma_start3A_130, %dma_start3A_131, %dma_start3A_132] : memref<4x16x128xi32, #tpu.memory_space<vmem>> -> memref<1x16x128xi32, #tpu.memory_space<vmem>>
    %dma_start3A_134 = tpu.memref_squeeze %dma_start3A_133 : memref<1x16x128xi32, #tpu.memory_space<vmem>> -> memref<16x128xi32, #tpu.memory_space<vmem>>
    %dma_start3A_135 = arith.constant 16 : i32
    %dma_start3A_136 = arith.constant 0 : i32
    %dma_start3A_137 = tpu.memref_slice %arg2[%select_n3A_113, %dma_start3A_135, %select_n3A_129, %dma_start3A_136] : memref<25x32x8x128xi32, #tpu.memory_space<hbm>> -> memref<1x16x1x128xi32, #tpu.memory_space<hbm>>
    %dma_start3A_138 = tpu.memref_squeeze %dma_start3A_137 : memref<1x16x1x128xi32, #tpu.memory_space<hbm>> -> memref<16x128xi32, #tpu.memory_space<hbm>>
    %dma_start3A_139 = arith.constant 0 : i32
    %dma_start3A_140 = arith.constant 0 : i32
    %dma_start3A_141 = tpu.memref_slice %arg7[%dma_start3A_130, %dma_start3A_139, %dma_start3A_140] : memref<4x16x128xi32, #tpu.memory_space<vmem>> -> memref<1x16x128xi32, #tpu.memory_space<vmem>>
    %dma_start3A_142 = tpu.memref_squeeze %dma_start3A_141 : memref<1x16x128xi32, #tpu.memory_space<vmem>> -> memref<16x128xi32, #tpu.memory_space<vmem>>
    %dma_start3A_143 = arith.constant 16 : i32
    %dma_start3A_144 = arith.constant 0 : i32
    %dma_start3A_145 = tpu.memref_slice %arg2[%select_n3A_113, %dma_start3A_143, %select_n3A_129, %dma_start3A_144] : memref<25x32x8x128xi32, #tpu.memory_space<hbm>> -> memref<1x16x1x128xi32, #tpu.memory_space<hbm>>
    %dma_start3A_146 = tpu.memref_squeeze %dma_start3A_145 : memref<1x16x1x128xi32, #tpu.memory_space<hbm>> -> memref<16x128xi32, #tpu.memory_space<hbm>>
    tpu.enqueue_dma source(%dma_start3A_146 : memref<16x128xi32, #tpu.memory_space<hbm>>) target(%dma_start3A_142 : memref<16x128xi32, #tpu.memory_space<vmem>>) target_semaphore(%arg11 : memref<!tpu.dma_semaphore, #tpu.memory_space<semaphore_mem>>)
    %add3A_147 = arith.constant 1 : i32
    %add3A_148 = arith.addi %mul3A_0, %add3A_147 : i32
    %jit3A_149 = arith.constant 8 : i32
    %div3A_150 = arith.divsi %add3A_148, %jit3A_149 : i32
    %sign3A_151 = arith.constant 0 : i32
    %sign3A_152 = arith.cmpi sgt, %add3A_148, %sign3A_151 : i32
    %sign3A_153 = arith.extui %sign3A_152 : i1 to i32
    %sign3A_154 = arith.constant 0 : i32
    %sign3A_155 = arith.cmpi slt, %add3A_148, %sign3A_154 : i32
    %sign3A_156 = arith.extui %sign3A_155 : i1 to i32
    %sign3A_157 = arith.subi %sign3A_153, %sign3A_156 : i32
    %sign3A_158 = arith.constant 0 : i32
    %sign3A_159 = arith.cmpi sgt, %jit3A_149, %sign3A_158 : i32
    %sign3A_160 = arith.extui %sign3A_159 : i1 to i32
    %sign3A_161 = arith.constant 0 : i32
    %sign3A_162 = arith.cmpi slt, %jit3A_149, %sign3A_161 : i32
    %sign3A_163 = arith.extui %sign3A_162 : i1 to i32
    %sign3A_164 = arith.subi %sign3A_160, %sign3A_163 : i32
    %ne3A_165 = arith.cmpi ne, %sign3A_157, %sign3A_164 : i32
    %rem3A_166 = arith.remsi %add3A_148, %jit3A_149 : i32
    %ne3A_167 = arith.constant 0 : i32
    %ne3A_168 = arith.cmpi ne, %rem3A_166, %ne3A_167 : i32
    %and3A_169 = arith.andi %ne3A_165, %ne3A_168 : i1
    %sub3A_170 = arith.constant 1 : i32
    %sub3A_171 = arith.subi %div3A_150, %sub3A_170 : i32
    %select_n3A_172 = arith.select %and3A_169, %sub3A_171, %div3A_150 : i32
    %jit3A_173 = arith.constant 8 : i32
    %eq3A_174 = arith.constant 0 : i32
    %eq3A_175 = arith.cmpi eq, %jit3A_173, %eq3A_174 : i32
    %jit3A_176 = arith.constant 1 : i32
    %select_n3A_177 = arith.select %eq3A_175, %jit3A_176, %jit3A_173 : i32
    %rem3A_178 = arith.remsi %add3A_148, %select_n3A_177 : i32
    %ne3A_179 = arith.constant 0 : i32
    %ne3A_180 = arith.cmpi ne, %rem3A_178, %ne3A_179 : i32
    %lt3A_181 = arith.constant 0 : i32
    %lt3A_182 = arith.cmpi slt, %rem3A_178, %lt3A_181 : i32
    %lt3A_183 = arith.constant 0 : i32
    %lt3A_184 = arith.cmpi slt, %select_n3A_177, %lt3A_183 : i32
    %ne3A_185 = arith.xori %lt3A_182, %lt3A_184 : i1
    %and3A_186 = arith.andi %ne3A_185, %ne3A_180 : i1
    %add3A_187 = arith.addi %rem3A_178, %select_n3A_177 : i32
    %select_n3A_188 = arith.select %and3A_186, %add3A_187, %rem3A_178 : i32
    %dma_start3A_189 = arith.constant 2 : i32
    %dma_start3A_190 = arith.constant 0 : i32
    %dma_start3A_191 = arith.constant 0 : i32
    %dma_start3A_192 = tpu.memref_slice %arg7[%dma_start3A_189, %dma_start3A_190, %dma_start3A_191] : memref<4x16x128xi32, #tpu.memory_space<vmem>> -> memref<1x16x128xi32, #tpu.memory_space<vmem>>
    %dma_start3A_193 = tpu.memref_squeeze %dma_start3A_192 : memref<1x16x128xi32, #tpu.memory_space<vmem>> -> memref<16x128xi32, #tpu.memory_space<vmem>>
    %dma_start3A_194 = arith.constant 0 : i32
    %dma_start3A_195 = arith.constant 0 : i32
    %dma_start3A_196 = tpu.memref_slice %arg2[%select_n3A_172, %dma_start3A_194, %select_n3A_188, %dma_start3A_195] : memref<25x32x8x128xi32, #tpu.memory_space<hbm>> -> memref<1x16x1x128xi32, #tpu.memory_space<hbm>>
    %dma_start3A_197 = tpu.memref_squeeze %dma_start3A_196 : memref<1x16x1x128xi32, #tpu.memory_space<hbm>> -> memref<16x128xi32, #tpu.memory_space<hbm>>
    %dma_start3A_198 = arith.constant 0 : i32
    %dma_start3A_199 = arith.constant 0 : i32
    %dma_start3A_200 = tpu.memref_slice %arg7[%dma_start3A_189, %dma_start3A_198, %dma_start3A_199] : memref<4x16x128xi32, #tpu.memory_space<vmem>> -> memref<1x16x128xi32, #tpu.memory_space<vmem>>
    %dma_start3A_201 = tpu.memref_squeeze %dma_start3A_200 : memref<1x16x128xi32, #tpu.memory_space<vmem>> -> memref<16x128xi32, #tpu.memory_space<vmem>>
    %dma_start3A_202 = arith.constant 0 : i32
    %dma_start3A_203 = arith.constant 0 : i32
    %dma_start3A_204 = tpu.memref_slice %arg2[%select_n3A_172, %dma_start3A_202, %select_n3A_188, %dma_start3A_203] : memref<25x32x8x128xi32, #tpu.memory_space<hbm>> -> memref<1x16x1x128xi32, #tpu.memory_space<hbm>>
    %dma_start3A_205 = tpu.memref_squeeze %dma_start3A_204 : memref<1x16x1x128xi32, #tpu.memory_space<hbm>> -> memref<16x128xi32, #tpu.memory_space<hbm>>
    tpu.enqueue_dma source(%dma_start3A_205 : memref<16x128xi32, #tpu.memory_space<hbm>>) target(%dma_start3A_201 : memref<16x128xi32, #tpu.memory_space<vmem>>) target_semaphore(%arg12 : memref<!tpu.dma_semaphore, #tpu.memory_space<semaphore_mem>>)
    %add3A_206 = arith.constant 1 : i32
    %add3A_207 = arith.addi %mul3A_0, %add3A_206 : i32
    %jit3A_208 = arith.constant 8 : i32
    %div3A_209 = arith.divsi %add3A_207, %jit3A_208 : i32
    %sign3A_210 = arith.constant 0 : i32
    %sign3A_211 = arith.cmpi sgt, %add3A_207, %sign3A_210 : i32
    %sign3A_212 = arith.extui %sign3A_211 : i1 to i32
    %sign3A_213 = arith.constant 0 : i32
    %sign3A_214 = arith.cmpi slt, %add3A_207, %sign3A_213 : i32
    %sign3A_215 = arith.extui %sign3A_214 : i1 to i32
    %sign3A_216 = arith.subi %sign3A_212, %sign3A_215 : i32
    %sign3A_217 = arith.constant 0 : i32
    %sign3A_218 = arith.cmpi sgt, %jit3A_208, %sign3A_217 : i32
    %sign3A_219 = arith.extui %sign3A_218 : i1 to i32
    %sign3A_220 = arith.constant 0 : i32
    %sign3A_221 = arith.cmpi slt, %jit3A_208, %sign3A_220 : i32
    %sign3A_222 = arith.extui %sign3A_221 : i1 to i32
    %sign3A_223 = arith.subi %sign3A_219, %sign3A_222 : i32
    %ne3A_224 = arith.cmpi ne, %sign3A_216, %sign3A_223 : i32
    %rem3A_225 = arith.remsi %add3A_207, %jit3A_208 : i32
    %ne3A_226 = arith.constant 0 : i32
    %ne3A_227 = arith.cmpi ne, %rem3A_225, %ne3A_226 : i32
    %and3A_228 = arith.andi %ne3A_224, %ne3A_227 : i1
    %sub3A_229 = arith.constant 1 : i32
    %sub3A_230 = arith.subi %div3A_209, %sub3A_229 : i32
    %select_n3A_231 = arith.select %and3A_228, %sub3A_230, %div3A_209 : i32
    %jit3A_232 = arith.constant 8 : i32
    %eq3A_233 = arith.constant 0 : i32
    %eq3A_234 = arith.cmpi eq, %jit3A_232, %eq3A_233 : i32
    %jit3A_235 = arith.constant 1 : i32
    %select_n3A_236 = arith.select %eq3A_234, %jit3A_235, %jit3A_232 : i32
    %rem3A_237 = arith.remsi %add3A_207, %select_n3A_236 : i32
    %ne3A_238 = arith.constant 0 : i32
    %ne3A_239 = arith.cmpi ne, %rem3A_237, %ne3A_238 : i32
    %lt3A_240 = arith.constant 0 : i32
    %lt3A_241 = arith.cmpi slt, %rem3A_237, %lt3A_240 : i32
    %lt3A_242 = arith.constant 0 : i32
    %lt3A_243 = arith.cmpi slt, %select_n3A_236, %lt3A_242 : i32
    %ne3A_244 = arith.xori %lt3A_241, %lt3A_243 : i1
    %and3A_245 = arith.andi %ne3A_244, %ne3A_239 : i1
    %add3A_246 = arith.addi %rem3A_237, %select_n3A_236 : i32
    %select_n3A_247 = arith.select %and3A_245, %add3A_246, %rem3A_237 : i32
    %dma_start3A_248 = arith.constant 3 : i32
    %dma_start3A_249 = arith.constant 0 : i32
    %dma_start3A_250 = arith.constant 0 : i32
    %dma_start3A_251 = tpu.memref_slice %arg7[%dma_start3A_248, %dma_start3A_249, %dma_start3A_250] : memref<4x16x128xi32, #tpu.memory_space<vmem>> -> memref<1x16x128xi32, #tpu.memory_space<vmem>>
    %dma_start3A_252 = tpu.memref_squeeze %dma_start3A_251 : memref<1x16x128xi32, #tpu.memory_space<vmem>> -> memref<16x128xi32, #tpu.memory_space<vmem>>
    %dma_start3A_253 = arith.constant 16 : i32
    %dma_start3A_254 = arith.constant 0 : i32
    %dma_start3A_255 = tpu.memref_slice %arg2[%select_n3A_231, %dma_start3A_253, %select_n3A_247, %dma_start3A_254] : memref<25x32x8x128xi32, #tpu.memory_space<hbm>> -> memref<1x16x1x128xi32, #tpu.memory_space<hbm>>
    %dma_start3A_256 = tpu.memref_squeeze %dma_start3A_255 : memref<1x16x1x128xi32, #tpu.memory_space<hbm>> -> memref<16x128xi32, #tpu.memory_space<hbm>>
    %dma_start3A_257 = arith.constant 0 : i32
    %dma_start3A_258 = arith.constant 0 : i32
    %dma_start3A_259 = tpu.memref_slice %arg7[%dma_start3A_248, %dma_start3A_257, %dma_start3A_258] : memref<4x16x128xi32, #tpu.memory_space<vmem>> -> memref<1x16x128xi32, #tpu.memory_space<vmem>>
    %dma_start3A_260 = tpu.memref_squeeze %dma_start3A_259 : memref<1x16x128xi32, #tpu.memory_space<vmem>> -> memref<16x128xi32, #tpu.memory_space<vmem>>
    %dma_start3A_261 = arith.constant 16 : i32
    %dma_start3A_262 = arith.constant 0 : i32
    %dma_start3A_263 = tpu.memref_slice %arg2[%select_n3A_231, %dma_start3A_261, %select_n3A_247, %dma_start3A_262] : memref<25x32x8x128xi32, #tpu.memory_space<hbm>> -> memref<1x16x1x128xi32, #tpu.memory_space<hbm>>
    %dma_start3A_264 = tpu.memref_squeeze %dma_start3A_263 : memref<1x16x1x128xi32, #tpu.memory_space<hbm>> -> memref<16x128xi32, #tpu.memory_space<hbm>>
    tpu.enqueue_dma source(%dma_start3A_264 : memref<16x128xi32, #tpu.memory_space<hbm>>) target(%dma_start3A_260 : memref<16x128xi32, #tpu.memory_space<vmem>>) target_semaphore(%arg13 : memref<!tpu.dma_semaphore, #tpu.memory_space<semaphore_mem>>)
    %scan3A = arith.constant 0 : i32
    %scan3A_265 = arith.constant 0 : i32
    %scan3A_266 = arith.constant 50 : i32
    %scan3A_267 = arith.addi %scan3A_265, %scan3A_266 : i32
    %scan3A_268 = arith.constant 1 : i32
    scf.for %scan3A_307 = %scan3A_265 to %scan3A_267 step %scan3A_268  : i32 {
      %mul3A_308 = arith.constant 4 : i32
      %mul3A_309 = arith.muli %scan3A_307, %mul3A_308 : i32
      %add3A_310 = arith.constant 0 : i32
      %add3A_311 = arith.addi %mul3A_309, %add3A_310 : i32
      %jit3A_312 = arith.constant 2 : i32
      %div3A_313 = arith.divsi %add3A_311, %jit3A_312 : i32
      %sign3A_314 = arith.constant 0 : i32
      %sign3A_315 = arith.cmpi sgt, %add3A_311, %sign3A_314 : i32
      %sign3A_316 = arith.extui %sign3A_315 : i1 to i32
      %sign3A_317 = arith.constant 0 : i32
      %sign3A_318 = arith.cmpi slt, %add3A_311, %sign3A_317 : i32
      %sign3A_319 = arith.extui %sign3A_318 : i1 to i32
      %sign3A_320 = arith.subi %sign3A_316, %sign3A_319 : i32
      %sign3A_321 = arith.constant 0 : i32
      %sign3A_322 = arith.cmpi sgt, %jit3A_312, %sign3A_321 : i32
      %sign3A_323 = arith.extui %sign3A_322 : i1 to i32
      %sign3A_324 = arith.constant 0 : i32
      %sign3A_325 = arith.cmpi slt, %jit3A_312, %sign3A_324 : i32
      %sign3A_326 = arith.extui %sign3A_325 : i1 to i32
      %sign3A_327 = arith.subi %sign3A_323, %sign3A_326 : i32
      %ne3A_328 = arith.cmpi ne, %sign3A_320, %sign3A_327 : i32
      %rem3A_329 = arith.remsi %add3A_311, %jit3A_312 : i32
      %ne3A_330 = arith.constant 0 : i32
      %ne3A_331 = arith.cmpi ne, %rem3A_329, %ne3A_330 : i32
      %and3A_332 = arith.andi %ne3A_328, %ne3A_331 : i1
      %sub3A_333 = arith.constant 1 : i32
      %sub3A_334 = arith.subi %div3A_313, %sub3A_333 : i32
      %select_n3A_335 = arith.select %and3A_332, %sub3A_334, %div3A_313 : i32
      %add3A_336 = arith.addi %mul3A_0, %select_n3A_335 : i32
      %jit3A_337 = arith.constant 2 : i32
      %eq3A_338 = arith.constant 0 : i32
      %eq3A_339 = arith.cmpi eq, %jit3A_337, %eq3A_338 : i32
      %jit3A_340 = arith.constant 1 : i32
      %select_n3A_341 = arith.select %eq3A_339, %jit3A_340, %jit3A_337 : i32
      %rem3A_342 = arith.remsi %add3A_311, %select_n3A_341 : i32
      %ne3A_343 = arith.constant 0 : i32
      %ne3A_344 = arith.cmpi ne, %rem3A_342, %ne3A_343 : i32
      %lt3A_345 = arith.constant 0 : i32
      %lt3A_346 = arith.cmpi slt, %rem3A_342, %lt3A_345 : i32
      %lt3A_347 = arith.constant 0 : i32
      %lt3A_348 = arith.cmpi slt, %select_n3A_341, %lt3A_347 : i32
      %ne3A_349 = arith.xori %lt3A_346, %lt3A_348 : i1
      %and3A_350 = arith.andi %ne3A_349, %ne3A_344 : i1
      %add3A_351 = arith.addi %rem3A_342, %select_n3A_341 : i32
      %select_n3A_352 = arith.select %and3A_350, %add3A_351, %rem3A_342 : i32
      %mul3A_353 = arith.constant 2048 : i32
      %mul3A_354 = arith.muli %select_n3A_352, %mul3A_353 : i32
      %jit3A_355 = arith.constant 8 : i32
      %div3A_356 = arith.divsi %add3A_336, %jit3A_355 : i32
      %sign3A_357 = arith.constant 0 : i32
      %sign3A_358 = arith.cmpi sgt, %add3A_336, %sign3A_357 : i32
      %sign3A_359 = arith.extui %sign3A_358 : i1 to i32
      %sign3A_360 = arith.constant 0 : i32
      %sign3A_361 = arith.cmpi slt, %add3A_336, %sign3A_360 : i32
      %sign3A_362 = arith.extui %sign3A_361 : i1 to i32
      %sign3A_363 = arith.subi %sign3A_359, %sign3A_362 : i32
      %sign3A_364 = arith.constant 0 : i32
      %sign3A_365 = arith.cmpi sgt, %jit3A_355, %sign3A_364 : i32
      %sign3A_366 = arith.extui %sign3A_365 : i1 to i32
      %sign3A_367 = arith.constant 0 : i32
      %sign3A_368 = arith.cmpi slt, %jit3A_355, %sign3A_367 : i32
      %sign3A_369 = arith.extui %sign3A_368 : i1 to i32
      %sign3A_370 = arith.subi %sign3A_366, %sign3A_369 : i32
      %ne3A_371 = arith.cmpi ne, %sign3A_363, %sign3A_370 : i32
      %rem3A_372 = arith.remsi %add3A_336, %jit3A_355 : i32
      %ne3A_373 = arith.constant 0 : i32
      %ne3A_374 = arith.cmpi ne, %rem3A_372, %ne3A_373 : i32
      %and3A_375 = arith.andi %ne3A_371, %ne3A_374 : i1
      %sub3A_376 = arith.constant 1 : i32
      %sub3A_377 = arith.subi %div3A_356, %sub3A_376 : i32
      %select_n3A_378 = arith.select %and3A_375, %sub3A_377, %div3A_356 : i32
      %jit3A_379 = arith.constant 128 : i32
      %div3A_380 = arith.divsi %mul3A_354, %jit3A_379 : i32
      %sign3A_381 = arith.constant 0 : i32
      %sign3A_382 = arith.cmpi sgt, %mul3A_354, %sign3A_381 : i32
      %sign3A_383 = arith.extui %sign3A_382 : i1 to i32
      %sign3A_384 = arith.constant 0 : i32
      %sign3A_385 = arith.cmpi slt, %mul3A_354, %sign3A_384 : i32
      %sign3A_386 = arith.extui %sign3A_385 : i1 to i32
      %sign3A_387 = arith.subi %sign3A_383, %sign3A_386 : i32
      %sign3A_388 = arith.constant 0 : i32
      %sign3A_389 = arith.cmpi sgt, %jit3A_379, %sign3A_388 : i32
      %sign3A_390 = arith.extui %sign3A_389 : i1 to i32
      %sign3A_391 = arith.constant 0 : i32
      %sign3A_392 = arith.cmpi slt, %jit3A_379, %sign3A_391 : i32
      %sign3A_393 = arith.extui %sign3A_392 : i1 to i32
      %sign3A_394 = arith.subi %sign3A_390, %sign3A_393 : i32
      %ne3A_395 = arith.cmpi ne, %sign3A_387, %sign3A_394 : i32
      %rem3A_396 = arith.remsi %mul3A_354, %jit3A_379 : i32
      %ne3A_397 = arith.constant 0 : i32
      %ne3A_398 = arith.cmpi ne, %rem3A_396, %ne3A_397 : i32
      %and3A_399 = arith.andi %ne3A_395, %ne3A_398 : i1
      %sub3A_400 = arith.constant 1 : i32
      %sub3A_401 = arith.subi %div3A_380, %sub3A_400 : i32
      %select_n3A_402 = arith.select %and3A_399, %sub3A_401, %div3A_380 : i32
      %jit3A_403 = arith.constant 8 : i32
      %eq3A_404 = arith.constant 0 : i32
      %eq3A_405 = arith.cmpi eq, %jit3A_403, %eq3A_404 : i32
      %jit3A_406 = arith.constant 1 : i32
      %select_n3A_407 = arith.select %eq3A_405, %jit3A_406, %jit3A_403 : i32
      %rem3A_408 = arith.remsi %add3A_336, %select_n3A_407 : i32
      %ne3A_409 = arith.constant 0 : i32
      %ne3A_410 = arith.cmpi ne, %rem3A_408, %ne3A_409 : i32
      %lt3A_411 = arith.constant 0 : i32
      %lt3A_412 = arith.cmpi slt, %rem3A_408, %lt3A_411 : i32
      %lt3A_413 = arith.constant 0 : i32
      %lt3A_414 = arith.cmpi slt, %select_n3A_407, %lt3A_413 : i32
      %ne3A_415 = arith.xori %lt3A_412, %lt3A_414 : i1
      %and3A_416 = arith.andi %ne3A_415, %ne3A_410 : i1
      %add3A_417 = arith.addi %rem3A_408, %select_n3A_407 : i32
      %select_n3A_418 = arith.select %and3A_416, %add3A_417, %rem3A_408 : i32
      %dma_wait3A_419 = arith.constant 0 : i32
      %dma_wait3A_420 = arith.constant 0 : i32
      %dma_wait3A_421 = arith.constant 0 : i32
      %dma_wait3A_422 = tpu.memref_slice %arg7[%dma_wait3A_419, %dma_wait3A_420, %dma_wait3A_421] : memref<4x16x128xi32, #tpu.memory_space<vmem>> -> memref<1x16x128xi32, #tpu.memory_space<vmem>>
      %dma_wait3A_423 = tpu.memref_squeeze %dma_wait3A_422 : memref<1x16x128xi32, #tpu.memory_space<vmem>> -> memref<16x128xi32, #tpu.memory_space<vmem>>
      %dma_wait3A_424 = arith.constant 0 : i32
      %dma_wait3A_425 = tpu.memref_slice %arg2[%select_n3A_378, %select_n3A_402, %select_n3A_418, %dma_wait3A_424] : memref<25x32x8x128xi32, #tpu.memory_space<hbm>> -> memref<1x16x1x128xi32, #tpu.memory_space<hbm>>
      %dma_wait3A_426 = tpu.memref_squeeze %dma_wait3A_425 : memref<1x16x1x128xi32, #tpu.memory_space<hbm>> -> memref<16x128xi32, #tpu.memory_space<hbm>>
      %dma_wait3A_427 = arith.constant 0 : i32
      %dma_wait3A_428 = arith.constant 0 : i32
      %dma_wait3A_429 = tpu.memref_slice %arg7[%dma_wait3A_419, %dma_wait3A_427, %dma_wait3A_428] : memref<4x16x128xi32, #tpu.memory_space<vmem>> -> memref<1x16x128xi32, #tpu.memory_space<vmem>>
      %dma_wait3A_430 = tpu.memref_squeeze %dma_wait3A_429 : memref<1x16x128xi32, #tpu.memory_space<vmem>> -> memref<16x128xi32, #tpu.memory_space<vmem>>
      %dma_wait3A_431 = arith.constant 0 : i32
      %dma_wait3A_432 = tpu.memref_slice %arg2[%select_n3A_378, %select_n3A_402, %select_n3A_418, %dma_wait3A_431] : memref<25x32x8x128xi32, #tpu.memory_space<hbm>> -> memref<1x16x1x128xi32, #tpu.memory_space<hbm>>
      %dma_wait3A_433 = tpu.memref_squeeze %dma_wait3A_432 : memref<1x16x1x128xi32, #tpu.memory_space<hbm>> -> memref<16x128xi32, #tpu.memory_space<hbm>>
      tpu.wait_dma2 semaphore(%arg10 : memref<!tpu.dma_semaphore, #tpu.memory_space<semaphore_mem>>) src(%dma_wait3A_433 : memref<16x128xi32, #tpu.memory_space<hbm>>) dst(%dma_wait3A_430 : memref<16x128xi32, #tpu.memory_space<vmem>>)
      %ge3A = arith.constant 2 : i32
      %ge3A_434 = arith.cmpi sge, %add3A_311, %ge3A : i32
      %convert_element_type3A = arith.extui %ge3A_434 : i1 to i32
      %cond3A = arith.constant 0 : i32
      %cond3A_435 = arith.cmpi ne, %convert_element_type3A, %cond3A : i32
      scf.if %cond3A_435 {
        %sub3A_1381 = arith.constant 2 : i32
        %sub3A_1382 = arith.subi %add3A_311, %sub3A_1381 : i32
        %jit3A_1383 = arith.constant 2 : i32
        %div3A_1384 = arith.divsi %sub3A_1382, %jit3A_1383 : i32
        %sign3A_1385 = arith.constant 0 : i32
        %sign3A_1386 = arith.cmpi sgt, %sub3A_1382, %sign3A_1385 : i32
        %sign3A_1387 = arith.extui %sign3A_1386 : i1 to i32
        %sign3A_1388 = arith.constant 0 : i32
        %sign3A_1389 = arith.cmpi slt, %sub3A_1382, %sign3A_1388 : i32
        %sign3A_1390 = arith.extui %sign3A_1389 : i1 to i32
        %sign3A_1391 = arith.subi %sign3A_1387, %sign3A_1390 : i32
        %sign3A_1392 = arith.constant 0 : i32
        %sign3A_1393 = arith.cmpi sgt, %jit3A_1383, %sign3A_1392 : i32
        %sign3A_1394 = arith.extui %sign3A_1393 : i1 to i32
        %sign3A_1395 = arith.constant 0 : i32
        %sign3A_1396 = arith.cmpi slt, %jit3A_1383, %sign3A_1395 : i32
        %sign3A_1397 = arith.extui %sign3A_1396 : i1 to i32
        %sign3A_1398 = arith.subi %sign3A_1394, %sign3A_1397 : i32
        %ne3A_1399 = arith.cmpi ne, %sign3A_1391, %sign3A_1398 : i32
        %rem3A_1400 = arith.remsi %sub3A_1382, %jit3A_1383 : i32
        %ne3A_1401 = arith.constant 0 : i32
        %ne3A_1402 = arith.cmpi ne, %rem3A_1400, %ne3A_1401 : i32
        %and3A_1403 = arith.andi %ne3A_1399, %ne3A_1402 : i1
        %sub3A_1404 = arith.constant 1 : i32
        %sub3A_1405 = arith.subi %div3A_1384, %sub3A_1404 : i32
        %select_n3A_1406 = arith.select %and3A_1403, %sub3A_1405, %div3A_1384 : i32
        %add3A_1407 = arith.addi %mul3A_0, %select_n3A_1406 : i32
        %jit3A_1408 = arith.constant 2 : i32
        %eq3A_1409 = arith.constant 0 : i32
        %eq3A_1410 = arith.cmpi eq, %jit3A_1408, %eq3A_1409 : i32
        %jit3A_1411 = arith.constant 1 : i32
        %select_n3A_1412 = arith.select %eq3A_1410, %jit3A_1411, %jit3A_1408 : i32
        %rem3A_1413 = arith.remsi %sub3A_1382, %select_n3A_1412 : i32
        %ne3A_1414 = arith.constant 0 : i32
        %ne3A_1415 = arith.cmpi ne, %rem3A_1413, %ne3A_1414 : i32
        %lt3A_1416 = arith.constant 0 : i32
        %lt3A_1417 = arith.cmpi slt, %rem3A_1413, %lt3A_1416 : i32
        %lt3A_1418 = arith.constant 0 : i32
        %lt3A_1419 = arith.cmpi slt, %select_n3A_1412, %lt3A_1418 : i32
        %ne3A_1420 = arith.xori %lt3A_1417, %lt3A_1419 : i1
        %and3A_1421 = arith.andi %ne3A_1420, %ne3A_1415 : i1
        %add3A_1422 = arith.addi %rem3A_1413, %select_n3A_1412 : i32
        %select_n3A_1423 = arith.select %and3A_1421, %add3A_1422, %rem3A_1413 : i32
        %mul3A_1424 = arith.constant 2048 : i32
        %mul3A_1425 = arith.muli %select_n3A_1423, %mul3A_1424 : i32
        %jit3A_1426 = arith.constant 128 : i32
        %div3A_1427 = arith.divsi %mul3A_1425, %jit3A_1426 : i32
        %sign3A_1428 = arith.constant 0 : i32
        %sign3A_1429 = arith.cmpi sgt, %mul3A_1425, %sign3A_1428 : i32
        %sign3A_1430 = arith.extui %sign3A_1429 : i1 to i32
        %sign3A_1431 = arith.constant 0 : i32
        %sign3A_1432 = arith.cmpi slt, %mul3A_1425, %sign3A_1431 : i32
        %sign3A_1433 = arith.extui %sign3A_1432 : i1 to i32
        %sign3A_1434 = arith.subi %sign3A_1430, %sign3A_1433 : i32
        %sign3A_1435 = arith.constant 0 : i32
        %sign3A_1436 = arith.cmpi sgt, %jit3A_1426, %sign3A_1435 : i32
        %sign3A_1437 = arith.extui %sign3A_1436 : i1 to i32
        %sign3A_1438 = arith.constant 0 : i32
        %sign3A_1439 = arith.cmpi slt, %jit3A_1426, %sign3A_1438 : i32
        %sign3A_1440 = arith.extui %sign3A_1439 : i1 to i32
        %sign3A_1441 = arith.subi %sign3A_1437, %sign3A_1440 : i32
        %ne3A_1442 = arith.cmpi ne, %sign3A_1434, %sign3A_1441 : i32
        %rem3A_1443 = arith.remsi %mul3A_1425, %jit3A_1426 : i32
        %ne3A_1444 = arith.constant 0 : i32
        %ne3A_1445 = arith.cmpi ne, %rem3A_1443, %ne3A_1444 : i32
        %and3A_1446 = arith.andi %ne3A_1442, %ne3A_1445 : i1
        %sub3A_1447 = arith.constant 1 : i32
        %sub3A_1448 = arith.subi %div3A_1427, %sub3A_1447 : i32
        %select_n3A_1449 = arith.select %and3A_1446, %sub3A_1448, %div3A_1427 : i32
        %dma_wait3A_1450 = arith.constant 0 : i32
        %dma_wait3A_1451 = arith.constant 0 : i32
        %dma_wait3A_1452 = arith.constant 0 : i32
        %dma_wait3A_1453 = tpu.memref_slice %arg8[%dma_wait3A_1450, %dma_wait3A_1451, %dma_wait3A_1452] : memref<2x16x128xf32, #tpu.memory_space<vmem>> -> memref<1x16x128xf32, #tpu.memory_space<vmem>>
        %dma_wait3A_1454 = tpu.memref_squeeze %dma_wait3A_1453 : memref<1x16x128xf32, #tpu.memory_space<vmem>> -> memref<16x128xf32, #tpu.memory_space<vmem>>
        %dma_wait3A_1455 = arith.constant 0 : i32
        %dma_wait3A_1456 = tpu.memref_slice %arg5[%add3A_1407, %select_n3A, %select_n3A_1449, %select_n3A_29, %dma_wait3A_1455] : memref<200x2x32x8x128xf32, #tpu.memory_space<hbm>> -> memref<1x1x16x1x128xf32, #tpu.memory_space<hbm>>
        %dma_wait3A_1457 = tpu.memref_squeeze %dma_wait3A_1456 : memref<1x1x16x1x128xf32, #tpu.memory_space<hbm>> -> memref<16x128xf32, #tpu.memory_space<hbm>>
        %dma_wait3A_1458 = arith.constant 0 : i32
        %dma_wait3A_1459 = tpu.memref_slice %arg5[%add3A_1407, %select_n3A, %select_n3A_1449, %select_n3A_29, %dma_wait3A_1458] : memref<200x2x32x8x128xf32, #tpu.memory_space<hbm>> -> memref<1x1x16x1x128xf32, #tpu.memory_space<hbm>>
        %dma_wait3A_1460 = tpu.memref_squeeze %dma_wait3A_1459 : memref<1x1x16x1x128xf32, #tpu.memory_space<hbm>> -> memref<16x128xf32, #tpu.memory_space<hbm>>
        %dma_wait3A_1461 = arith.constant 0 : i32
        %dma_wait3A_1462 = arith.constant 0 : i32
        %dma_wait3A_1463 = tpu.memref_slice %arg8[%dma_wait3A_1450, %dma_wait3A_1461, %dma_wait3A_1462] : memref<2x16x128xf32, #tpu.memory_space<vmem>> -> memref<1x16x128xf32, #tpu.memory_space<vmem>>
        %dma_wait3A_1464 = tpu.memref_squeeze %dma_wait3A_1463 : memref<1x16x128xf32, #tpu.memory_space<vmem>> -> memref<16x128xf32, #tpu.memory_space<vmem>>
        tpu.wait_dma2 semaphore(%arg14 : memref<!tpu.dma_semaphore, #tpu.memory_space<semaphore_mem>>) src(%dma_wait3A_1464 : memref<16x128xf32, #tpu.memory_space<vmem>>) dst(%dma_wait3A_1460 : memref<16x128xf32, #tpu.memory_space<hbm>>)
      } else {
      }
      %jit3A_436 = arith.constant 2 : i32
      %div3A_437 = arith.divsi %add3A_311, %jit3A_436 : i32
      %sign3A_438 = arith.constant 0 : i32
      %sign3A_439 = arith.cmpi sgt, %add3A_311, %sign3A_438 : i32
      %sign3A_440 = arith.extui %sign3A_439 : i1 to i32
      %sign3A_441 = arith.constant 0 : i32
      %sign3A_442 = arith.cmpi slt, %add3A_311, %sign3A_441 : i32
      %sign3A_443 = arith.extui %sign3A_442 : i1 to i32
      %sign3A_444 = arith.subi %sign3A_440, %sign3A_443 : i32
      %sign3A_445 = arith.constant 0 : i32
      %sign3A_446 = arith.cmpi sgt, %jit3A_436, %sign3A_445 : i32
      %sign3A_447 = arith.extui %sign3A_446 : i1 to i32
      %sign3A_448 = arith.constant 0 : i32
      %sign3A_449 = arith.cmpi slt, %jit3A_436, %sign3A_448 : i32
      %sign3A_450 = arith.extui %sign3A_449 : i1 to i32
      %sign3A_451 = arith.subi %sign3A_447, %sign3A_450 : i32
      %ne3A_452 = arith.cmpi ne, %sign3A_444, %sign3A_451 : i32
      %rem3A_453 = arith.remsi %add3A_311, %jit3A_436 : i32
      %ne3A_454 = arith.constant 0 : i32
      %ne3A_455 = arith.cmpi ne, %rem3A_453, %ne3A_454 : i32
      %and3A_456 = arith.andi %ne3A_452, %ne3A_455 : i1
      %sub3A_457 = arith.constant 1 : i32
      %sub3A_458 = arith.subi %div3A_437, %sub3A_457 : i32
      %select_n3A_459 = arith.select %and3A_456, %sub3A_458, %div3A_437 : i32
      %add3A_460 = arith.addi %mul3A_0, %select_n3A_459 : i32
      %jit3A_461 = arith.constant 2 : i32
      %eq3A_462 = arith.constant 0 : i32
      %eq3A_463 = arith.cmpi eq, %jit3A_461, %eq3A_462 : i32
      %jit3A_464 = arith.constant 1 : i32
      %select_n3A_465 = arith.select %eq3A_463, %jit3A_464, %jit3A_461 : i32
      %rem3A_466 = arith.remsi %add3A_311, %select_n3A_465 : i32
      %ne3A_467 = arith.constant 0 : i32
      %ne3A_468 = arith.cmpi ne, %rem3A_466, %ne3A_467 : i32
      %lt3A_469 = arith.constant 0 : i32
      %lt3A_470 = arith.cmpi slt, %rem3A_466, %lt3A_469 : i32
      %lt3A_471 = arith.constant 0 : i32
      %lt3A_472 = arith.cmpi slt, %select_n3A_465, %lt3A_471 : i32
      %ne3A_473 = arith.xori %lt3A_470, %lt3A_472 : i1
      %and3A_474 = arith.andi %ne3A_473, %ne3A_468 : i1
      %add3A_475 = arith.addi %rem3A_466, %select_n3A_465 : i32
      %select_n3A_476 = arith.select %and3A_474, %add3A_475, %rem3A_466 : i32
      %mul3A_477 = arith.constant 2048 : i32
      %mul3A_478 = arith.muli %select_n3A_476, %mul3A_477 : i32
      %get3A = arith.index_cast %add3A_460 : i32 to index
      %get3A_479 = arith.constant 0 : index
      %get3A_480 = tpu.vector_load %arg9[%get3A, %get3A_479] {strides = array<i32>} : memref<200x16xf32, #tpu.memory_space<vmem>>, vector<16xf32>,
      %parallel_loop3A = arith.constant 0 : i32
      %parallel_loop3A_481 = arith.constant 128 : i32
      %parallel_loop3A_482 = arith.constant 1 : i32
      %parallel_loop3A_483 = arith.constant 0 : i32
      %parallel_loop3A_484 = arith.constant 0 : i32
      scf.for %parallel_loop3A_1381 = %parallel_loop3A to %parallel_loop3A_481 step %parallel_loop3A_482  : i32 {
        %parallel_loop3A_1382 = arith.constant 8 : i32
        %parallel_loop3A_1383 = arith.divsi %parallel_loop3A_1381, %parallel_loop3A_1382 : i32
        %parallel_loop3A_1384 = arith.constant 0 : i32
        %parallel_loop3A_1385 = arith.cmpi sgt, %parallel_loop3A_1381, %parallel_loop3A_1384 : i32
        %parallel_loop3A_1386 = arith.extui %parallel_loop3A_1385 : i1 to i32
        %parallel_loop3A_1387 = arith.constant 0 : i32
        %parallel_loop3A_1388 = arith.cmpi slt, %parallel_loop3A_1381, %parallel_loop3A_1387 : i32
        %parallel_loop3A_1389 = arith.extui %parallel_loop3A_1388 : i1 to i32
        %parallel_loop3A_1390 = arith.subi %parallel_loop3A_1386, %parallel_loop3A_1389 : i32
        %parallel_loop3A_1391 = arith.constant 0 : i32
        %parallel_loop3A_1392 = arith.cmpi sgt, %parallel_loop3A_1382, %parallel_loop3A_1391 : i32
        %parallel_loop3A_1393 = arith.extui %parallel_loop3A_1392 : i1 to i32
        %parallel_loop3A_1394 = arith.constant 0 : i32
        %parallel_loop3A_1395 = arith.cmpi slt, %parallel_loop3A_1382, %parallel_loop3A_1394 : i32
        %parallel_loop3A_1396 = arith.extui %parallel_loop3A_1395 : i1 to i32
        %parallel_loop3A_1397 = arith.subi %parallel_loop3A_1393, %parallel_loop3A_1396 : i32
        %parallel_loop3A_1398 = arith.cmpi ne, %parallel_loop3A_1390, %parallel_loop3A_1397 : i32
        %parallel_loop3A_1399 = arith.remsi %parallel_loop3A_1381, %parallel_loop3A_1382 : i32
        %parallel_loop3A_1400 = arith.constant 0 : i32
        %parallel_loop3A_1401 = arith.cmpi ne, %parallel_loop3A_1399, %parallel_loop3A_1400 : i32
        %parallel_loop3A_1402 = arith.andi %parallel_loop3A_1398, %parallel_loop3A_1401 : i1
        %parallel_loop3A_1403 = arith.constant 1 : i32
        %parallel_loop3A_1404 = arith.subi %parallel_loop3A_1383, %parallel_loop3A_1403 : i32
        %parallel_loop3A_1405 = arith.select %parallel_loop3A_1402, %parallel_loop3A_1404, %parallel_loop3A_1383 : i32
        %parallel_loop3A_1406 = arith.constant 8 : i32
        %parallel_loop3A_1407 = arith.constant 0 : i32
        %parallel_loop3A_1408 = arith.cmpi eq, %parallel_loop3A_1406, %parallel_loop3A_1407 : i32
        %parallel_loop3A_1409 = arith.constant 1 : i32
        %parallel_loop3A_1410 = arith.select %parallel_loop3A_1408, %parallel_loop3A_1409, %parallel_loop3A_1406 : i32
        %parallel_loop3A_1411 = arith.remsi %parallel_loop3A_1381, %parallel_loop3A_1410 : i32
        %parallel_loop3A_1412 = arith.constant 0 : i32
        %parallel_loop3A_1413 = arith.cmpi ne, %parallel_loop3A_1411, %parallel_loop3A_1412 : i32
        %parallel_loop3A_1414 = arith.constant 0 : i32
        %parallel_loop3A_1415 = arith.cmpi slt, %parallel_loop3A_1411, %parallel_loop3A_1414 : i32
        %parallel_loop3A_1416 = arith.constant 0 : i32
        %parallel_loop3A_1417 = arith.cmpi slt, %parallel_loop3A_1410, %parallel_loop3A_1416 : i32
        %parallel_loop3A_1418 = arith.xori %parallel_loop3A_1415, %parallel_loop3A_1417 : i1
        %parallel_loop3A_1419 = arith.andi %parallel_loop3A_1418, %parallel_loop3A_1413 : i1
        %parallel_loop3A_1420 = arith.addi %parallel_loop3A_1411, %parallel_loop3A_1410 : i32
        %parallel_loop3A_1421 = arith.select %parallel_loop3A_1419, %parallel_loop3A_1420, %parallel_loop3A_1411 : i32
        %parallel_loop3A_1422 = arith.constant 16 : i32
        %parallel_loop3A_1423 = arith.muli %parallel_loop3A_1421, %parallel_loop3A_1422 : i32
        %parallel_loop3A_1424 = arith.constant 0 : i32
        %parallel_loop3A_1425 = arith.constant 0 : i32
        %parallel_loop3A_1426 = tpu.memref_slice %arg7[%parallel_loop3A_483, %parallel_loop3A_1424, %parallel_loop3A_1425] : memref<4x16x128xi32, #tpu.memory_space<vmem>> -> memref<1x16x128xi32, #tpu.memory_space<vmem>>
        %parallel_loop3A_1427 = tpu.memref_squeeze %parallel_loop3A_1426 : memref<1x16x128xi32, #tpu.memory_space<vmem>> -> memref<16x128xi32, #tpu.memory_space<vmem>>
        %parallel_loop3A_1428 = arith.index_cast %parallel_loop3A_1405 : i32 to index
        %parallel_loop3A_1429 = arith.index_cast %parallel_loop3A_1423 : i32 to index
        %parallel_loop3A_1430 = tpu.vector_load %parallel_loop3A_1427[%parallel_loop3A_1428, %parallel_loop3A_1429] {strides = array<i32>} : memref<16x128xi32, #tpu.memory_space<vmem>>, vector<16xi32>,
        %parallel_loop3A_1431 = tpu.vector_load_idx %arg6[%parallel_loop3A_1430] : memref<100000xf32, #tpu.memory_space<vmem>>[vector<16xi32>], vector<16xf32>,
        %parallel_loop3A_1432 = arith.addf %parallel_loop3A_1431, %get3A_480 : vector<16xf32>
        %parallel_loop3A_1433 = arith.constant 8 : i32
        %parallel_loop3A_1434 = arith.divsi %parallel_loop3A_1381, %parallel_loop3A_1433 : i32
        %parallel_loop3A_1435 = arith.constant 0 : i32
        %parallel_loop3A_1436 = arith.cmpi sgt, %parallel_loop3A_1381, %parallel_loop3A_1435 : i32
        %parallel_loop3A_1437 = arith.extui %parallel_loop3A_1436 : i1 to i32
        %parallel_loop3A_1438 = arith.constant 0 : i32
        %parallel_loop3A_1439 = arith.cmpi slt, %parallel_loop3A_1381, %parallel_loop3A_1438 : i32
        %parallel_loop3A_1440 = arith.extui %parallel_loop3A_1439 : i1 to i32
        %parallel_loop3A_1441 = arith.subi %parallel_loop3A_1437, %parallel_loop3A_1440 : i32
        %parallel_loop3A_1442 = arith.constant 0 : i32
        %parallel_loop3A_1443 = arith.cmpi sgt, %parallel_loop3A_1433, %parallel_loop3A_1442 : i32
        %parallel_loop3A_1444 = arith.extui %parallel_loop3A_1443 : i1 to i32
        %parallel_loop3A_1445 = arith.constant 0 : i32
        %parallel_loop3A_1446 = arith.cmpi slt, %parallel_loop3A_1433, %parallel_loop3A_1445 : i32
        %parallel_loop3A_1447 = arith.extui %parallel_loop3A_1446 : i1 to i32
        %parallel_loop3A_1448 = arith.subi %parallel_loop3A_1444, %parallel_loop3A_1447 : i32
        %parallel_loop3A_1449 = arith.cmpi ne, %parallel_loop3A_1441, %parallel_loop3A_1448 : i32
        %parallel_loop3A_1450 = arith.remsi %parallel_loop3A_1381, %parallel_loop3A_1433 : i32
        %parallel_loop3A_1451 = arith.constant 0 : i32
        %parallel_loop3A_1452 = arith.cmpi ne, %parallel_loop3A_1450, %parallel_loop3A_1451 : i32
        %parallel_loop3A_1453 = arith.andi %parallel_loop3A_1449, %parallel_loop3A_1452 : i1
        %parallel_loop3A_1454 = arith.constant 1 : i32
        %parallel_loop3A_1455 = arith.subi %parallel_loop3A_1434, %parallel_loop3A_1454 : i32
        %parallel_loop3A_1456 = arith.select %parallel_loop3A_1453, %parallel_loop3A_1455, %parallel_loop3A_1434 : i32
        %parallel_loop3A_1457 = arith.constant 8 : i32
        %parallel_loop3A_1458 = arith.constant 0 : i32
        %parallel_loop3A_1459 = arith.cmpi eq, %parallel_loop3A_1457, %parallel_loop3A_1458 : i32
        %parallel_loop3A_1460 = arith.constant 1 : i32
        %parallel_loop3A_1461 = arith.select %parallel_loop3A_1459, %parallel_loop3A_1460, %parallel_loop3A_1457 : i32
        %parallel_loop3A_1462 = arith.remsi %parallel_loop3A_1381, %parallel_loop3A_1461 : i32
        %parallel_loop3A_1463 = arith.constant 0 : i32
        %parallel_loop3A_1464 = arith.cmpi ne, %parallel_loop3A_1462, %parallel_loop3A_1463 : i32
        %parallel_loop3A_1465 = arith.constant 0 : i32
        %parallel_loop3A_1466 = arith.cmpi slt, %parallel_loop3A_1462, %parallel_loop3A_1465 : i32
        %parallel_loop3A_1467 = arith.constant 0 : i32
        %parallel_loop3A_1468 = arith.cmpi slt, %parallel_loop3A_1461, %parallel_loop3A_1467 : i32
        %parallel_loop3A_1469 = arith.xori %parallel_loop3A_1466, %parallel_loop3A_1468 : i1
        %parallel_loop3A_1470 = arith.andi %parallel_loop3A_1469, %parallel_loop3A_1464 : i1
        %parallel_loop3A_1471 = arith.addi %parallel_loop3A_1462, %parallel_loop3A_1461 : i32
        %parallel_loop3A_1472 = arith.select %parallel_loop3A_1470, %parallel_loop3A_1471, %parallel_loop3A_1462 : i32
        %parallel_loop3A_1473 = arith.constant 16 : i32
        %parallel_loop3A_1474 = arith.muli %parallel_loop3A_1472, %parallel_loop3A_1473 : i32
        %parallel_loop3A_1475 = arith.constant 0 : i32
        %parallel_loop3A_1476 = arith.constant 0 : i32
        %parallel_loop3A_1477 = tpu.memref_slice %arg8[%parallel_loop3A_484, %parallel_loop3A_1475, %parallel_loop3A_1476] : memref<2x16x128xf32, #tpu.memory_space<vmem>> -> memref<1x16x128xf32, #tpu.memory_space<vmem>>
        %parallel_loop3A_1478 = tpu.memref_squeeze %parallel_loop3A_1477 : memref<1x16x128xf32, #tpu.memory_space<vmem>> -> memref<16x128xf32, #tpu.memory_space<vmem>>
        %parallel_loop3A_1479 = arith.index_cast %parallel_loop3A_1456 : i32 to index
        %parallel_loop3A_1480 = arith.index_cast %parallel_loop3A_1474 : i32 to index
        %parallel_loop3A_1481 = tpu.vector_load %parallel_loop3A_1478[%parallel_loop3A_1479, %parallel_loop3A_1480] {strides = array<i32>} : memref<16x128xf32, #tpu.memory_space<vmem>>, vector<16xf32>,
        tpu.vector_store %parallel_loop3A_1478[%parallel_loop3A_1479, %parallel_loop3A_1480], %parallel_loop3A_1432 {strides = array<i32>} : memref<16x128xf32, #tpu.memory_space<vmem>>, vector<16xf32>,
      } {sc.loop_unroll_factor = 8 : i64, sc.parallel_access}
      %jit3A_485 = arith.constant 2 : i32
      %div3A_486 = arith.divsi %add3A_311, %jit3A_485 : i32
      %sign3A_487 = arith.constant 0 : i32
      %sign3A_488 = arith.cmpi sgt, %add3A_311, %sign3A_487 : i32
      %sign3A_489 = arith.extui %sign3A_488 : i1 to i32
      %sign3A_490 = arith.constant 0 : i32
      %sign3A_491 = arith.cmpi slt, %add3A_311, %sign3A_490 : i32
      %sign3A_492 = arith.extui %sign3A_491 : i1 to i32
      %sign3A_493 = arith.subi %sign3A_489, %sign3A_492 : i32
      %sign3A_494 = arith.constant 0 : i32
      %sign3A_495 = arith.cmpi sgt, %jit3A_485, %sign3A_494 : i32
      %sign3A_496 = arith.extui %sign3A_495 : i1 to i32
      %sign3A_497 = arith.constant 0 : i32
      %sign3A_498 = arith.cmpi slt, %jit3A_485, %sign3A_497 : i32
      %sign3A_499 = arith.extui %sign3A_498 : i1 to i32
      %sign3A_500 = arith.subi %sign3A_496, %sign3A_499 : i32
      %ne3A_501 = arith.cmpi ne, %sign3A_493, %sign3A_500 : i32
      %rem3A_502 = arith.remsi %add3A_311, %jit3A_485 : i32
      %ne3A_503 = arith.constant 0 : i32
      %ne3A_504 = arith.cmpi ne, %rem3A_502, %ne3A_503 : i32
      %and3A_505 = arith.andi %ne3A_501, %ne3A_504 : i1
      %sub3A_506 = arith.constant 1 : i32
      %sub3A_507 = arith.subi %div3A_486, %sub3A_506 : i32
      %select_n3A_508 = arith.select %and3A_505, %sub3A_507, %div3A_486 : i32
      %add3A_509 = arith.addi %mul3A_0, %select_n3A_508 : i32
      %jit3A_510 = arith.constant 2 : i32
      %eq3A_511 = arith.constant 0 : i32
      %eq3A_512 = arith.cmpi eq, %jit3A_510, %eq3A_511 : i32
      %jit3A_513 = arith.constant 1 : i32
      %select_n3A_514 = arith.select %eq3A_512, %jit3A_513, %jit3A_510 : i32
      %rem3A_515 = arith.remsi %add3A_311, %select_n3A_514 : i32
      %ne3A_516 = arith.constant 0 : i32
      %ne3A_517 = arith.cmpi ne, %rem3A_515, %ne3A_516 : i32
      %lt3A_518 = arith.constant 0 : i32
      %lt3A_519 = arith.cmpi slt, %rem3A_515, %lt3A_518 : i32
      %lt3A_520 = arith.constant 0 : i32
      %lt3A_521 = arith.cmpi slt, %select_n3A_514, %lt3A_520 : i32
      %ne3A_522 = arith.xori %lt3A_519, %lt3A_521 : i1
      %and3A_523 = arith.andi %ne3A_522, %ne3A_517 : i1
      %add3A_524 = arith.addi %rem3A_515, %select_n3A_514 : i32
      %select_n3A_525 = arith.select %and3A_523, %add3A_524, %rem3A_515 : i32
      %mul3A_526 = arith.constant 2048 : i32
      %mul3A_527 = arith.muli %select_n3A_525, %mul3A_526 : i32
      %jit3A_528 = arith.constant 128 : i32
      %div3A_529 = arith.divsi %mul3A_527, %jit3A_528 : i32
      %sign3A_530 = arith.constant 0 : i32
      %sign3A_531 = arith.cmpi sgt, %mul3A_527, %sign3A_530 : i32
      %sign3A_532 = arith.extui %sign3A_531 : i1 to i32
      %sign3A_533 = arith.constant 0 : i32
      %sign3A_534 = arith.cmpi slt, %mul3A_527, %sign3A_533 : i32
      %sign3A_535 = arith.extui %sign3A_534 : i1 to i32
      %sign3A_536 = arith.subi %sign3A_532, %sign3A_535 : i32
      %sign3A_537 = arith.constant 0 : i32
      %sign3A_538 = arith.cmpi sgt, %jit3A_528, %sign3A_537 : i32
      %sign3A_539 = arith.extui %sign3A_538 : i1 to i32
      %sign3A_540 = arith.constant 0 : i32
      %sign3A_541 = arith.cmpi slt, %jit3A_528, %sign3A_540 : i32
      %sign3A_542 = arith.extui %sign3A_541 : i1 to i32
      %sign3A_543 = arith.subi %sign3A_539, %sign3A_542 : i32
      %ne3A_544 = arith.cmpi ne, %sign3A_536, %sign3A_543 : i32
      %rem3A_545 = arith.remsi %mul3A_527, %jit3A_528 : i32
      %ne3A_546 = arith.constant 0 : i32
      %ne3A_547 = arith.cmpi ne, %rem3A_545, %ne3A_546 : i32
      %and3A_548 = arith.andi %ne3A_544, %ne3A_547 : i1
      %sub3A_549 = arith.constant 1 : i32
      %sub3A_550 = arith.subi %div3A_529, %sub3A_549 : i32
      %select_n3A_551 = arith.select %and3A_548, %sub3A_550, %div3A_529 : i32
      %dma_start3A_552 = arith.constant 0 : i32
      %dma_start3A_553 = arith.constant 0 : i32
      %dma_start3A_554 = arith.constant 0 : i32
      %dma_start3A_555 = tpu.memref_slice %arg8[%dma_start3A_552, %dma_start3A_553, %dma_start3A_554] : memref<2x16x128xf32, #tpu.memory_space<vmem>> -> memref<1x16x128xf32, #tpu.memory_space<vmem>>
      %dma_start3A_556 = tpu.memref_squeeze %dma_start3A_555 : memref<1x16x128xf32, #tpu.memory_space<vmem>> -> memref<16x128xf32, #tpu.memory_space<vmem>>
      %dma_start3A_557 = arith.constant 0 : i32
      %dma_start3A_558 = tpu.memref_slice %arg5[%add3A_509, %select_n3A, %select_n3A_551, %select_n3A_29, %dma_start3A_557] : memref<200x2x32x8x128xf32, #tpu.memory_space<hbm>> -> memref<1x1x16x1x128xf32, #tpu.memory_space<hbm>>
      %dma_start3A_559 = tpu.memref_squeeze %dma_start3A_558 : memref<1x1x16x1x128xf32, #tpu.memory_space<hbm>> -> memref<16x128xf32, #tpu.memory_space<hbm>>
      %dma_start3A_560 = arith.constant 0 : i32
      %dma_start3A_561 = tpu.memref_slice %arg5[%add3A_509, %select_n3A, %select_n3A_551, %select_n3A_29, %dma_start3A_560] : memref<200x2x32x8x128xf32, #tpu.memory_space<hbm>> -> memref<1x1x16x1x128xf32, #tpu.memory_space<hbm>>
      %dma_start3A_562 = tpu.memref_squeeze %dma_start3A_561 : memref<1x1x16x1x128xf32, #tpu.memory_space<hbm>> -> memref<16x128xf32, #tpu.memory_space<hbm>>
      %dma_start3A_563 = arith.constant 0 : i32
      %dma_start3A_564 = arith.constant 0 : i32
      %dma_start3A_565 = tpu.memref_slice %arg8[%dma_start3A_552, %dma_start3A_563, %dma_start3A_564] : memref<2x16x128xf32, #tpu.memory_space<vmem>> -> memref<1x16x128xf32, #tpu.memory_space<vmem>>
      %dma_start3A_566 = tpu.memref_squeeze %dma_start3A_565 : memref<1x16x128xf32, #tpu.memory_space<vmem>> -> memref<16x128xf32, #tpu.memory_space<vmem>>
      tpu.enqueue_dma source(%dma_start3A_566 : memref<16x128xf32, #tpu.memory_space<vmem>>) target(%dma_start3A_562 : memref<16x128xf32, #tpu.memory_space<hbm>>) target_semaphore(%arg14 : memref<!tpu.dma_semaphore, #tpu.memory_space<semaphore_mem>>)
      %add3A_567 = arith.constant 4 : i32
      %add3A_568 = arith.addi %add3A_311, %add3A_567 : i32
      %lt3A_569 = arith.constant 200 : i32
      %lt3A_570 = arith.cmpi slt, %add3A_568, %lt3A_569 : i32
      %convert_element_type3A_571 = arith.extui %lt3A_570 : i1 to i32
      %cond3A_572 = arith.constant 0 : i32
      %cond3A_573 = arith.cmpi ne, %convert_element_type3A_571, %cond3A_572 : i32
      scf.if %cond3A_573 {
        %add3A_1381 = arith.constant 4 : i32
        %add3A_1382 = arith.addi %add3A_311, %add3A_1381 : i32
        %jit3A_1383 = arith.constant 2 : i32
        %div3A_1384 = arith.divsi %add3A_1382, %jit3A_1383 : i32
        %sign3A_1385 = arith.constant 0 : i32
        %sign3A_1386 = arith.cmpi sgt, %add3A_1382, %sign3A_1385 : i32
        %sign3A_1387 = arith.extui %sign3A_1386 : i1 to i32
        %sign3A_1388 = arith.constant 0 : i32
        %sign3A_1389 = arith.cmpi slt, %add3A_1382, %sign3A_1388 : i32
        %sign3A_1390 = arith.extui %sign3A_1389 : i1 to i32
        %sign3A_1391 = arith.subi %sign3A_1387, %sign3A_1390 : i32
        %sign3A_1392 = arith.constant 0 : i32
        %sign3A_1393 = arith.cmpi sgt, %jit3A_1383, %sign3A_1392 : i32
        %sign3A_1394 = arith.extui %sign3A_1393 : i1 to i32
        %sign3A_1395 = arith.constant 0 : i32
        %sign3A_1396 = arith.cmpi slt, %jit3A_1383, %sign3A_1395 : i32
        %sign3A_1397 = arith.extui %sign3A_1396 : i1 to i32
        %sign3A_1398 = arith.subi %sign3A_1394, %sign3A_1397 : i32
        %ne3A_1399 = arith.cmpi ne, %sign3A_1391, %sign3A_1398 : i32
        %rem3A_1400 = arith.remsi %add3A_1382, %jit3A_1383 : i32
        %ne3A_1401 = arith.constant 0 : i32
        %ne3A_1402 = arith.cmpi ne, %rem3A_1400, %ne3A_1401 : i32
        %and3A_1403 = arith.andi %ne3A_1399, %ne3A_1402 : i1
        %sub3A_1404 = arith.constant 1 : i32
        %sub3A_1405 = arith.subi %div3A_1384, %sub3A_1404 : i32
        %select_n3A_1406 = arith.select %and3A_1403, %sub3A_1405, %div3A_1384 : i32
        %add3A_1407 = arith.addi %mul3A_0, %select_n3A_1406 : i32
        %jit3A_1408 = arith.constant 2 : i32
        %eq3A_1409 = arith.constant 0 : i32
        %eq3A_1410 = arith.cmpi eq, %jit3A_1408, %eq3A_1409 : i32
        %jit3A_1411 = arith.constant 1 : i32
        %select_n3A_1412 = arith.select %eq3A_1410, %jit3A_1411, %jit3A_1408 : i32
        %rem3A_1413 = arith.remsi %add3A_1382, %select_n3A_1412 : i32
        %ne3A_1414 = arith.constant 0 : i32
        %ne3A_1415 = arith.cmpi ne, %rem3A_1413, %ne3A_1414 : i32
        %lt3A_1416 = arith.constant 0 : i32
        %lt3A_1417 = arith.cmpi slt, %rem3A_1413, %lt3A_1416 : i32
        %lt3A_1418 = arith.constant 0 : i32
        %lt3A_1419 = arith.cmpi slt, %select_n3A_1412, %lt3A_1418 : i32
        %ne3A_1420 = arith.xori %lt3A_1417, %lt3A_1419 : i1
        %and3A_1421 = arith.andi %ne3A_1420, %ne3A_1415 : i1
        %add3A_1422 = arith.addi %rem3A_1413, %select_n3A_1412 : i32
        %select_n3A_1423 = arith.select %and3A_1421, %add3A_1422, %rem3A_1413 : i32
        %mul3A_1424 = arith.constant 2048 : i32
        %mul3A_1425 = arith.muli %select_n3A_1423, %mul3A_1424 : i32
        %jit3A_1426 = arith.constant 8 : i32
        %div3A_1427 = arith.divsi %add3A_1407, %jit3A_1426 : i32
        %sign3A_1428 = arith.constant 0 : i32
        %sign3A_1429 = arith.cmpi sgt, %add3A_1407, %sign3A_1428 : i32
        %sign3A_1430 = arith.extui %sign3A_1429 : i1 to i32
        %sign3A_1431 = arith.constant 0 : i32
        %sign3A_1432 = arith.cmpi slt, %add3A_1407, %sign3A_1431 : i32
        %sign3A_1433 = arith.extui %sign3A_1432 : i1 to i32
        %sign3A_1434 = arith.subi %sign3A_1430, %sign3A_1433 : i32
        %sign3A_1435 = arith.constant 0 : i32
        %sign3A_1436 = arith.cmpi sgt, %jit3A_1426, %sign3A_1435 : i32
        %sign3A_1437 = arith.extui %sign3A_1436 : i1 to i32
        %sign3A_1438 = arith.constant 0 : i32
        %sign3A_1439 = arith.cmpi slt, %jit3A_1426, %sign3A_1438 : i32
        %sign3A_1440 = arith.extui %sign3A_1439 : i1 to i32
        %sign3A_1441 = arith.subi %sign3A_1437, %sign3A_1440 : i32
        %ne3A_1442 = arith.cmpi ne, %sign3A_1434, %sign3A_1441 : i32
        %rem3A_1443 = arith.remsi %add3A_1407, %jit3A_1426 : i32
        %ne3A_1444 = arith.constant 0 : i32
        %ne3A_1445 = arith.cmpi ne, %rem3A_1443, %ne3A_1444 : i32
        %and3A_1446 = arith.andi %ne3A_1442, %ne3A_1445 : i1
        %sub3A_1447 = arith.constant 1 : i32
        %sub3A_1448 = arith.subi %div3A_1427, %sub3A_1447 : i32
        %select_n3A_1449 = arith.select %and3A_1446, %sub3A_1448, %div3A_1427 : i32
        %jit3A_1450 = arith.constant 128 : i32
        %div3A_1451 = arith.divsi %mul3A_1425, %jit3A_1450 : i32
        %sign3A_1452 = arith.constant 0 : i32
        %sign3A_1453 = arith.cmpi sgt, %mul3A_1425, %sign3A_1452 : i32
        %sign3A_1454 = arith.extui %sign3A_1453 : i1 to i32
        %sign3A_1455 = arith.constant 0 : i32
        %sign3A_1456 = arith.cmpi slt, %mul3A_1425, %sign3A_1455 : i32
        %sign3A_1457 = arith.extui %sign3A_1456 : i1 to i32
        %sign3A_1458 = arith.subi %sign3A_1454, %sign3A_1457 : i32
        %sign3A_1459 = arith.constant 0 : i32
        %sign3A_1460 = arith.cmpi sgt, %jit3A_1450, %sign3A_1459 : i32
        %sign3A_1461 = arith.extui %sign3A_1460 : i1 to i32
        %sign3A_1462 = arith.constant 0 : i32
        %sign3A_1463 = arith.cmpi slt, %jit3A_1450, %sign3A_1462 : i32
        %sign3A_1464 = arith.extui %sign3A_1463 : i1 to i32
        %sign3A_1465 = arith.subi %sign3A_1461, %sign3A_1464 : i32
        %ne3A_1466 = arith.cmpi ne, %sign3A_1458, %sign3A_1465 : i32
        %rem3A_1467 = arith.remsi %mul3A_1425, %jit3A_1450 : i32
        %ne3A_1468 = arith.constant 0 : i32
        %ne3A_1469 = arith.cmpi ne, %rem3A_1467, %ne3A_1468 : i32
        %and3A_1470 = arith.andi %ne3A_1466, %ne3A_1469 : i1
        %sub3A_1471 = arith.constant 1 : i32
        %sub3A_1472 = arith.subi %div3A_1451, %sub3A_1471 : i32
        %select_n3A_1473 = arith.select %and3A_1470, %sub3A_1472, %div3A_1451 : i32
        %jit3A_1474 = arith.constant 8 : i32
        %eq3A_1475 = arith.constant 0 : i32
        %eq3A_1476 = arith.cmpi eq, %jit3A_1474, %eq3A_1475 : i32
        %jit3A_1477 = arith.constant 1 : i32
        %select_n3A_1478 = arith.select %eq3A_1476, %jit3A_1477, %jit3A_1474 : i32
        %rem3A_1479 = arith.remsi %add3A_1407, %select_n3A_1478 : i32
        %ne3A_1480 = arith.constant 0 : i32
        %ne3A_1481 = arith.cmpi ne, %rem3A_1479, %ne3A_1480 : i32
        %lt3A_1482 = arith.constant 0 : i32
        %lt3A_1483 = arith.cmpi slt, %rem3A_1479, %lt3A_1482 : i32
        %lt3A_1484 = arith.constant 0 : i32
        %lt3A_1485 = arith.cmpi slt, %select_n3A_1478, %lt3A_1484 : i32
        %ne3A_1486 = arith.xori %lt3A_1483, %lt3A_1485 : i1
        %and3A_1487 = arith.andi %ne3A_1486, %ne3A_1481 : i1
        %add3A_1488 = arith.addi %rem3A_1479, %select_n3A_1478 : i32
        %select_n3A_1489 = arith.select %and3A_1487, %add3A_1488, %rem3A_1479 : i32
        %dma_start3A_1490 = arith.constant 0 : i32
        %dma_start3A_1491 = arith.constant 0 : i32
        %dma_start3A_1492 = arith.constant 0 : i32
        %dma_start3A_1493 = tpu.memref_slice %arg7[%dma_start3A_1490, %dma_start3A_1491, %dma_start3A_1492] : memref<4x16x128xi32, #tpu.memory_space<vmem>> -> memref<1x16x128xi32, #tpu.memory_space<vmem>>
        %dma_start3A_1494 = tpu.memref_squeeze %dma_start3A_1493 : memref<1x16x128xi32, #tpu.memory_space<vmem>> -> memref<16x128xi32, #tpu.memory_space<vmem>>
        %dma_start3A_1495 = arith.constant 0 : i32
        %dma_start3A_1496 = tpu.memref_slice %arg2[%select_n3A_1449, %select_n3A_1473, %select_n3A_1489, %dma_start3A_1495] : memref<25x32x8x128xi32, #tpu.memory_space<hbm>> -> memref<1x16x1x128xi32, #tpu.memory_space<hbm>>
        %dma_start3A_1497 = tpu.memref_squeeze %dma_start3A_1496 : memref<1x16x1x128xi32, #tpu.memory_space<hbm>> -> memref<16x128xi32, #tpu.memory_space<hbm>>
        %dma_start3A_1498 = arith.constant 0 : i32
        %dma_start3A_1499 = arith.constant 0 : i32
        %dma_start3A_1500 = tpu.memref_slice %arg7[%dma_start3A_1490, %dma_start3A_1498, %dma_start3A_1499] : memref<4x16x128xi32, #tpu.memory_space<vmem>> -> memref<1x16x128xi32, #tpu.memory_space<vmem>>
        %dma_start3A_1501 = tpu.memref_squeeze %dma_start3A_1500 : memref<1x16x128xi32, #tpu.memory_space<vmem>> -> memref<16x128xi32, #tpu.memory_space<vmem>>
        %dma_start3A_1502 = arith.constant 0 : i32
        %dma_start3A_1503 = tpu.memref_slice %arg2[%select_n3A_1449, %select_n3A_1473, %select_n3A_1489, %dma_start3A_1502] : memref<25x32x8x128xi32, #tpu.memory_space<hbm>> -> memref<1x16x1x128xi32, #tpu.memory_space<hbm>>
        %dma_start3A_1504 = tpu.memref_squeeze %dma_start3A_1503 : memref<1x16x1x128xi32, #tpu.memory_space<hbm>> -> memref<16x128xi32, #tpu.memory_space<hbm>>
        tpu.enqueue_dma source(%dma_start3A_1504 : memref<16x128xi32, #tpu.memory_space<hbm>>) target(%dma_start3A_1501 : memref<16x128xi32, #tpu.memory_space<vmem>>) target_semaphore(%arg10 : memref<!tpu.dma_semaphore, #tpu.memory_space<semaphore_mem>>)
      } else {
      }
      %add3A_574 = arith.constant 1 : i32
      %add3A_575 = arith.addi %mul3A_309, %add3A_574 : i32
      %jit3A_576 = arith.constant 2 : i32
      %div3A_577 = arith.divsi %add3A_575, %jit3A_576 : i32
      %sign3A_578 = arith.constant 0 : i32
      %sign3A_579 = arith.cmpi sgt, %add3A_575, %sign3A_578 : i32
      %sign3A_580 = arith.extui %sign3A_579 : i1 to i32
      %sign3A_581 = arith.constant 0 : i32
      %sign3A_582 = arith.cmpi slt, %add3A_575, %sign3A_581 : i32
      %sign3A_583 = arith.extui %sign3A_582 : i1 to i32
      %sign3A_584 = arith.subi %sign3A_580, %sign3A_583 : i32
      %sign3A_585 = arith.constant 0 : i32
      %sign3A_586 = arith.cmpi sgt, %jit3A_576, %sign3A_585 : i32
      %sign3A_587 = arith.extui %sign3A_586 : i1 to i32
      %sign3A_588 = arith.constant 0 : i32
      %sign3A_589 = arith.cmpi slt, %jit3A_576, %sign3A_588 : i32
      %sign3A_590 = arith.extui %sign3A_589 : i1 to i32
      %sign3A_591 = arith.subi %sign3A_587, %sign3A_590 : i32
      %ne3A_592 = arith.cmpi ne, %sign3A_584, %sign3A_591 : i32
      %rem3A_593 = arith.remsi %add3A_575, %jit3A_576 : i32
      %ne3A_594 = arith.constant 0 : i32
      %ne3A_595 = arith.cmpi ne, %rem3A_593, %ne3A_594 : i32
      %and3A_596 = arith.andi %ne3A_592, %ne3A_595 : i1
      %sub3A_597 = arith.constant 1 : i32
      %sub3A_598 = arith.subi %div3A_577, %sub3A_597 : i32
      %select_n3A_599 = arith.select %and3A_596, %sub3A_598, %div3A_577 : i32
      %add3A_600 = arith.addi %mul3A_0, %select_n3A_599 : i32
      %jit3A_601 = arith.constant 2 : i32
      %eq3A_602 = arith.constant 0 : i32
      %eq3A_603 = arith.cmpi eq, %jit3A_601, %eq3A_602 : i32
      %jit3A_604 = arith.constant 1 : i32
      %select_n3A_605 = arith.select %eq3A_603, %jit3A_604, %jit3A_601 : i32
      %rem3A_606 = arith.remsi %add3A_575, %select_n3A_605 : i32
      %ne3A_607 = arith.constant 0 : i32
      %ne3A_608 = arith.cmpi ne, %rem3A_606, %ne3A_607 : i32
      %lt3A_609 = arith.constant 0 : i32
      %lt3A_610 = arith.cmpi slt, %rem3A_606, %lt3A_609 : i32
      %lt3A_611 = arith.constant 0 : i32
      %lt3A_612 = arith.cmpi slt, %select_n3A_605, %lt3A_611 : i32
      %ne3A_613 = arith.xori %lt3A_610, %lt3A_612 : i1
      %and3A_614 = arith.andi %ne3A_613, %ne3A_608 : i1
      %add3A_615 = arith.addi %rem3A_606, %select_n3A_605 : i32
      %select_n3A_616 = arith.select %and3A_614, %add3A_615, %rem3A_606 : i32
      %mul3A_617 = arith.constant 2048 : i32
      %mul3A_618 = arith.muli %select_n3A_616, %mul3A_617 : i32
      %jit3A_619 = arith.constant 8 : i32
      %div3A_620 = arith.divsi %add3A_600, %jit3A_619 : i32
      %sign3A_621 = arith.constant 0 : i32
      %sign3A_622 = arith.cmpi sgt, %add3A_600, %sign3A_621 : i32
      %sign3A_623 = arith.extui %sign3A_622 : i1 to i32
      %sign3A_624 = arith.constant 0 : i32
      %sign3A_625 = arith.cmpi slt, %add3A_600, %sign3A_624 : i32
      %sign3A_626 = arith.extui %sign3A_625 : i1 to i32
      %sign3A_627 = arith.subi %sign3A_623, %sign3A_626 : i32
      %sign3A_628 = arith.constant 0 : i32
      %sign3A_629 = arith.cmpi sgt, %jit3A_619, %sign3A_628 : i32
      %sign3A_630 = arith.extui %sign3A_629 : i1 to i32
      %sign3A_631 = arith.constant 0 : i32
      %sign3A_632 = arith.cmpi slt, %jit3A_619, %sign3A_631 : i32
      %sign3A_633 = arith.extui %sign3A_632 : i1 to i32
      %sign3A_634 = arith.subi %sign3A_630, %sign3A_633 : i32
      %ne3A_635 = arith.cmpi ne, %sign3A_627, %sign3A_634 : i32
      %rem3A_636 = arith.remsi %add3A_600, %jit3A_619 : i32
      %ne3A_637 = arith.constant 0 : i32
      %ne3A_638 = arith.cmpi ne, %rem3A_636, %ne3A_637 : i32
      %and3A_639 = arith.andi %ne3A_635, %ne3A_638 : i1
      %sub3A_640 = arith.constant 1 : i32
      %sub3A_641 = arith.subi %div3A_620, %sub3A_640 : i32
      %select_n3A_642 = arith.select %and3A_639, %sub3A_641, %div3A_620 : i32
      %jit3A_643 = arith.constant 128 : i32
      %div3A_644 = arith.divsi %mul3A_618, %jit3A_643 : i32
      %sign3A_645 = arith.constant 0 : i32
      %sign3A_646 = arith.cmpi sgt, %mul3A_618, %sign3A_645 : i32
      %sign3A_647 = arith.extui %sign3A_646 : i1 to i32
      %sign3A_648 = arith.constant 0 : i32
      %sign3A_649 = arith.cmpi slt, %mul3A_618, %sign3A_648 : i32
      %sign3A_650 = arith.extui %sign3A_649 : i1 to i32
      %sign3A_651 = arith.subi %sign3A_647, %sign3A_650 : i32
      %sign3A_652 = arith.constant 0 : i32
      %sign3A_653 = arith.cmpi sgt, %jit3A_643, %sign3A_652 : i32
      %sign3A_654 = arith.extui %sign3A_653 : i1 to i32
      %sign3A_655 = arith.constant 0 : i32
      %sign3A_656 = arith.cmpi slt, %jit3A_643, %sign3A_655 : i32
      %sign3A_657 = arith.extui %sign3A_656 : i1 to i32
      %sign3A_658 = arith.subi %sign3A_654, %sign3A_657 : i32
      %ne3A_659 = arith.cmpi ne, %sign3A_651, %sign3A_658 : i32
      %rem3A_660 = arith.remsi %mul3A_618, %jit3A_643 : i32
      %ne3A_661 = arith.constant 0 : i32
      %ne3A_662 = arith.cmpi ne, %rem3A_660, %ne3A_661 : i32
      %and3A_663 = arith.andi %ne3A_659, %ne3A_662 : i1
      %sub3A_664 = arith.constant 1 : i32
      %sub3A_665 = arith.subi %div3A_644, %sub3A_664 : i32
      %select_n3A_666 = arith.select %and3A_663, %sub3A_665, %div3A_644 : i32
      %jit3A_667 = arith.constant 8 : i32
      %eq3A_668 = arith.constant 0 : i32
      %eq3A_669 = arith.cmpi eq, %jit3A_667, %eq3A_668 : i32
      %jit3A_670 = arith.constant 1 : i32
      %select_n3A_671 = arith.select %eq3A_669, %jit3A_670, %jit3A_667 : i32
      %rem3A_672 = arith.remsi %add3A_600, %select_n3A_671 : i32
      %ne3A_673 = arith.constant 0 : i32
      %ne3A_674 = arith.cmpi ne, %rem3A_672, %ne3A_673 : i32
      %lt3A_675 = arith.constant 0 : i32
      %lt3A_676 = arith.cmpi slt, %rem3A_672, %lt3A_675 : i32
      %lt3A_677 = arith.constant 0 : i32
      %lt3A_678 = arith.cmpi slt, %select_n3A_671, %lt3A_677 : i32
      %ne3A_679 = arith.xori %lt3A_676, %lt3A_678 : i1
      %and3A_680 = arith.andi %ne3A_679, %ne3A_674 : i1
      %add3A_681 = arith.addi %rem3A_672, %select_n3A_671 : i32
      %select_n3A_682 = arith.select %and3A_680, %add3A_681, %rem3A_672 : i32
      %dma_wait3A_683 = arith.constant 1 : i32
      %dma_wait3A_684 = arith.constant 0 : i32
      %dma_wait3A_685 = arith.constant 0 : i32
      %dma_wait3A_686 = tpu.memref_slice %arg7[%dma_wait3A_683, %dma_wait3A_684, %dma_wait3A_685] : memref<4x16x128xi32, #tpu.memory_space<vmem>> -> memref<1x16x128xi32, #tpu.memory_space<vmem>>
      %dma_wait3A_687 = tpu.memref_squeeze %dma_wait3A_686 : memref<1x16x128xi32, #tpu.memory_space<vmem>> -> memref<16x128xi32, #tpu.memory_space<vmem>>
      %dma_wait3A_688 = arith.constant 0 : i32
      %dma_wait3A_689 = tpu.memref_slice %arg2[%select_n3A_642, %select_n3A_666, %select_n3A_682, %dma_wait3A_688] : memref<25x32x8x128xi32, #tpu.memory_space<hbm>> -> memref<1x16x1x128xi32, #tpu.memory_space<hbm>>
      %dma_wait3A_690 = tpu.memref_squeeze %dma_wait3A_689 : memref<1x16x1x128xi32, #tpu.memory_space<hbm>> -> memref<16x128xi32, #tpu.memory_space<hbm>>
      %dma_wait3A_691 = arith.constant 0 : i32
      %dma_wait3A_692 = arith.constant 0 : i32
      %dma_wait3A_693 = tpu.memref_slice %arg7[%dma_wait3A_683, %dma_wait3A_691, %dma_wait3A_692] : memref<4x16x128xi32, #tpu.memory_space<vmem>> -> memref<1x16x128xi32, #tpu.memory_space<vmem>>
      %dma_wait3A_694 = tpu.memref_squeeze %dma_wait3A_693 : memref<1x16x128xi32, #tpu.memory_space<vmem>> -> memref<16x128xi32, #tpu.memory_space<vmem>>
      %dma_wait3A_695 = arith.constant 0 : i32
      %dma_wait3A_696 = tpu.memref_slice %arg2[%select_n3A_642, %select_n3A_666, %select_n3A_682, %dma_wait3A_695] : memref<25x32x8x128xi32, #tpu.memory_space<hbm>> -> memref<1x16x1x128xi32, #tpu.memory_space<hbm>>
      %dma_wait3A_697 = tpu.memref_squeeze %dma_wait3A_696 : memref<1x16x1x128xi32, #tpu.memory_space<hbm>> -> memref<16x128xi32, #tpu.memory_space<hbm>>
      tpu.wait_dma2 semaphore(%arg11 : memref<!tpu.dma_semaphore, #tpu.memory_space<semaphore_mem>>) src(%dma_wait3A_697 : memref<16x128xi32, #tpu.memory_space<hbm>>) dst(%dma_wait3A_694 : memref<16x128xi32, #tpu.memory_space<vmem>>)
      %ge3A_698 = arith.constant 2 : i32
      %ge3A_699 = arith.cmpi sge, %add3A_575, %ge3A_698 : i32
      %convert_element_type3A_700 = arith.extui %ge3A_699 : i1 to i32
      %cond3A_701 = arith.constant 0 : i32
      %cond3A_702 = arith.cmpi ne, %convert_element_type3A_700, %cond3A_701 : i32
      scf.if %cond3A_702 {
        %sub3A_1381 = arith.constant 2 : i32
        %sub3A_1382 = arith.subi %add3A_575, %sub3A_1381 : i32
        %jit3A_1383 = arith.constant 2 : i32
        %div3A_1384 = arith.divsi %sub3A_1382, %jit3A_1383 : i32
        %sign3A_1385 = arith.constant 0 : i32
        %sign3A_1386 = arith.cmpi sgt, %sub3A_1382, %sign3A_1385 : i32
        %sign3A_1387 = arith.extui %sign3A_1386 : i1 to i32
        %sign3A_1388 = arith.constant 0 : i32
        %sign3A_1389 = arith.cmpi slt, %sub3A_1382, %sign3A_1388 : i32
        %sign3A_1390 = arith.extui %sign3A_1389 : i1 to i32
        %sign3A_1391 = arith.subi %sign3A_1387, %sign3A_1390 : i32
        %sign3A_1392 = arith.constant 0 : i32
        %sign3A_1393 = arith.cmpi sgt, %jit3A_1383, %sign3A_1392 : i32
        %sign3A_1394 = arith.extui %sign3A_1393 : i1 to i32
        %sign3A_1395 = arith.constant 0 : i32
        %sign3A_1396 = arith.cmpi slt, %jit3A_1383, %sign3A_1395 : i32
        %sign3A_1397 = arith.extui %sign3A_1396 : i1 to i32
        %sign3A_1398 = arith.subi %sign3A_1394, %sign3A_1397 : i32
        %ne3A_1399 = arith.cmpi ne, %sign3A_1391, %sign3A_1398 : i32
        %rem3A_1400 = arith.remsi %sub3A_1382, %jit3A_1383 : i32
        %ne3A_1401 = arith.constant 0 : i32
        %ne3A_1402 = arith.cmpi ne, %rem3A_1400, %ne3A_1401 : i32
        %and3A_1403 = arith.andi %ne3A_1399, %ne3A_1402 : i1
        %sub3A_1404 = arith.constant 1 : i32
        %sub3A_1405 = arith.subi %div3A_1384, %sub3A_1404 : i32
        %select_n3A_1406 = arith.select %and3A_1403, %sub3A_1405, %div3A_1384 : i32
        %add3A_1407 = arith.addi %mul3A_0, %select_n3A_1406 : i32
        %jit3A_1408 = arith.constant 2 : i32
        %eq3A_1409 = arith.constant 0 : i32
        %eq3A_1410 = arith.cmpi eq, %jit3A_1408, %eq3A_1409 : i32
        %jit3A_1411 = arith.constant 1 : i32
        %select_n3A_1412 = arith.select %eq3A_1410, %jit3A_1411, %jit3A_1408 : i32
        %rem3A_1413 = arith.remsi %sub3A_1382, %select_n3A_1412 : i32
        %ne3A_1414 = arith.constant 0 : i32
        %ne3A_1415 = arith.cmpi ne, %rem3A_1413, %ne3A_1414 : i32
        %lt3A_1416 = arith.constant 0 : i32
        %lt3A_1417 = arith.cmpi slt, %rem3A_1413, %lt3A_1416 : i32
        %lt3A_1418 = arith.constant 0 : i32
        %lt3A_1419 = arith.cmpi slt, %select_n3A_1412, %lt3A_1418 : i32
        %ne3A_1420 = arith.xori %lt3A_1417, %lt3A_1419 : i1
        %and3A_1421 = arith.andi %ne3A_1420, %ne3A_1415 : i1
        %add3A_1422 = arith.addi %rem3A_1413, %select_n3A_1412 : i32
        %select_n3A_1423 = arith.select %and3A_1421, %add3A_1422, %rem3A_1413 : i32
        %mul3A_1424 = arith.constant 2048 : i32
        %mul3A_1425 = arith.muli %select_n3A_1423, %mul3A_1424 : i32
        %jit3A_1426 = arith.constant 128 : i32
        %div3A_1427 = arith.divsi %mul3A_1425, %jit3A_1426 : i32
        %sign3A_1428 = arith.constant 0 : i32
        %sign3A_1429 = arith.cmpi sgt, %mul3A_1425, %sign3A_1428 : i32
        %sign3A_1430 = arith.extui %sign3A_1429 : i1 to i32
        %sign3A_1431 = arith.constant 0 : i32
        %sign3A_1432 = arith.cmpi slt, %mul3A_1425, %sign3A_1431 : i32
        %sign3A_1433 = arith.extui %sign3A_1432 : i1 to i32
        %sign3A_1434 = arith.subi %sign3A_1430, %sign3A_1433 : i32
        %sign3A_1435 = arith.constant 0 : i32
        %sign3A_1436 = arith.cmpi sgt, %jit3A_1426, %sign3A_1435 : i32
        %sign3A_1437 = arith.extui %sign3A_1436 : i1 to i32
        %sign3A_1438 = arith.constant 0 : i32
        %sign3A_1439 = arith.cmpi slt, %jit3A_1426, %sign3A_1438 : i32
        %sign3A_1440 = arith.extui %sign3A_1439 : i1 to i32
        %sign3A_1441 = arith.subi %sign3A_1437, %sign3A_1440 : i32
        %ne3A_1442 = arith.cmpi ne, %sign3A_1434, %sign3A_1441 : i32
        %rem3A_1443 = arith.remsi %mul3A_1425, %jit3A_1426 : i32
        %ne3A_1444 = arith.constant 0 : i32
        %ne3A_1445 = arith.cmpi ne, %rem3A_1443, %ne3A_1444 : i32
        %and3A_1446 = arith.andi %ne3A_1442, %ne3A_1445 : i1
        %sub3A_1447 = arith.constant 1 : i32
        %sub3A_1448 = arith.subi %div3A_1427, %sub3A_1447 : i32
        %select_n3A_1449 = arith.select %and3A_1446, %sub3A_1448, %div3A_1427 : i32
        %dma_wait3A_1450 = arith.constant 1 : i32
        %dma_wait3A_1451 = arith.constant 0 : i32
        %dma_wait3A_1452 = arith.constant 0 : i32
        %dma_wait3A_1453 = tpu.memref_slice %arg8[%dma_wait3A_1450, %dma_wait3A_1451, %dma_wait3A_1452] : memref<2x16x128xf32, #tpu.memory_space<vmem>> -> memref<1x16x128xf32, #tpu.memory_space<vmem>>
        %dma_wait3A_1454 = tpu.memref_squeeze %dma_wait3A_1453 : memref<1x16x128xf32, #tpu.memory_space<vmem>> -> memref<16x128xf32, #tpu.memory_space<vmem>>
        %dma_wait3A_1455 = arith.constant 0 : i32
        %dma_wait3A_1456 = tpu.memref_slice %arg5[%add3A_1407, %select_n3A, %select_n3A_1449, %select_n3A_29, %dma_wait3A_1455] : memref<200x2x32x8x128xf32, #tpu.memory_space<hbm>> -> memref<1x1x16x1x128xf32, #tpu.memory_space<hbm>>
        %dma_wait3A_1457 = tpu.memref_squeeze %dma_wait3A_1456 : memref<1x1x16x1x128xf32, #tpu.memory_space<hbm>> -> memref<16x128xf32, #tpu.memory_space<hbm>>
        %dma_wait3A_1458 = arith.constant 0 : i32
        %dma_wait3A_1459 = tpu.memref_slice %arg5[%add3A_1407, %select_n3A, %select_n3A_1449, %select_n3A_29, %dma_wait3A_1458] : memref<200x2x32x8x128xf32, #tpu.memory_space<hbm>> -> memref<1x1x16x1x128xf32, #tpu.memory_space<hbm>>
        %dma_wait3A_1460 = tpu.memref_squeeze %dma_wait3A_1459 : memref<1x1x16x1x128xf32, #tpu.memory_space<hbm>> -> memref<16x128xf32, #tpu.memory_space<hbm>>
        %dma_wait3A_1461 = arith.constant 0 : i32
        %dma_wait3A_1462 = arith.constant 0 : i32
        %dma_wait3A_1463 = tpu.memref_slice %arg8[%dma_wait3A_1450, %dma_wait3A_1461, %dma_wait3A_1462] : memref<2x16x128xf32, #tpu.memory_space<vmem>> -> memref<1x16x128xf32, #tpu.memory_space<vmem>>
        %dma_wait3A_1464 = tpu.memref_squeeze %dma_wait3A_1463 : memref<1x16x128xf32, #tpu.memory_space<vmem>> -> memref<16x128xf32, #tpu.memory_space<vmem>>
        tpu.wait_dma2 semaphore(%arg15 : memref<!tpu.dma_semaphore, #tpu.memory_space<semaphore_mem>>) src(%dma_wait3A_1464 : memref<16x128xf32, #tpu.memory_space<vmem>>) dst(%dma_wait3A_1460 : memref<16x128xf32, #tpu.memory_space<hbm>>)
      } else {
      }
      %jit3A_703 = arith.constant 2 : i32
      %div3A_704 = arith.divsi %add3A_575, %jit3A_703 : i32
      %sign3A_705 = arith.constant 0 : i32
      %sign3A_706 = arith.cmpi sgt, %add3A_575, %sign3A_705 : i32
      %sign3A_707 = arith.extui %sign3A_706 : i1 to i32
      %sign3A_708 = arith.constant 0 : i32
      %sign3A_709 = arith.cmpi slt, %add3A_575, %sign3A_708 : i32
      %sign3A_710 = arith.extui %sign3A_709 : i1 to i32
      %sign3A_711 = arith.subi %sign3A_707, %sign3A_710 : i32
      %sign3A_712 = arith.constant 0 : i32
      %sign3A_713 = arith.cmpi sgt, %jit3A_703, %sign3A_712 : i32
      %sign3A_714 = arith.extui %sign3A_713 : i1 to i32
      %sign3A_715 = arith.constant 0 : i32
      %sign3A_716 = arith.cmpi slt, %jit3A_703, %sign3A_715 : i32
      %sign3A_717 = arith.extui %sign3A_716 : i1 to i32
      %sign3A_718 = arith.subi %sign3A_714, %sign3A_717 : i32
      %ne3A_719 = arith.cmpi ne, %sign3A_711, %sign3A_718 : i32
      %rem3A_720 = arith.remsi %add3A_575, %jit3A_703 : i32
      %ne3A_721 = arith.constant 0 : i32
      %ne3A_722 = arith.cmpi ne, %rem3A_720, %ne3A_721 : i32
      %and3A_723 = arith.andi %ne3A_719, %ne3A_722 : i1
      %sub3A_724 = arith.constant 1 : i32
      %sub3A_725 = arith.subi %div3A_704, %sub3A_724 : i32
      %select_n3A_726 = arith.select %and3A_723, %sub3A_725, %div3A_704 : i32
      %add3A_727 = arith.addi %mul3A_0, %select_n3A_726 : i32
      %jit3A_728 = arith.constant 2 : i32
      %eq3A_729 = arith.constant 0 : i32
      %eq3A_730 = arith.cmpi eq, %jit3A_728, %eq3A_729 : i32
      %jit3A_731 = arith.constant 1 : i32
      %select_n3A_732 = arith.select %eq3A_730, %jit3A_731, %jit3A_728 : i32
      %rem3A_733 = arith.remsi %add3A_575, %select_n3A_732 : i32
      %ne3A_734 = arith.constant 0 : i32
      %ne3A_735 = arith.cmpi ne, %rem3A_733, %ne3A_734 : i32
      %lt3A_736 = arith.constant 0 : i32
      %lt3A_737 = arith.cmpi slt, %rem3A_733, %lt3A_736 : i32
      %lt3A_738 = arith.constant 0 : i32
      %lt3A_739 = arith.cmpi slt, %select_n3A_732, %lt3A_738 : i32
      %ne3A_740 = arith.xori %lt3A_737, %lt3A_739 : i1
      %and3A_741 = arith.andi %ne3A_740, %ne3A_735 : i1
      %add3A_742 = arith.addi %rem3A_733, %select_n3A_732 : i32
      %select_n3A_743 = arith.select %and3A_741, %add3A_742, %rem3A_733 : i32
      %mul3A_744 = arith.constant 2048 : i32
      %mul3A_745 = arith.muli %select_n3A_743, %mul3A_744 : i32
      %get3A_746 = arith.index_cast %add3A_727 : i32 to index
      %get3A_747 = arith.constant 0 : index
      %get3A_748 = tpu.vector_load %arg9[%get3A_746, %get3A_747] {strides = array<i32>} : memref<200x16xf32, #tpu.memory_space<vmem>>, vector<16xf32>,
      %parallel_loop3A_749 = arith.constant 0 : i32
      %parallel_loop3A_750 = arith.constant 128 : i32
      %parallel_loop3A_751 = arith.constant 1 : i32
      %parallel_loop3A_752 = arith.constant 1 : i32
      %parallel_loop3A_753 = arith.constant 1 : i32
      scf.for %parallel_loop3A_1381 = %parallel_loop3A_749 to %parallel_loop3A_750 step %parallel_loop3A_751  : i32 {
        %parallel_loop3A_1382 = arith.constant 8 : i32
        %parallel_loop3A_1383 = arith.divsi %parallel_loop3A_1381, %parallel_loop3A_1382 : i32
        %parallel_loop3A_1384 = arith.constant 0 : i32
        %parallel_loop3A_1385 = arith.cmpi sgt, %parallel_loop3A_1381, %parallel_loop3A_1384 : i32
        %parallel_loop3A_1386 = arith.extui %parallel_loop3A_1385 : i1 to i32
        %parallel_loop3A_1387 = arith.constant 0 : i32
        %parallel_loop3A_1388 = arith.cmpi slt, %parallel_loop3A_1381, %parallel_loop3A_1387 : i32
        %parallel_loop3A_1389 = arith.extui %parallel_loop3A_1388 : i1 to i32
        %parallel_loop3A_1390 = arith.subi %parallel_loop3A_1386, %parallel_loop3A_1389 : i32
        %parallel_loop3A_1391 = arith.constant 0 : i32
        %parallel_loop3A_1392 = arith.cmpi sgt, %parallel_loop3A_1382, %parallel_loop3A_1391 : i32
        %parallel_loop3A_1393 = arith.extui %parallel_loop3A_1392 : i1 to i32
        %parallel_loop3A_1394 = arith.constant 0 : i32
        %parallel_loop3A_1395 = arith.cmpi slt, %parallel_loop3A_1382, %parallel_loop3A_1394 : i32
        %parallel_loop3A_1396 = arith.extui %parallel_loop3A_1395 : i1 to i32
        %parallel_loop3A_1397 = arith.subi %parallel_loop3A_1393, %parallel_loop3A_1396 : i32
        %parallel_loop3A_1398 = arith.cmpi ne, %parallel_loop3A_1390, %parallel_loop3A_1397 : i32
        %parallel_loop3A_1399 = arith.remsi %parallel_loop3A_1381, %parallel_loop3A_1382 : i32
        %parallel_loop3A_1400 = arith.constant 0 : i32
        %parallel_loop3A_1401 = arith.cmpi ne, %parallel_loop3A_1399, %parallel_loop3A_1400 : i32
        %parallel_loop3A_1402 = arith.andi %parallel_loop3A_1398, %parallel_loop3A_1401 : i1
        %parallel_loop3A_1403 = arith.constant 1 : i32
        %parallel_loop3A_1404 = arith.subi %parallel_loop3A_1383, %parallel_loop3A_1403 : i32
        %parallel_loop3A_1405 = arith.select %parallel_loop3A_1402, %parallel_loop3A_1404, %parallel_loop3A_1383 : i32
        %parallel_loop3A_1406 = arith.constant 8 : i32
        %parallel_loop3A_1407 = arith.constant 0 : i32
        %parallel_loop3A_1408 = arith.cmpi eq, %parallel_loop3A_1406, %parallel_loop3A_1407 : i32
        %parallel_loop3A_1409 = arith.constant 1 : i32
        %parallel_loop3A_1410 = arith.select %parallel_loop3A_1408, %parallel_loop3A_1409, %parallel_loop3A_1406 : i32
        %parallel_loop3A_1411 = arith.remsi %parallel_loop3A_1381, %parallel_loop3A_1410 : i32
        %parallel_loop3A_1412 = arith.constant 0 : i32
        %parallel_loop3A_1413 = arith.cmpi ne, %parallel_loop3A_1411, %parallel_loop3A_1412 : i32
        %parallel_loop3A_1414 = arith.constant 0 : i32
        %parallel_loop3A_1415 = arith.cmpi slt, %parallel_loop3A_1411, %parallel_loop3A_1414 : i32
        %parallel_loop3A_1416 = arith.constant 0 : i32
        %parallel_loop3A_1417 = arith.cmpi slt, %parallel_loop3A_1410, %parallel_loop3A_1416 : i32
        %parallel_loop3A_1418 = arith.xori %parallel_loop3A_1415, %parallel_loop3A_1417 : i1
        %parallel_loop3A_1419 = arith.andi %parallel_loop3A_1418, %parallel_loop3A_1413 : i1
        %parallel_loop3A_1420 = arith.addi %parallel_loop3A_1411, %parallel_loop3A_1410 : i32
        %parallel_loop3A_1421 = arith.select %parallel_loop3A_1419, %parallel_loop3A_1420, %parallel_loop3A_1411 : i32
        %parallel_loop3A_1422 = arith.constant 16 : i32
        %parallel_loop3A_1423 = arith.muli %parallel_loop3A_1421, %parallel_loop3A_1422 : i32
        %parallel_loop3A_1424 = arith.constant 0 : i32
        %parallel_loop3A_1425 = arith.constant 0 : i32
        %parallel_loop3A_1426 = tpu.memref_slice %arg7[%parallel_loop3A_752, %parallel_loop3A_1424, %parallel_loop3A_1425] : memref<4x16x128xi32, #tpu.memory_space<vmem>> -> memref<1x16x128xi32, #tpu.memory_space<vmem>>
        %parallel_loop3A_1427 = tpu.memref_squeeze %parallel_loop3A_1426 : memref<1x16x128xi32, #tpu.memory_space<vmem>> -> memref<16x128xi32, #tpu.memory_space<vmem>>
        %parallel_loop3A_1428 = arith.index_cast %parallel_loop3A_1405 : i32 to index
        %parallel_loop3A_1429 = arith.index_cast %parallel_loop3A_1423 : i32 to index
        %parallel_loop3A_1430 = tpu.vector_load %parallel_loop3A_1427[%parallel_loop3A_1428, %parallel_loop3A_1429] {strides = array<i32>} : memref<16x128xi32, #tpu.memory_space<vmem>>, vector<16xi32>,
        %parallel_loop3A_1431 = tpu.vector_load_idx %arg6[%parallel_loop3A_1430] : memref<100000xf32, #tpu.memory_space<vmem>>[vector<16xi32>], vector<16xf32>,
        %parallel_loop3A_1432 = arith.addf %parallel_loop3A_1431, %get3A_748 : vector<16xf32>
        %parallel_loop3A_1433 = arith.constant 8 : i32
        %parallel_loop3A_1434 = arith.divsi %parallel_loop3A_1381, %parallel_loop3A_1433 : i32
        %parallel_loop3A_1435 = arith.constant 0 : i32
        %parallel_loop3A_1436 = arith.cmpi sgt, %parallel_loop3A_1381, %parallel_loop3A_1435 : i32
        %parallel_loop3A_1437 = arith.extui %parallel_loop3A_1436 : i1 to i32
        %parallel_loop3A_1438 = arith.constant 0 : i32
        %parallel_loop3A_1439 = arith.cmpi slt, %parallel_loop3A_1381, %parallel_loop3A_1438 : i32
        %parallel_loop3A_1440 = arith.extui %parallel_loop3A_1439 : i1 to i32
        %parallel_loop3A_1441 = arith.subi %parallel_loop3A_1437, %parallel_loop3A_1440 : i32
        %parallel_loop3A_1442 = arith.constant 0 : i32
        %parallel_loop3A_1443 = arith.cmpi sgt, %parallel_loop3A_1433, %parallel_loop3A_1442 : i32
        %parallel_loop3A_1444 = arith.extui %parallel_loop3A_1443 : i1 to i32
        %parallel_loop3A_1445 = arith.constant 0 : i32
        %parallel_loop3A_1446 = arith.cmpi slt, %parallel_loop3A_1433, %parallel_loop3A_1445 : i32
        %parallel_loop3A_1447 = arith.extui %parallel_loop3A_1446 : i1 to i32
        %parallel_loop3A_1448 = arith.subi %parallel_loop3A_1444, %parallel_loop3A_1447 : i32
        %parallel_loop3A_1449 = arith.cmpi ne, %parallel_loop3A_1441, %parallel_loop3A_1448 : i32
        %parallel_loop3A_1450 = arith.remsi %parallel_loop3A_1381, %parallel_loop3A_1433 : i32
        %parallel_loop3A_1451 = arith.constant 0 : i32
        %parallel_loop3A_1452 = arith.cmpi ne, %parallel_loop3A_1450, %parallel_loop3A_1451 : i32
        %parallel_loop3A_1453 = arith.andi %parallel_loop3A_1449, %parallel_loop3A_1452 : i1
        %parallel_loop3A_1454 = arith.constant 1 : i32
        %parallel_loop3A_1455 = arith.subi %parallel_loop3A_1434, %parallel_loop3A_1454 : i32
        %parallel_loop3A_1456 = arith.select %parallel_loop3A_1453, %parallel_loop3A_1455, %parallel_loop3A_1434 : i32
        %parallel_loop3A_1457 = arith.constant 8 : i32
        %parallel_loop3A_1458 = arith.constant 0 : i32
        %parallel_loop3A_1459 = arith.cmpi eq, %parallel_loop3A_1457, %parallel_loop3A_1458 : i32
        %parallel_loop3A_1460 = arith.constant 1 : i32
        %parallel_loop3A_1461 = arith.select %parallel_loop3A_1459, %parallel_loop3A_1460, %parallel_loop3A_1457 : i32
        %parallel_loop3A_1462 = arith.remsi %parallel_loop3A_1381, %parallel_loop3A_1461 : i32
        %parallel_loop3A_1463 = arith.constant 0 : i32
        %parallel_loop3A_1464 = arith.cmpi ne, %parallel_loop3A_1462, %parallel_loop3A_1463 : i32
        %parallel_loop3A_1465 = arith.constant 0 : i32
        %parallel_loop3A_1466 = arith.cmpi slt, %parallel_loop3A_1462, %parallel_loop3A_1465 : i32
        %parallel_loop3A_1467 = arith.constant 0 : i32
        %parallel_loop3A_1468 = arith.cmpi slt, %parallel_loop3A_1461, %parallel_loop3A_1467 : i32
        %parallel_loop3A_1469 = arith.xori %parallel_loop3A_1466, %parallel_loop3A_1468 : i1
        %parallel_loop3A_1470 = arith.andi %parallel_loop3A_1469, %parallel_loop3A_1464 : i1
        %parallel_loop3A_1471 = arith.addi %parallel_loop3A_1462, %parallel_loop3A_1461 : i32
        %parallel_loop3A_1472 = arith.select %parallel_loop3A_1470, %parallel_loop3A_1471, %parallel_loop3A_1462 : i32
        %parallel_loop3A_1473 = arith.constant 16 : i32
        %parallel_loop3A_1474 = arith.muli %parallel_loop3A_1472, %parallel_loop3A_1473 : i32
        %parallel_loop3A_1475 = arith.constant 0 : i32
        %parallel_loop3A_1476 = arith.constant 0 : i32
        %parallel_loop3A_1477 = tpu.memref_slice %arg8[%parallel_loop3A_753, %parallel_loop3A_1475, %parallel_loop3A_1476] : memref<2x16x128xf32, #tpu.memory_space<vmem>> -> memref<1x16x128xf32, #tpu.memory_space<vmem>>
        %parallel_loop3A_1478 = tpu.memref_squeeze %parallel_loop3A_1477 : memref<1x16x128xf32, #tpu.memory_space<vmem>> -> memref<16x128xf32, #tpu.memory_space<vmem>>
        %parallel_loop3A_1479 = arith.index_cast %parallel_loop3A_1456 : i32 to index
        %parallel_loop3A_1480 = arith.index_cast %parallel_loop3A_1474 : i32 to index
        %parallel_loop3A_1481 = tpu.vector_load %parallel_loop3A_1478[%parallel_loop3A_1479, %parallel_loop3A_1480] {strides = array<i32>} : memref<16x128xf32, #tpu.memory_space<vmem>>, vector<16xf32>,
        tpu.vector_store %parallel_loop3A_1478[%parallel_loop3A_1479, %parallel_loop3A_1480], %parallel_loop3A_1432 {strides = array<i32>} : memref<16x128xf32, #tpu.memory_space<vmem>>, vector<16xf32>,
      } {sc.loop_unroll_factor = 8 : i64, sc.parallel_access}
      %jit3A_754 = arith.constant 2 : i32
      %div3A_755 = arith.divsi %add3A_575, %jit3A_754 : i32
      %sign3A_756 = arith.constant 0 : i32
      %sign3A_757 = arith.cmpi sgt, %add3A_575, %sign3A_756 : i32
      %sign3A_758 = arith.extui %sign3A_757 : i1 to i32
      %sign3A_759 = arith.constant 0 : i32
      %sign3A_760 = arith.cmpi slt, %add3A_575, %sign3A_759 : i32
      %sign3A_761 = arith.extui %sign3A_760 : i1 to i32
      %sign3A_762 = arith.subi %sign3A_758, %sign3A_761 : i32
      %sign3A_763 = arith.constant 0 : i32
      %sign3A_764 = arith.cmpi sgt, %jit3A_754, %sign3A_763 : i32
      %sign3A_765 = arith.extui %sign3A_764 : i1 to i32
      %sign3A_766 = arith.constant 0 : i32
      %sign3A_767 = arith.cmpi slt, %jit3A_754, %sign3A_766 : i32
      %sign3A_768 = arith.extui %sign3A_767 : i1 to i32
      %sign3A_769 = arith.subi %sign3A_765, %sign3A_768 : i32
      %ne3A_770 = arith.cmpi ne, %sign3A_762, %sign3A_769 : i32
      %rem3A_771 = arith.remsi %add3A_575, %jit3A_754 : i32
      %ne3A_772 = arith.constant 0 : i32
      %ne3A_773 = arith.cmpi ne, %rem3A_771, %ne3A_772 : i32
      %and3A_774 = arith.andi %ne3A_770, %ne3A_773 : i1
      %sub3A_775 = arith.constant 1 : i32
      %sub3A_776 = arith.subi %div3A_755, %sub3A_775 : i32
      %select_n3A_777 = arith.select %and3A_774, %sub3A_776, %div3A_755 : i32
      %add3A_778 = arith.addi %mul3A_0, %select_n3A_777 : i32
      %jit3A_779 = arith.constant 2 : i32
      %eq3A_780 = arith.constant 0 : i32
      %eq3A_781 = arith.cmpi eq, %jit3A_779, %eq3A_780 : i32
      %jit3A_782 = arith.constant 1 : i32
      %select_n3A_783 = arith.select %eq3A_781, %jit3A_782, %jit3A_779 : i32
      %rem3A_784 = arith.remsi %add3A_575, %select_n3A_783 : i32
      %ne3A_785 = arith.constant 0 : i32
      %ne3A_786 = arith.cmpi ne, %rem3A_784, %ne3A_785 : i32
      %lt3A_787 = arith.constant 0 : i32
      %lt3A_788 = arith.cmpi slt, %rem3A_784, %lt3A_787 : i32
      %lt3A_789 = arith.constant 0 : i32
      %lt3A_790 = arith.cmpi slt, %select_n3A_783, %lt3A_789 : i32
      %ne3A_791 = arith.xori %lt3A_788, %lt3A_790 : i1
      %and3A_792 = arith.andi %ne3A_791, %ne3A_786 : i1
      %add3A_793 = arith.addi %rem3A_784, %select_n3A_783 : i32
      %select_n3A_794 = arith.select %and3A_792, %add3A_793, %rem3A_784 : i32
      %mul3A_795 = arith.constant 2048 : i32
      %mul3A_796 = arith.muli %select_n3A_794, %mul3A_795 : i32
      %jit3A_797 = arith.constant 128 : i32
      %div3A_798 = arith.divsi %mul3A_796, %jit3A_797 : i32
      %sign3A_799 = arith.constant 0 : i32
      %sign3A_800 = arith.cmpi sgt, %mul3A_796, %sign3A_799 : i32
      %sign3A_801 = arith.extui %sign3A_800 : i1 to i32
      %sign3A_802 = arith.constant 0 : i32
      %sign3A_803 = arith.cmpi slt, %mul3A_796, %sign3A_802 : i32
      %sign3A_804 = arith.extui %sign3A_803 : i1 to i32
      %sign3A_805 = arith.subi %sign3A_801, %sign3A_804 : i32
      %sign3A_806 = arith.constant 0 : i32
      %sign3A_807 = arith.cmpi sgt, %jit3A_797, %sign3A_806 : i32
      %sign3A_808 = arith.extui %sign3A_807 : i1 to i32
      %sign3A_809 = arith.constant 0 : i32
      %sign3A_810 = arith.cmpi slt, %jit3A_797, %sign3A_809 : i32
      %sign3A_811 = arith.extui %sign3A_810 : i1 to i32
      %sign3A_812 = arith.subi %sign3A_808, %sign3A_811 : i32
      %ne3A_813 = arith.cmpi ne, %sign3A_805, %sign3A_812 : i32
      %rem3A_814 = arith.remsi %mul3A_796, %jit3A_797 : i32
      %ne3A_815 = arith.constant 0 : i32
      %ne3A_816 = arith.cmpi ne, %rem3A_814, %ne3A_815 : i32
      %and3A_817 = arith.andi %ne3A_813, %ne3A_816 : i1
      %sub3A_818 = arith.constant 1 : i32
      %sub3A_819 = arith.subi %div3A_798, %sub3A_818 : i32
      %select_n3A_820 = arith.select %and3A_817, %sub3A_819, %div3A_798 : i32
      %dma_start3A_821 = arith.constant 1 : i32
      %dma_start3A_822 = arith.constant 0 : i32
      %dma_start3A_823 = arith.constant 0 : i32
      %dma_start3A_824 = tpu.memref_slice %arg8[%dma_start3A_821, %dma_start3A_822, %dma_start3A_823] : memref<2x16x128xf32, #tpu.memory_space<vmem>> -> memref<1x16x128xf32, #tpu.memory_space<vmem>>
      %dma_start3A_825 = tpu.memref_squeeze %dma_start3A_824 : memref<1x16x128xf32, #tpu.memory_space<vmem>> -> memref<16x128xf32, #tpu.memory_space<vmem>>
      %dma_start3A_826 = arith.constant 0 : i32
      %dma_start3A_827 = tpu.memref_slice %arg5[%add3A_778, %select_n3A, %select_n3A_820, %select_n3A_29, %dma_start3A_826] : memref<200x2x32x8x128xf32, #tpu.memory_space<hbm>> -> memref<1x1x16x1x128xf32, #tpu.memory_space<hbm>>
      %dma_start3A_828 = tpu.memref_squeeze %dma_start3A_827 : memref<1x1x16x1x128xf32, #tpu.memory_space<hbm>> -> memref<16x128xf32, #tpu.memory_space<hbm>>
      %dma_start3A_829 = arith.constant 0 : i32
      %dma_start3A_830 = tpu.memref_slice %arg5[%add3A_778, %select_n3A, %select_n3A_820, %select_n3A_29, %dma_start3A_829] : memref<200x2x32x8x128xf32, #tpu.memory_space<hbm>> -> memref<1x1x16x1x128xf32, #tpu.memory_space<hbm>>
      %dma_start3A_831 = tpu.memref_squeeze %dma_start3A_830 : memref<1x1x16x1x128xf32, #tpu.memory_space<hbm>> -> memref<16x128xf32, #tpu.memory_space<hbm>>
      %dma_start3A_832 = arith.constant 0 : i32
      %dma_start3A_833 = arith.constant 0 : i32
      %dma_start3A_834 = tpu.memref_slice %arg8[%dma_start3A_821, %dma_start3A_832, %dma_start3A_833] : memref<2x16x128xf32, #tpu.memory_space<vmem>> -> memref<1x16x128xf32, #tpu.memory_space<vmem>>
      %dma_start3A_835 = tpu.memref_squeeze %dma_start3A_834 : memref<1x16x128xf32, #tpu.memory_space<vmem>> -> memref<16x128xf32, #tpu.memory_space<vmem>>
      tpu.enqueue_dma source(%dma_start3A_835 : memref<16x128xf32, #tpu.memory_space<vmem>>) target(%dma_start3A_831 : memref<16x128xf32, #tpu.memory_space<hbm>>) target_semaphore(%arg15 : memref<!tpu.dma_semaphore, #tpu.memory_space<semaphore_mem>>)
      %add3A_836 = arith.constant 4 : i32
      %add3A_837 = arith.addi %add3A_575, %add3A_836 : i32
      %lt3A_838 = arith.constant 200 : i32
      %lt3A_839 = arith.cmpi slt, %add3A_837, %lt3A_838 : i32
      %convert_element_type3A_840 = arith.extui %lt3A_839 : i1 to i32
      %cond3A_841 = arith.constant 0 : i32
      %cond3A_842 = arith.cmpi ne, %convert_element_type3A_840, %cond3A_841 : i32
      scf.if %cond3A_842 {
        %add3A_1381 = arith.constant 4 : i32
        %add3A_1382 = arith.addi %add3A_575, %add3A_1381 : i32
        %jit3A_1383 = arith.constant 2 : i32
        %div3A_1384 = arith.divsi %add3A_1382, %jit3A_1383 : i32
        %sign3A_1385 = arith.constant 0 : i32
        %sign3A_1386 = arith.cmpi sgt, %add3A_1382, %sign3A_1385 : i32
        %sign3A_1387 = arith.extui %sign3A_1386 : i1 to i32
        %sign3A_1388 = arith.constant 0 : i32
        %sign3A_1389 = arith.cmpi slt, %add3A_1382, %sign3A_1388 : i32
        %sign3A_1390 = arith.extui %sign3A_1389 : i1 to i32
        %sign3A_1391 = arith.subi %sign3A_1387, %sign3A_1390 : i32
        %sign3A_1392 = arith.constant 0 : i32
        %sign3A_1393 = arith.cmpi sgt, %jit3A_1383, %sign3A_1392 : i32
        %sign3A_1394 = arith.extui %sign3A_1393 : i1 to i32
        %sign3A_1395 = arith.constant 0 : i32
        %sign3A_1396 = arith.cmpi slt, %jit3A_1383, %sign3A_1395 : i32
        %sign3A_1397 = arith.extui %sign3A_1396 : i1 to i32
        %sign3A_1398 = arith.subi %sign3A_1394, %sign3A_1397 : i32
        %ne3A_1399 = arith.cmpi ne, %sign3A_1391, %sign3A_1398 : i32
        %rem3A_1400 = arith.remsi %add3A_1382, %jit3A_1383 : i32
        %ne3A_1401 = arith.constant 0 : i32
        %ne3A_1402 = arith.cmpi ne, %rem3A_1400, %ne3A_1401 : i32
        %and3A_1403 = arith.andi %ne3A_1399, %ne3A_1402 : i1
        %sub3A_1404 = arith.constant 1 : i32
        %sub3A_1405 = arith.subi %div3A_1384, %sub3A_1404 : i32
        %select_n3A_1406 = arith.select %and3A_1403, %sub3A_1405, %div3A_1384 : i32
        %add3A_1407 = arith.addi %mul3A_0, %select_n3A_1406 : i32
        %jit3A_1408 = arith.constant 2 : i32
        %eq3A_1409 = arith.constant 0 : i32
        %eq3A_1410 = arith.cmpi eq, %jit3A_1408, %eq3A_1409 : i32
        %jit3A_1411 = arith.constant 1 : i32
        %select_n3A_1412 = arith.select %eq3A_1410, %jit3A_1411, %jit3A_1408 : i32
        %rem3A_1413 = arith.remsi %add3A_1382, %select_n3A_1412 : i32
        %ne3A_1414 = arith.constant 0 : i32
        %ne3A_1415 = arith.cmpi ne, %rem3A_1413, %ne3A_1414 : i32
        %lt3A_1416 = arith.constant 0 : i32
        %lt3A_1417 = arith.cmpi slt, %rem3A_1413, %lt3A_1416 : i32
        %lt3A_1418 = arith.constant 0 : i32
        %lt3A_1419 = arith.cmpi slt, %select_n3A_1412, %lt3A_1418 : i32
        %ne3A_1420 = arith.xori %lt3A_1417, %lt3A_1419 : i1
        %and3A_1421 = arith.andi %ne3A_1420, %ne3A_1415 : i1
        %add3A_1422 = arith.addi %rem3A_1413, %select_n3A_1412 : i32
        %select_n3A_1423 = arith.select %and3A_1421, %add3A_1422, %rem3A_1413 : i32
        %mul3A_1424 = arith.constant 2048 : i32
        %mul3A_1425 = arith.muli %select_n3A_1423, %mul3A_1424 : i32
        %jit3A_1426 = arith.constant 8 : i32
        %div3A_1427 = arith.divsi %add3A_1407, %jit3A_1426 : i32
        %sign3A_1428 = arith.constant 0 : i32
        %sign3A_1429 = arith.cmpi sgt, %add3A_1407, %sign3A_1428 : i32
        %sign3A_1430 = arith.extui %sign3A_1429 : i1 to i32
        %sign3A_1431 = arith.constant 0 : i32
        %sign3A_1432 = arith.cmpi slt, %add3A_1407, %sign3A_1431 : i32
        %sign3A_1433 = arith.extui %sign3A_1432 : i1 to i32
        %sign3A_1434 = arith.subi %sign3A_1430, %sign3A_1433 : i32
        %sign3A_1435 = arith.constant 0 : i32
        %sign3A_1436 = arith.cmpi sgt, %jit3A_1426, %sign3A_1435 : i32
        %sign3A_1437 = arith.extui %sign3A_1436 : i1 to i32
        %sign3A_1438 = arith.constant 0 : i32
        %sign3A_1439 = arith.cmpi slt, %jit3A_1426, %sign3A_1438 : i32
        %sign3A_1440 = arith.extui %sign3A_1439 : i1 to i32
        %sign3A_1441 = arith.subi %sign3A_1437, %sign3A_1440 : i32
        %ne3A_1442 = arith.cmpi ne, %sign3A_1434, %sign3A_1441 : i32
        %rem3A_1443 = arith.remsi %add3A_1407, %jit3A_1426 : i32
        %ne3A_1444 = arith.constant 0 : i32
        %ne3A_1445 = arith.cmpi ne, %rem3A_1443, %ne3A_1444 : i32
        %and3A_1446 = arith.andi %ne3A_1442, %ne3A_1445 : i1
        %sub3A_1447 = arith.constant 1 : i32
        %sub3A_1448 = arith.subi %div3A_1427, %sub3A_1447 : i32
        %select_n3A_1449 = arith.select %and3A_1446, %sub3A_1448, %div3A_1427 : i32
        %jit3A_1450 = arith.constant 128 : i32
        %div3A_1451 = arith.divsi %mul3A_1425, %jit3A_1450 : i32
        %sign3A_1452 = arith.constant 0 : i32
        %sign3A_1453 = arith.cmpi sgt, %mul3A_1425, %sign3A_1452 : i32
        %sign3A_1454 = arith.extui %sign3A_1453 : i1 to i32
        %sign3A_1455 = arith.constant 0 : i32
        %sign3A_1456 = arith.cmpi slt, %mul3A_1425, %sign3A_1455 : i32
        %sign3A_1457 = arith.extui %sign3A_1456 : i1 to i32
        %sign3A_1458 = arith.subi %sign3A_1454, %sign3A_1457 : i32
        %sign3A_1459 = arith.constant 0 : i32
        %sign3A_1460 = arith.cmpi sgt, %jit3A_1450, %sign3A_1459 : i32
        %sign3A_1461 = arith.extui %sign3A_1460 : i1 to i32
        %sign3A_1462 = arith.constant 0 : i32
        %sign3A_1463 = arith.cmpi slt, %jit3A_1450, %sign3A_1462 : i32
        %sign3A_1464 = arith.extui %sign3A_1463 : i1 to i32
        %sign3A_1465 = arith.subi %sign3A_1461, %sign3A_1464 : i32
        %ne3A_1466 = arith.cmpi ne, %sign3A_1458, %sign3A_1465 : i32
        %rem3A_1467 = arith.remsi %mul3A_1425, %jit3A_1450 : i32
        %ne3A_1468 = arith.constant 0 : i32
        %ne3A_1469 = arith.cmpi ne, %rem3A_1467, %ne3A_1468 : i32
        %and3A_1470 = arith.andi %ne3A_1466, %ne3A_1469 : i1
        %sub3A_1471 = arith.constant 1 : i32
        %sub3A_1472 = arith.subi %div3A_1451, %sub3A_1471 : i32
        %select_n3A_1473 = arith.select %and3A_1470, %sub3A_1472, %div3A_1451 : i32
        %jit3A_1474 = arith.constant 8 : i32
        %eq3A_1475 = arith.constant 0 : i32
        %eq3A_1476 = arith.cmpi eq, %jit3A_1474, %eq3A_1475 : i32
        %jit3A_1477 = arith.constant 1 : i32
        %select_n3A_1478 = arith.select %eq3A_1476, %jit3A_1477, %jit3A_1474 : i32
        %rem3A_1479 = arith.remsi %add3A_1407, %select_n3A_1478 : i32
        %ne3A_1480 = arith.constant 0 : i32
        %ne3A_1481 = arith.cmpi ne, %rem3A_1479, %ne3A_1480 : i32
        %lt3A_1482 = arith.constant 0 : i32
        %lt3A_1483 = arith.cmpi slt, %rem3A_1479, %lt3A_1482 : i32
        %lt3A_1484 = arith.constant 0 : i32
        %lt3A_1485 = arith.cmpi slt, %select_n3A_1478, %lt3A_1484 : i32
        %ne3A_1486 = arith.xori %lt3A_1483, %lt3A_1485 : i1
        %and3A_1487 = arith.andi %ne3A_1486, %ne3A_1481 : i1
        %add3A_1488 = arith.addi %rem3A_1479, %select_n3A_1478 : i32
        %select_n3A_1489 = arith.select %and3A_1487, %add3A_1488, %rem3A_1479 : i32
        %dma_start3A_1490 = arith.constant 1 : i32
        %dma_start3A_1491 = arith.constant 0 : i32
        %dma_start3A_1492 = arith.constant 0 : i32
        %dma_start3A_1493 = tpu.memref_slice %arg7[%dma_start3A_1490, %dma_start3A_1491, %dma_start3A_1492] : memref<4x16x128xi32, #tpu.memory_space<vmem>> -> memref<1x16x128xi32, #tpu.memory_space<vmem>>
        %dma_start3A_1494 = tpu.memref_squeeze %dma_start3A_1493 : memref<1x16x128xi32, #tpu.memory_space<vmem>> -> memref<16x128xi32, #tpu.memory_space<vmem>>
        %dma_start3A_1495 = arith.constant 0 : i32
        %dma_start3A_1496 = tpu.memref_slice %arg2[%select_n3A_1449, %select_n3A_1473, %select_n3A_1489, %dma_start3A_1495] : memref<25x32x8x128xi32, #tpu.memory_space<hbm>> -> memref<1x16x1x128xi32, #tpu.memory_space<hbm>>
        %dma_start3A_1497 = tpu.memref_squeeze %dma_start3A_1496 : memref<1x16x1x128xi32, #tpu.memory_space<hbm>> -> memref<16x128xi32, #tpu.memory_space<hbm>>
        %dma_start3A_1498 = arith.constant 0 : i32
        %dma_start3A_1499 = arith.constant 0 : i32
        %dma_start3A_1500 = tpu.memref_slice %arg7[%dma_start3A_1490, %dma_start3A_1498, %dma_start3A_1499] : memref<4x16x128xi32, #tpu.memory_space<vmem>> -> memref<1x16x128xi32, #tpu.memory_space<vmem>>
        %dma_start3A_1501 = tpu.memref_squeeze %dma_start3A_1500 : memref<1x16x128xi32, #tpu.memory_space<vmem>> -> memref<16x128xi32, #tpu.memory_space<vmem>>
        %dma_start3A_1502 = arith.constant 0 : i32
        %dma_start3A_1503 = tpu.memref_slice %arg2[%select_n3A_1449, %select_n3A_1473, %select_n3A_1489, %dma_start3A_1502] : memref<25x32x8x128xi32, #tpu.memory_space<hbm>> -> memref<1x16x1x128xi32, #tpu.memory_space<hbm>>
        %dma_start3A_1504 = tpu.memref_squeeze %dma_start3A_1503 : memref<1x16x1x128xi32, #tpu.memory_space<hbm>> -> memref<16x128xi32, #tpu.memory_space<hbm>>
        tpu.enqueue_dma source(%dma_start3A_1504 : memref<16x128xi32, #tpu.memory_space<hbm>>) target(%dma_start3A_1501 : memref<16x128xi32, #tpu.memory_space<vmem>>) target_semaphore(%arg11 : memref<!tpu.dma_semaphore, #tpu.memory_space<semaphore_mem>>)
      } else {
      }
      %add3A_843 = arith.constant 2 : i32
      %add3A_844 = arith.addi %mul3A_309, %add3A_843 : i32
      %jit3A_845 = arith.constant 2 : i32
      %div3A_846 = arith.divsi %add3A_844, %jit3A_845 : i32
      %sign3A_847 = arith.constant 0 : i32
      %sign3A_848 = arith.cmpi sgt, %add3A_844, %sign3A_847 : i32
      %sign3A_849 = arith.extui %sign3A_848 : i1 to i32
      %sign3A_850 = arith.constant 0 : i32
      %sign3A_851 = arith.cmpi slt, %add3A_844, %sign3A_850 : i32
      %sign3A_852 = arith.extui %sign3A_851 : i1 to i32
      %sign3A_853 = arith.subi %sign3A_849, %sign3A_852 : i32
      %sign3A_854 = arith.constant 0 : i32
      %sign3A_855 = arith.cmpi sgt, %jit3A_845, %sign3A_854 : i32
      %sign3A_856 = arith.extui %sign3A_855 : i1 to i32
      %sign3A_857 = arith.constant 0 : i32
      %sign3A_858 = arith.cmpi slt, %jit3A_845, %sign3A_857 : i32
      %sign3A_859 = arith.extui %sign3A_858 : i1 to i32
      %sign3A_860 = arith.subi %sign3A_856, %sign3A_859 : i32
      %ne3A_861 = arith.cmpi ne, %sign3A_853, %sign3A_860 : i32
      %rem3A_862 = arith.remsi %add3A_844, %jit3A_845 : i32
      %ne3A_863 = arith.constant 0 : i32
      %ne3A_864 = arith.cmpi ne, %rem3A_862, %ne3A_863 : i32
      %and3A_865 = arith.andi %ne3A_861, %ne3A_864 : i1
      %sub3A_866 = arith.constant 1 : i32
      %sub3A_867 = arith.subi %div3A_846, %sub3A_866 : i32
      %select_n3A_868 = arith.select %and3A_865, %sub3A_867, %div3A_846 : i32
      %add3A_869 = arith.addi %mul3A_0, %select_n3A_868 : i32
      %jit3A_870 = arith.constant 2 : i32
      %eq3A_871 = arith.constant 0 : i32
      %eq3A_872 = arith.cmpi eq, %jit3A_870, %eq3A_871 : i32
      %jit3A_873 = arith.constant 1 : i32
      %select_n3A_874 = arith.select %eq3A_872, %jit3A_873, %jit3A_870 : i32
      %rem3A_875 = arith.remsi %add3A_844, %select_n3A_874 : i32
      %ne3A_876 = arith.constant 0 : i32
      %ne3A_877 = arith.cmpi ne, %rem3A_875, %ne3A_876 : i32
      %lt3A_878 = arith.constant 0 : i32
      %lt3A_879 = arith.cmpi slt, %rem3A_875, %lt3A_878 : i32
      %lt3A_880 = arith.constant 0 : i32
      %lt3A_881 = arith.cmpi slt, %select_n3A_874, %lt3A_880 : i32
      %ne3A_882 = arith.xori %lt3A_879, %lt3A_881 : i1
      %and3A_883 = arith.andi %ne3A_882, %ne3A_877 : i1
      %add3A_884 = arith.addi %rem3A_875, %select_n3A_874 : i32
      %select_n3A_885 = arith.select %and3A_883, %add3A_884, %rem3A_875 : i32
      %mul3A_886 = arith.constant 2048 : i32
      %mul3A_887 = arith.muli %select_n3A_885, %mul3A_886 : i32
      %jit3A_888 = arith.constant 8 : i32
      %div3A_889 = arith.divsi %add3A_869, %jit3A_888 : i32
      %sign3A_890 = arith.constant 0 : i32
      %sign3A_891 = arith.cmpi sgt, %add3A_869, %sign3A_890 : i32
      %sign3A_892 = arith.extui %sign3A_891 : i1 to i32
      %sign3A_893 = arith.constant 0 : i32
      %sign3A_894 = arith.cmpi slt, %add3A_869, %sign3A_893 : i32
      %sign3A_895 = arith.extui %sign3A_894 : i1 to i32
      %sign3A_896 = arith.subi %sign3A_892, %sign3A_895 : i32
      %sign3A_897 = arith.constant 0 : i32
      %sign3A_898 = arith.cmpi sgt, %jit3A_888, %sign3A_897 : i32
      %sign3A_899 = arith.extui %sign3A_898 : i1 to i32
      %sign3A_900 = arith.constant 0 : i32
      %sign3A_901 = arith.cmpi slt, %jit3A_888, %sign3A_900 : i32
      %sign3A_902 = arith.extui %sign3A_901 : i1 to i32
      %sign3A_903 = arith.subi %sign3A_899, %sign3A_902 : i32
      %ne3A_904 = arith.cmpi ne, %sign3A_896, %sign3A_903 : i32
      %rem3A_905 = arith.remsi %add3A_869, %jit3A_888 : i32
      %ne3A_906 = arith.constant 0 : i32
      %ne3A_907 = arith.cmpi ne, %rem3A_905, %ne3A_906 : i32
      %and3A_908 = arith.andi %ne3A_904, %ne3A_907 : i1
      %sub3A_909 = arith.constant 1 : i32
      %sub3A_910 = arith.subi %div3A_889, %sub3A_909 : i32
      %select_n3A_911 = arith.select %and3A_908, %sub3A_910, %div3A_889 : i32
      %jit3A_912 = arith.constant 128 : i32
      %div3A_913 = arith.divsi %mul3A_887, %jit3A_912 : i32
      %sign3A_914 = arith.constant 0 : i32
      %sign3A_915 = arith.cmpi sgt, %mul3A_887, %sign3A_914 : i32
      %sign3A_916 = arith.extui %sign3A_915 : i1 to i32
      %sign3A_917 = arith.constant 0 : i32
      %sign3A_918 = arith.cmpi slt, %mul3A_887, %sign3A_917 : i32
      %sign3A_919 = arith.extui %sign3A_918 : i1 to i32
      %sign3A_920 = arith.subi %sign3A_916, %sign3A_919 : i32
      %sign3A_921 = arith.constant 0 : i32
      %sign3A_922 = arith.cmpi sgt, %jit3A_912, %sign3A_921 : i32
      %sign3A_923 = arith.extui %sign3A_922 : i1 to i32
      %sign3A_924 = arith.constant 0 : i32
      %sign3A_925 = arith.cmpi slt, %jit3A_912, %sign3A_924 : i32
      %sign3A_926 = arith.extui %sign3A_925 : i1 to i32
      %sign3A_927 = arith.subi %sign3A_923, %sign3A_926 : i32
      %ne3A_928 = arith.cmpi ne, %sign3A_920, %sign3A_927 : i32
      %rem3A_929 = arith.remsi %mul3A_887, %jit3A_912 : i32
      %ne3A_930 = arith.constant 0 : i32
      %ne3A_931 = arith.cmpi ne, %rem3A_929, %ne3A_930 : i32
      %and3A_932 = arith.andi %ne3A_928, %ne3A_931 : i1
      %sub3A_933 = arith.constant 1 : i32
      %sub3A_934 = arith.subi %div3A_913, %sub3A_933 : i32
      %select_n3A_935 = arith.select %and3A_932, %sub3A_934, %div3A_913 : i32
      %jit3A_936 = arith.constant 8 : i32
      %eq3A_937 = arith.constant 0 : i32
      %eq3A_938 = arith.cmpi eq, %jit3A_936, %eq3A_937 : i32
      %jit3A_939 = arith.constant 1 : i32
      %select_n3A_940 = arith.select %eq3A_938, %jit3A_939, %jit3A_936 : i32
      %rem3A_941 = arith.remsi %add3A_869, %select_n3A_940 : i32
      %ne3A_942 = arith.constant 0 : i32
      %ne3A_943 = arith.cmpi ne, %rem3A_941, %ne3A_942 : i32
      %lt3A_944 = arith.constant 0 : i32
      %lt3A_945 = arith.cmpi slt, %rem3A_941, %lt3A_944 : i32
      %lt3A_946 = arith.constant 0 : i32
      %lt3A_947 = arith.cmpi slt, %select_n3A_940, %lt3A_946 : i32
      %ne3A_948 = arith.xori %lt3A_945, %lt3A_947 : i1
      %and3A_949 = arith.andi %ne3A_948, %ne3A_943 : i1
      %add3A_950 = arith.addi %rem3A_941, %select_n3A_940 : i32
      %select_n3A_951 = arith.select %and3A_949, %add3A_950, %rem3A_941 : i32
      %dma_wait3A_952 = arith.constant 2 : i32
      %dma_wait3A_953 = arith.constant 0 : i32
      %dma_wait3A_954 = arith.constant 0 : i32
      %dma_wait3A_955 = tpu.memref_slice %arg7[%dma_wait3A_952, %dma_wait3A_953, %dma_wait3A_954] : memref<4x16x128xi32, #tpu.memory_space<vmem>> -> memref<1x16x128xi32, #tpu.memory_space<vmem>>
      %dma_wait3A_956 = tpu.memref_squeeze %dma_wait3A_955 : memref<1x16x128xi32, #tpu.memory_space<vmem>> -> memref<16x128xi32, #tpu.memory_space<vmem>>
      %dma_wait3A_957 = arith.constant 0 : i32
      %dma_wait3A_958 = tpu.memref_slice %arg2[%select_n3A_911, %select_n3A_935, %select_n3A_951, %dma_wait3A_957] : memref<25x32x8x128xi32, #tpu.memory_space<hbm>> -> memref<1x16x1x128xi32, #tpu.memory_space<hbm>>
      %dma_wait3A_959 = tpu.memref_squeeze %dma_wait3A_958 : memref<1x16x1x128xi32, #tpu.memory_space<hbm>> -> memref<16x128xi32, #tpu.memory_space<hbm>>
      %dma_wait3A_960 = arith.constant 0 : i32
      %dma_wait3A_961 = arith.constant 0 : i32
      %dma_wait3A_962 = tpu.memref_slice %arg7[%dma_wait3A_952, %dma_wait3A_960, %dma_wait3A_961] : memref<4x16x128xi32, #tpu.memory_space<vmem>> -> memref<1x16x128xi32, #tpu.memory_space<vmem>>
      %dma_wait3A_963 = tpu.memref_squeeze %dma_wait3A_962 : memref<1x16x128xi32, #tpu.memory_space<vmem>> -> memref<16x128xi32, #tpu.memory_space<vmem>>
      %dma_wait3A_964 = arith.constant 0 : i32
      %dma_wait3A_965 = tpu.memref_slice %arg2[%select_n3A_911, %select_n3A_935, %select_n3A_951, %dma_wait3A_964] : memref<25x32x8x128xi32, #tpu.memory_space<hbm>> -> memref<1x16x1x128xi32, #tpu.memory_space<hbm>>
      %dma_wait3A_966 = tpu.memref_squeeze %dma_wait3A_965 : memref<1x16x1x128xi32, #tpu.memory_space<hbm>> -> memref<16x128xi32, #tpu.memory_space<hbm>>
      tpu.wait_dma2 semaphore(%arg12 : memref<!tpu.dma_semaphore, #tpu.memory_space<semaphore_mem>>) src(%dma_wait3A_966 : memref<16x128xi32, #tpu.memory_space<hbm>>) dst(%dma_wait3A_963 : memref<16x128xi32, #tpu.memory_space<vmem>>)
      %ge3A_967 = arith.constant 2 : i32
      %ge3A_968 = arith.cmpi sge, %add3A_844, %ge3A_967 : i32
      %convert_element_type3A_969 = arith.extui %ge3A_968 : i1 to i32
      %cond3A_970 = arith.constant 0 : i32
      %cond3A_971 = arith.cmpi ne, %convert_element_type3A_969, %cond3A_970 : i32
      scf.if %cond3A_971 {
        %sub3A_1381 = arith.constant 2 : i32
        %sub3A_1382 = arith.subi %add3A_844, %sub3A_1381 : i32
        %jit3A_1383 = arith.constant 2 : i32
        %div3A_1384 = arith.divsi %sub3A_1382, %jit3A_1383 : i32
        %sign3A_1385 = arith.constant 0 : i32
        %sign3A_1386 = arith.cmpi sgt, %sub3A_1382, %sign3A_1385 : i32
        %sign3A_1387 = arith.extui %sign3A_1386 : i1 to i32
        %sign3A_1388 = arith.constant 0 : i32
        %sign3A_1389 = arith.cmpi slt, %sub3A_1382, %sign3A_1388 : i32
        %sign3A_1390 = arith.extui %sign3A_1389 : i1 to i32
        %sign3A_1391 = arith.subi %sign3A_1387, %sign3A_1390 : i32
        %sign3A_1392 = arith.constant 0 : i32
        %sign3A_1393 = arith.cmpi sgt, %jit3A_1383, %sign3A_1392 : i32
        %sign3A_1394 = arith.extui %sign3A_1393 : i1 to i32
        %sign3A_1395 = arith.constant 0 : i32
        %sign3A_1396 = arith.cmpi slt, %jit3A_1383, %sign3A_1395 : i32
        %sign3A_1397 = arith.extui %sign3A_1396 : i1 to i32
        %sign3A_1398 = arith.subi %sign3A_1394, %sign3A_1397 : i32
        %ne3A_1399 = arith.cmpi ne, %sign3A_1391, %sign3A_1398 : i32
        %rem3A_1400 = arith.remsi %sub3A_1382, %jit3A_1383 : i32
        %ne3A_1401 = arith.constant 0 : i32
        %ne3A_1402 = arith.cmpi ne, %rem3A_1400, %ne3A_1401 : i32
        %and3A_1403 = arith.andi %ne3A_1399, %ne3A_1402 : i1
        %sub3A_1404 = arith.constant 1 : i32
        %sub3A_1405 = arith.subi %div3A_1384, %sub3A_1404 : i32
        %select_n3A_1406 = arith.select %and3A_1403, %sub3A_1405, %div3A_1384 : i32
        %add3A_1407 = arith.addi %mul3A_0, %select_n3A_1406 : i32
        %jit3A_1408 = arith.constant 2 : i32
        %eq3A_1409 = arith.constant 0 : i32
        %eq3A_1410 = arith.cmpi eq, %jit3A_1408, %eq3A_1409 : i32
        %jit3A_1411 = arith.constant 1 : i32
        %select_n3A_1412 = arith.select %eq3A_1410, %jit3A_1411, %jit3A_1408 : i32
        %rem3A_1413 = arith.remsi %sub3A_1382, %select_n3A_1412 : i32
        %ne3A_1414 = arith.constant 0 : i32
        %ne3A_1415 = arith.cmpi ne, %rem3A_1413, %ne3A_1414 : i32
        %lt3A_1416 = arith.constant 0 : i32
        %lt3A_1417 = arith.cmpi slt, %rem3A_1413, %lt3A_1416 : i32
        %lt3A_1418 = arith.constant 0 : i32
        %lt3A_1419 = arith.cmpi slt, %select_n3A_1412, %lt3A_1418 : i32
        %ne3A_1420 = arith.xori %lt3A_1417, %lt3A_1419 : i1
        %and3A_1421 = arith.andi %ne3A_1420, %ne3A_1415 : i1
        %add3A_1422 = arith.addi %rem3A_1413, %select_n3A_1412 : i32
        %select_n3A_1423 = arith.select %and3A_1421, %add3A_1422, %rem3A_1413 : i32
        %mul3A_1424 = arith.constant 2048 : i32
        %mul3A_1425 = arith.muli %select_n3A_1423, %mul3A_1424 : i32
        %jit3A_1426 = arith.constant 128 : i32
        %div3A_1427 = arith.divsi %mul3A_1425, %jit3A_1426 : i32
        %sign3A_1428 = arith.constant 0 : i32
        %sign3A_1429 = arith.cmpi sgt, %mul3A_1425, %sign3A_1428 : i32
        %sign3A_1430 = arith.extui %sign3A_1429 : i1 to i32
        %sign3A_1431 = arith.constant 0 : i32
        %sign3A_1432 = arith.cmpi slt, %mul3A_1425, %sign3A_1431 : i32
        %sign3A_1433 = arith.extui %sign3A_1432 : i1 to i32
        %sign3A_1434 = arith.subi %sign3A_1430, %sign3A_1433 : i32
        %sign3A_1435 = arith.constant 0 : i32
        %sign3A_1436 = arith.cmpi sgt, %jit3A_1426, %sign3A_1435 : i32
        %sign3A_1437 = arith.extui %sign3A_1436 : i1 to i32
        %sign3A_1438 = arith.constant 0 : i32
        %sign3A_1439 = arith.cmpi slt, %jit3A_1426, %sign3A_1438 : i32
        %sign3A_1440 = arith.extui %sign3A_1439 : i1 to i32
        %sign3A_1441 = arith.subi %sign3A_1437, %sign3A_1440 : i32
        %ne3A_1442 = arith.cmpi ne, %sign3A_1434, %sign3A_1441 : i32
        %rem3A_1443 = arith.remsi %mul3A_1425, %jit3A_1426 : i32
        %ne3A_1444 = arith.constant 0 : i32
        %ne3A_1445 = arith.cmpi ne, %rem3A_1443, %ne3A_1444 : i32
        %and3A_1446 = arith.andi %ne3A_1442, %ne3A_1445 : i1
        %sub3A_1447 = arith.constant 1 : i32
        %sub3A_1448 = arith.subi %div3A_1427, %sub3A_1447 : i32
        %select_n3A_1449 = arith.select %and3A_1446, %sub3A_1448, %div3A_1427 : i32
        %dma_wait3A_1450 = arith.constant 0 : i32
        %dma_wait3A_1451 = arith.constant 0 : i32
        %dma_wait3A_1452 = arith.constant 0 : i32
        %dma_wait3A_1453 = tpu.memref_slice %arg8[%dma_wait3A_1450, %dma_wait3A_1451, %dma_wait3A_1452] : memref<2x16x128xf32, #tpu.memory_space<vmem>> -> memref<1x16x128xf32, #tpu.memory_space<vmem>>
        %dma_wait3A_1454 = tpu.memref_squeeze %dma_wait3A_1453 : memref<1x16x128xf32, #tpu.memory_space<vmem>> -> memref<16x128xf32, #tpu.memory_space<vmem>>
        %dma_wait3A_1455 = arith.constant 0 : i32
        %dma_wait3A_1456 = tpu.memref_slice %arg5[%add3A_1407, %select_n3A, %select_n3A_1449, %select_n3A_29, %dma_wait3A_1455] : memref<200x2x32x8x128xf32, #tpu.memory_space<hbm>> -> memref<1x1x16x1x128xf32, #tpu.memory_space<hbm>>
        %dma_wait3A_1457 = tpu.memref_squeeze %dma_wait3A_1456 : memref<1x1x16x1x128xf32, #tpu.memory_space<hbm>> -> memref<16x128xf32, #tpu.memory_space<hbm>>
        %dma_wait3A_1458 = arith.constant 0 : i32
        %dma_wait3A_1459 = tpu.memref_slice %arg5[%add3A_1407, %select_n3A, %select_n3A_1449, %select_n3A_29, %dma_wait3A_1458] : memref<200x2x32x8x128xf32, #tpu.memory_space<hbm>> -> memref<1x1x16x1x128xf32, #tpu.memory_space<hbm>>
        %dma_wait3A_1460 = tpu.memref_squeeze %dma_wait3A_1459 : memref<1x1x16x1x128xf32, #tpu.memory_space<hbm>> -> memref<16x128xf32, #tpu.memory_space<hbm>>
        %dma_wait3A_1461 = arith.constant 0 : i32
        %dma_wait3A_1462 = arith.constant 0 : i32
        %dma_wait3A_1463 = tpu.memref_slice %arg8[%dma_wait3A_1450, %dma_wait3A_1461, %dma_wait3A_1462] : memref<2x16x128xf32, #tpu.memory_space<vmem>> -> memref<1x16x128xf32, #tpu.memory_space<vmem>>
        %dma_wait3A_1464 = tpu.memref_squeeze %dma_wait3A_1463 : memref<1x16x128xf32, #tpu.memory_space<vmem>> -> memref<16x128xf32, #tpu.memory_space<vmem>>
        tpu.wait_dma2 semaphore(%arg14 : memref<!tpu.dma_semaphore, #tpu.memory_space<semaphore_mem>>) src(%dma_wait3A_1464 : memref<16x128xf32, #tpu.memory_space<vmem>>) dst(%dma_wait3A_1460 : memref<16x128xf32, #tpu.memory_space<hbm>>)
      } else {
      }
      %jit3A_972 = arith.constant 2 : i32
      %div3A_973 = arith.divsi %add3A_844, %jit3A_972 : i32
      %sign3A_974 = arith.constant 0 : i32
      %sign3A_975 = arith.cmpi sgt, %add3A_844, %sign3A_974 : i32
      %sign3A_976 = arith.extui %sign3A_975 : i1 to i32
      %sign3A_977 = arith.constant 0 : i32
      %sign3A_978 = arith.cmpi slt, %add3A_844, %sign3A_977 : i32
      %sign3A_979 = arith.extui %sign3A_978 : i1 to i32
      %sign3A_980 = arith.subi %sign3A_976, %sign3A_979 : i32
      %sign3A_981 = arith.constant 0 : i32
      %sign3A_982 = arith.cmpi sgt, %jit3A_972, %sign3A_981 : i32
      %sign3A_983 = arith.extui %sign3A_982 : i1 to i32
      %sign3A_984 = arith.constant 0 : i32
      %sign3A_985 = arith.cmpi slt, %jit3A_972, %sign3A_984 : i32
      %sign3A_986 = arith.extui %sign3A_985 : i1 to i32
      %sign3A_987 = arith.subi %sign3A_983, %sign3A_986 : i32
      %ne3A_988 = arith.cmpi ne, %sign3A_980, %sign3A_987 : i32
      %rem3A_989 = arith.remsi %add3A_844, %jit3A_972 : i32
      %ne3A_990 = arith.constant 0 : i32
      %ne3A_991 = arith.cmpi ne, %rem3A_989, %ne3A_990 : i32
      %and3A_992 = arith.andi %ne3A_988, %ne3A_991 : i1
      %sub3A_993 = arith.constant 1 : i32
      %sub3A_994 = arith.subi %div3A_973, %sub3A_993 : i32
      %select_n3A_995 = arith.select %and3A_992, %sub3A_994, %div3A_973 : i32
      %add3A_996 = arith.addi %mul3A_0, %select_n3A_995 : i32
      %jit3A_997 = arith.constant 2 : i32
      %eq3A_998 = arith.constant 0 : i32
      %eq3A_999 = arith.cmpi eq, %jit3A_997, %eq3A_998 : i32
      %jit3A_1000 = arith.constant 1 : i32
      %select_n3A_1001 = arith.select %eq3A_999, %jit3A_1000, %jit3A_997 : i32
      %rem3A_1002 = arith.remsi %add3A_844, %select_n3A_1001 : i32
      %ne3A_1003 = arith.constant 0 : i32
      %ne3A_1004 = arith.cmpi ne, %rem3A_1002, %ne3A_1003 : i32
      %lt3A_1005 = arith.constant 0 : i32
      %lt3A_1006 = arith.cmpi slt, %rem3A_1002, %lt3A_1005 : i32
      %lt3A_1007 = arith.constant 0 : i32
      %lt3A_1008 = arith.cmpi slt, %select_n3A_1001, %lt3A_1007 : i32
      %ne3A_1009 = arith.xori %lt3A_1006, %lt3A_1008 : i1
      %and3A_1010 = arith.andi %ne3A_1009, %ne3A_1004 : i1
      %add3A_1011 = arith.addi %rem3A_1002, %select_n3A_1001 : i32
      %select_n3A_1012 = arith.select %and3A_1010, %add3A_1011, %rem3A_1002 : i32
      %mul3A_1013 = arith.constant 2048 : i32
      %mul3A_1014 = arith.muli %select_n3A_1012, %mul3A_1013 : i32
      %get3A_1015 = arith.index_cast %add3A_996 : i32 to index
      %get3A_1016 = arith.constant 0 : index
      %get3A_1017 = tpu.vector_load %arg9[%get3A_1015, %get3A_1016] {strides = array<i32>} : memref<200x16xf32, #tpu.memory_space<vmem>>, vector<16xf32>,
      %parallel_loop3A_1018 = arith.constant 0 : i32
      %parallel_loop3A_1019 = arith.constant 128 : i32
      %parallel_loop3A_1020 = arith.constant 1 : i32
      %parallel_loop3A_1021 = arith.constant 2 : i32
      %parallel_loop3A_1022 = arith.constant 0 : i32
      scf.for %parallel_loop3A_1381 = %parallel_loop3A_1018 to %parallel_loop3A_1019 step %parallel_loop3A_1020  : i32 {
        %parallel_loop3A_1382 = arith.constant 8 : i32
        %parallel_loop3A_1383 = arith.divsi %parallel_loop3A_1381, %parallel_loop3A_1382 : i32
        %parallel_loop3A_1384 = arith.constant 0 : i32
        %parallel_loop3A_1385 = arith.cmpi sgt, %parallel_loop3A_1381, %parallel_loop3A_1384 : i32
        %parallel_loop3A_1386 = arith.extui %parallel_loop3A_1385 : i1 to i32
        %parallel_loop3A_1387 = arith.constant 0 : i32
        %parallel_loop3A_1388 = arith.cmpi slt, %parallel_loop3A_1381, %parallel_loop3A_1387 : i32
        %parallel_loop3A_1389 = arith.extui %parallel_loop3A_1388 : i1 to i32
        %parallel_loop3A_1390 = arith.subi %parallel_loop3A_1386, %parallel_loop3A_1389 : i32
        %parallel_loop3A_1391 = arith.constant 0 : i32
        %parallel_loop3A_1392 = arith.cmpi sgt, %parallel_loop3A_1382, %parallel_loop3A_1391 : i32
        %parallel_loop3A_1393 = arith.extui %parallel_loop3A_1392 : i1 to i32
        %parallel_loop3A_1394 = arith.constant 0 : i32
        %parallel_loop3A_1395 = arith.cmpi slt, %parallel_loop3A_1382, %parallel_loop3A_1394 : i32
        %parallel_loop3A_1396 = arith.extui %parallel_loop3A_1395 : i1 to i32
        %parallel_loop3A_1397 = arith.subi %parallel_loop3A_1393, %parallel_loop3A_1396 : i32
        %parallel_loop3A_1398 = arith.cmpi ne, %parallel_loop3A_1390, %parallel_loop3A_1397 : i32
        %parallel_loop3A_1399 = arith.remsi %parallel_loop3A_1381, %parallel_loop3A_1382 : i32
        %parallel_loop3A_1400 = arith.constant 0 : i32
        %parallel_loop3A_1401 = arith.cmpi ne, %parallel_loop3A_1399, %parallel_loop3A_1400 : i32
        %parallel_loop3A_1402 = arith.andi %parallel_loop3A_1398, %parallel_loop3A_1401 : i1
        %parallel_loop3A_1403 = arith.constant 1 : i32
        %parallel_loop3A_1404 = arith.subi %parallel_loop3A_1383, %parallel_loop3A_1403 : i32
        %parallel_loop3A_1405 = arith.select %parallel_loop3A_1402, %parallel_loop3A_1404, %parallel_loop3A_1383 : i32
        %parallel_loop3A_1406 = arith.constant 8 : i32
        %parallel_loop3A_1407 = arith.constant 0 : i32
        %parallel_loop3A_1408 = arith.cmpi eq, %parallel_loop3A_1406, %parallel_loop3A_1407 : i32
        %parallel_loop3A_1409 = arith.constant 1 : i32
        %parallel_loop3A_1410 = arith.select %parallel_loop3A_1408, %parallel_loop3A_1409, %parallel_loop3A_1406 : i32
        %parallel_loop3A_1411 = arith.remsi %parallel_loop3A_1381, %parallel_loop3A_1410 : i32
        %parallel_loop3A_1412 = arith.constant 0 : i32
        %parallel_loop3A_1413 = arith.cmpi ne, %parallel_loop3A_1411, %parallel_loop3A_1412 : i32
        %parallel_loop3A_1414 = arith.constant 0 : i32
        %parallel_loop3A_1415 = arith.cmpi slt, %parallel_loop3A_1411, %parallel_loop3A_1414 : i32
        %parallel_loop3A_1416 = arith.constant 0 : i32
        %parallel_loop3A_1417 = arith.cmpi slt, %parallel_loop3A_1410, %parallel_loop3A_1416 : i32
        %parallel_loop3A_1418 = arith.xori %parallel_loop3A_1415, %parallel_loop3A_1417 : i1
        %parallel_loop3A_1419 = arith.andi %parallel_loop3A_1418, %parallel_loop3A_1413 : i1
        %parallel_loop3A_1420 = arith.addi %parallel_loop3A_1411, %parallel_loop3A_1410 : i32
        %parallel_loop3A_1421 = arith.select %parallel_loop3A_1419, %parallel_loop3A_1420, %parallel_loop3A_1411 : i32
        %parallel_loop3A_1422 = arith.constant 16 : i32
        %parallel_loop3A_1423 = arith.muli %parallel_loop3A_1421, %parallel_loop3A_1422 : i32
        %parallel_loop3A_1424 = arith.constant 0 : i32
        %parallel_loop3A_1425 = arith.constant 0 : i32
        %parallel_loop3A_1426 = tpu.memref_slice %arg7[%parallel_loop3A_1021, %parallel_loop3A_1424, %parallel_loop3A_1425] : memref<4x16x128xi32, #tpu.memory_space<vmem>> -> memref<1x16x128xi32, #tpu.memory_space<vmem>>
        %parallel_loop3A_1427 = tpu.memref_squeeze %parallel_loop3A_1426 : memref<1x16x128xi32, #tpu.memory_space<vmem>> -> memref<16x128xi32, #tpu.memory_space<vmem>>
        %parallel_loop3A_1428 = arith.index_cast %parallel_loop3A_1405 : i32 to index
        %parallel_loop3A_1429 = arith.index_cast %parallel_loop3A_1423 : i32 to index
        %parallel_loop3A_1430 = tpu.vector_load %parallel_loop3A_1427[%parallel_loop3A_1428, %parallel_loop3A_1429] {strides = array<i32>} : memref<16x128xi32, #tpu.memory_space<vmem>>, vector<16xi32>,
        %parallel_loop3A_1431 = tpu.vector_load_idx %arg6[%parallel_loop3A_1430] : memref<100000xf32, #tpu.memory_space<vmem>>[vector<16xi32>], vector<16xf32>,
        %parallel_loop3A_1432 = arith.addf %parallel_loop3A_1431, %get3A_1017 : vector<16xf32>
        %parallel_loop3A_1433 = arith.constant 8 : i32
        %parallel_loop3A_1434 = arith.divsi %parallel_loop3A_1381, %parallel_loop3A_1433 : i32
        %parallel_loop3A_1435 = arith.constant 0 : i32
        %parallel_loop3A_1436 = arith.cmpi sgt, %parallel_loop3A_1381, %parallel_loop3A_1435 : i32
        %parallel_loop3A_1437 = arith.extui %parallel_loop3A_1436 : i1 to i32
        %parallel_loop3A_1438 = arith.constant 0 : i32
        %parallel_loop3A_1439 = arith.cmpi slt, %parallel_loop3A_1381, %parallel_loop3A_1438 : i32
        %parallel_loop3A_1440 = arith.extui %parallel_loop3A_1439 : i1 to i32
        %parallel_loop3A_1441 = arith.subi %parallel_loop3A_1437, %parallel_loop3A_1440 : i32
        %parallel_loop3A_1442 = arith.constant 0 : i32
        %parallel_loop3A_1443 = arith.cmpi sgt, %parallel_loop3A_1433, %parallel_loop3A_1442 : i32
        %parallel_loop3A_1444 = arith.extui %parallel_loop3A_1443 : i1 to i32
        %parallel_loop3A_1445 = arith.constant 0 : i32
        %parallel_loop3A_1446 = arith.cmpi slt, %parallel_loop3A_1433, %parallel_loop3A_1445 : i32
        %parallel_loop3A_1447 = arith.extui %parallel_loop3A_1446 : i1 to i32
        %parallel_loop3A_1448 = arith.subi %parallel_loop3A_1444, %parallel_loop3A_1447 : i32
        %parallel_loop3A_1449 = arith.cmpi ne, %parallel_loop3A_1441, %parallel_loop3A_1448 : i32
        %parallel_loop3A_1450 = arith.remsi %parallel_loop3A_1381, %parallel_loop3A_1433 : i32
        %parallel_loop3A_1451 = arith.constant 0 : i32
        %parallel_loop3A_1452 = arith.cmpi ne, %parallel_loop3A_1450, %parallel_loop3A_1451 : i32
        %parallel_loop3A_1453 = arith.andi %parallel_loop3A_1449, %parallel_loop3A_1452 : i1
        %parallel_loop3A_1454 = arith.constant 1 : i32
        %parallel_loop3A_1455 = arith.subi %parallel_loop3A_1434, %parallel_loop3A_1454 : i32
        %parallel_loop3A_1456 = arith.select %parallel_loop3A_1453, %parallel_loop3A_1455, %parallel_loop3A_1434 : i32
        %parallel_loop3A_1457 = arith.constant 8 : i32
        %parallel_loop3A_1458 = arith.constant 0 : i32
        %parallel_loop3A_1459 = arith.cmpi eq, %parallel_loop3A_1457, %parallel_loop3A_1458 : i32
        %parallel_loop3A_1460 = arith.constant 1 : i32
        %parallel_loop3A_1461 = arith.select %parallel_loop3A_1459, %parallel_loop3A_1460, %parallel_loop3A_1457 : i32
        %parallel_loop3A_1462 = arith.remsi %parallel_loop3A_1381, %parallel_loop3A_1461 : i32
        %parallel_loop3A_1463 = arith.constant 0 : i32
        %parallel_loop3A_1464 = arith.cmpi ne, %parallel_loop3A_1462, %parallel_loop3A_1463 : i32
        %parallel_loop3A_1465 = arith.constant 0 : i32
        %parallel_loop3A_1466 = arith.cmpi slt, %parallel_loop3A_1462, %parallel_loop3A_1465 : i32
        %parallel_loop3A_1467 = arith.constant 0 : i32
        %parallel_loop3A_1468 = arith.cmpi slt, %parallel_loop3A_1461, %parallel_loop3A_1467 : i32
        %parallel_loop3A_1469 = arith.xori %parallel_loop3A_1466, %parallel_loop3A_1468 : i1
        %parallel_loop3A_1470 = arith.andi %parallel_loop3A_1469, %parallel_loop3A_1464 : i1
        %parallel_loop3A_1471 = arith.addi %parallel_loop3A_1462, %parallel_loop3A_1461 : i32
        %parallel_loop3A_1472 = arith.select %parallel_loop3A_1470, %parallel_loop3A_1471, %parallel_loop3A_1462 : i32
        %parallel_loop3A_1473 = arith.constant 16 : i32
        %parallel_loop3A_1474 = arith.muli %parallel_loop3A_1472, %parallel_loop3A_1473 : i32
        %parallel_loop3A_1475 = arith.constant 0 : i32
        %parallel_loop3A_1476 = arith.constant 0 : i32
        %parallel_loop3A_1477 = tpu.memref_slice %arg8[%parallel_loop3A_1022, %parallel_loop3A_1475, %parallel_loop3A_1476] : memref<2x16x128xf32, #tpu.memory_space<vmem>> -> memref<1x16x128xf32, #tpu.memory_space<vmem>>
        %parallel_loop3A_1478 = tpu.memref_squeeze %parallel_loop3A_1477 : memref<1x16x128xf32, #tpu.memory_space<vmem>> -> memref<16x128xf32, #tpu.memory_space<vmem>>
        %parallel_loop3A_1479 = arith.index_cast %parallel_loop3A_1456 : i32 to index
        %parallel_loop3A_1480 = arith.index_cast %parallel_loop3A_1474 : i32 to index
        %parallel_loop3A_1481 = tpu.vector_load %parallel_loop3A_1478[%parallel_loop3A_1479, %parallel_loop3A_1480] {strides = array<i32>} : memref<16x128xf32, #tpu.memory_space<vmem>>, vector<16xf32>,
        tpu.vector_store %parallel_loop3A_1478[%parallel_loop3A_1479, %parallel_loop3A_1480], %parallel_loop3A_1432 {strides = array<i32>} : memref<16x128xf32, #tpu.memory_space<vmem>>, vector<16xf32>,
      } {sc.loop_unroll_factor = 8 : i64, sc.parallel_access}
      %jit3A_1023 = arith.constant 2 : i32
      %div3A_1024 = arith.divsi %add3A_844, %jit3A_1023 : i32
      %sign3A_1025 = arith.constant 0 : i32
      %sign3A_1026 = arith.cmpi sgt, %add3A_844, %sign3A_1025 : i32
      %sign3A_1027 = arith.extui %sign3A_1026 : i1 to i32
      %sign3A_1028 = arith.constant 0 : i32
      %sign3A_1029 = arith.cmpi slt, %add3A_844, %sign3A_1028 : i32
      %sign3A_1030 = arith.extui %sign3A_1029 : i1 to i32
      %sign3A_1031 = arith.subi %sign3A_1027, %sign3A_1030 : i32
      %sign3A_1032 = arith.constant 0 : i32
      %sign3A_1033 = arith.cmpi sgt, %jit3A_1023, %sign3A_1032 : i32
      %sign3A_1034 = arith.extui %sign3A_1033 : i1 to i32
      %sign3A_1035 = arith.constant 0 : i32
      %sign3A_1036 = arith.cmpi slt, %jit3A_1023, %sign3A_1035 : i32
      %sign3A_1037 = arith.extui %sign3A_1036 : i1 to i32
      %sign3A_1038 = arith.subi %sign3A_1034, %sign3A_1037 : i32
      %ne3A_1039 = arith.cmpi ne, %sign3A_1031, %sign3A_1038 : i32
      %rem3A_1040 = arith.remsi %add3A_844, %jit3A_1023 : i32
      %ne3A_1041 = arith.constant 0 : i32
      %ne3A_1042 = arith.cmpi ne, %rem3A_1040, %ne3A_1041 : i32
      %and3A_1043 = arith.andi %ne3A_1039, %ne3A_1042 : i1
      %sub3A_1044 = arith.constant 1 : i32
      %sub3A_1045 = arith.subi %div3A_1024, %sub3A_1044 : i32
      %select_n3A_1046 = arith.select %and3A_1043, %sub3A_1045, %div3A_1024 : i32
      %add3A_1047 = arith.addi %mul3A_0, %select_n3A_1046 : i32
      %jit3A_1048 = arith.constant 2 : i32
      %eq3A_1049 = arith.constant 0 : i32
      %eq3A_1050 = arith.cmpi eq, %jit3A_1048, %eq3A_1049 : i32
      %jit3A_1051 = arith.constant 1 : i32
      %select_n3A_1052 = arith.select %eq3A_1050, %jit3A_1051, %jit3A_1048 : i32
      %rem3A_1053 = arith.remsi %add3A_844, %select_n3A_1052 : i32
      %ne3A_1054 = arith.constant 0 : i32
      %ne3A_1055 = arith.cmpi ne, %rem3A_1053, %ne3A_1054 : i32
      %lt3A_1056 = arith.constant 0 : i32
      %lt3A_1057 = arith.cmpi slt, %rem3A_1053, %lt3A_1056 : i32
      %lt3A_1058 = arith.constant 0 : i32
      %lt3A_1059 = arith.cmpi slt, %select_n3A_1052, %lt3A_1058 : i32
      %ne3A_1060 = arith.xori %lt3A_1057, %lt3A_1059 : i1
      %and3A_1061 = arith.andi %ne3A_1060, %ne3A_1055 : i1
      %add3A_1062 = arith.addi %rem3A_1053, %select_n3A_1052 : i32
      %select_n3A_1063 = arith.select %and3A_1061, %add3A_1062, %rem3A_1053 : i32
      %mul3A_1064 = arith.constant 2048 : i32
      %mul3A_1065 = arith.muli %select_n3A_1063, %mul3A_1064 : i32
      %jit3A_1066 = arith.constant 128 : i32
      %div3A_1067 = arith.divsi %mul3A_1065, %jit3A_1066 : i32
      %sign3A_1068 = arith.constant 0 : i32
      %sign3A_1069 = arith.cmpi sgt, %mul3A_1065, %sign3A_1068 : i32
      %sign3A_1070 = arith.extui %sign3A_1069 : i1 to i32
      %sign3A_1071 = arith.constant 0 : i32
      %sign3A_1072 = arith.cmpi slt, %mul3A_1065, %sign3A_1071 : i32
      %sign3A_1073 = arith.extui %sign3A_1072 : i1 to i32
      %sign3A_1074 = arith.subi %sign3A_1070, %sign3A_1073 : i32
      %sign3A_1075 = arith.constant 0 : i32
      %sign3A_1076 = arith.cmpi sgt, %jit3A_1066, %sign3A_1075 : i32
      %sign3A_1077 = arith.extui %sign3A_1076 : i1 to i32
      %sign3A_1078 = arith.constant 0 : i32
      %sign3A_1079 = arith.cmpi slt, %jit3A_1066, %sign3A_1078 : i32
      %sign3A_1080 = arith.extui %sign3A_1079 : i1 to i32
      %sign3A_1081 = arith.subi %sign3A_1077, %sign3A_1080 : i32
      %ne3A_1082 = arith.cmpi ne, %sign3A_1074, %sign3A_1081 : i32
      %rem3A_1083 = arith.remsi %mul3A_1065, %jit3A_1066 : i32
      %ne3A_1084 = arith.constant 0 : i32
      %ne3A_1085 = arith.cmpi ne, %rem3A_1083, %ne3A_1084 : i32
      %and3A_1086 = arith.andi %ne3A_1082, %ne3A_1085 : i1
      %sub3A_1087 = arith.constant 1 : i32
      %sub3A_1088 = arith.subi %div3A_1067, %sub3A_1087 : i32
      %select_n3A_1089 = arith.select %and3A_1086, %sub3A_1088, %div3A_1067 : i32
      %dma_start3A_1090 = arith.constant 0 : i32
      %dma_start3A_1091 = arith.constant 0 : i32
      %dma_start3A_1092 = arith.constant 0 : i32
      %dma_start3A_1093 = tpu.memref_slice %arg8[%dma_start3A_1090, %dma_start3A_1091, %dma_start3A_1092] : memref<2x16x128xf32, #tpu.memory_space<vmem>> -> memref<1x16x128xf32, #tpu.memory_space<vmem>>
      %dma_start3A_1094 = tpu.memref_squeeze %dma_start3A_1093 : memref<1x16x128xf32, #tpu.memory_space<vmem>> -> memref<16x128xf32, #tpu.memory_space<vmem>>
      %dma_start3A_1095 = arith.constant 0 : i32
      %dma_start3A_1096 = tpu.memref_slice %arg5[%add3A_1047, %select_n3A, %select_n3A_1089, %select_n3A_29, %dma_start3A_1095] : memref<200x2x32x8x128xf32, #tpu.memory_space<hbm>> -> memref<1x1x16x1x128xf32, #tpu.memory_space<hbm>>
      %dma_start3A_1097 = tpu.memref_squeeze %dma_start3A_1096 : memref<1x1x16x1x128xf32, #tpu.memory_space<hbm>> -> memref<16x128xf32, #tpu.memory_space<hbm>>
      %dma_start3A_1098 = arith.constant 0 : i32
      %dma_start3A_1099 = tpu.memref_slice %arg5[%add3A_1047, %select_n3A, %select_n3A_1089, %select_n3A_29, %dma_start3A_1098] : memref<200x2x32x8x128xf32, #tpu.memory_space<hbm>> -> memref<1x1x16x1x128xf32, #tpu.memory_space<hbm>>
      %dma_start3A_1100 = tpu.memref_squeeze %dma_start3A_1099 : memref<1x1x16x1x128xf32, #tpu.memory_space<hbm>> -> memref<16x128xf32, #tpu.memory_space<hbm>>
      %dma_start3A_1101 = arith.constant 0 : i32
      %dma_start3A_1102 = arith.constant 0 : i32
      %dma_start3A_1103 = tpu.memref_slice %arg8[%dma_start3A_1090, %dma_start3A_1101, %dma_start3A_1102] : memref<2x16x128xf32, #tpu.memory_space<vmem>> -> memref<1x16x128xf32, #tpu.memory_space<vmem>>
      %dma_start3A_1104 = tpu.memref_squeeze %dma_start3A_1103 : memref<1x16x128xf32, #tpu.memory_space<vmem>> -> memref<16x128xf32, #tpu.memory_space<vmem>>
      tpu.enqueue_dma source(%dma_start3A_1104 : memref<16x128xf32, #tpu.memory_space<vmem>>) target(%dma_start3A_1100 : memref<16x128xf32, #tpu.memory_space<hbm>>) target_semaphore(%arg14 : memref<!tpu.dma_semaphore, #tpu.memory_space<semaphore_mem>>)
      %add3A_1105 = arith.constant 4 : i32
      %add3A_1106 = arith.addi %add3A_844, %add3A_1105 : i32
      %lt3A_1107 = arith.constant 200 : i32
      %lt3A_1108 = arith.cmpi slt, %add3A_1106, %lt3A_1107 : i32
      %convert_element_type3A_1109 = arith.extui %lt3A_1108 : i1 to i32
      %cond3A_1110 = arith.constant 0 : i32
      %cond3A_1111 = arith.cmpi ne, %convert_element_type3A_1109, %cond3A_1110 : i32
      scf.if %cond3A_1111 {
        %add3A_1381 = arith.constant 4 : i32
        %add3A_1382 = arith.addi %add3A_844, %add3A_1381 : i32
        %jit3A_1383 = arith.constant 2 : i32
        %div3A_1384 = arith.divsi %add3A_1382, %jit3A_1383 : i32
        %sign3A_1385 = arith.constant 0 : i32
        %sign3A_1386 = arith.cmpi sgt, %add3A_1382, %sign3A_1385 : i32
        %sign3A_1387 = arith.extui %sign3A_1386 : i1 to i32
        %sign3A_1388 = arith.constant 0 : i32
        %sign3A_1389 = arith.cmpi slt, %add3A_1382, %sign3A_1388 : i32
        %sign3A_1390 = arith.extui %sign3A_1389 : i1 to i32
        %sign3A_1391 = arith.subi %sign3A_1387, %sign3A_1390 : i32
        %sign3A_1392 = arith.constant 0 : i32
        %sign3A_1393 = arith.cmpi sgt, %jit3A_1383, %sign3A_1392 : i32
        %sign3A_1394 = arith.extui %sign3A_1393 : i1 to i32
        %sign3A_1395 = arith.constant 0 : i32
        %sign3A_1396 = arith.cmpi slt, %jit3A_1383, %sign3A_1395 : i32
        %sign3A_1397 = arith.extui %sign3A_1396 : i1 to i32
        %sign3A_1398 = arith.subi %sign3A_1394, %sign3A_1397 : i32
        %ne3A_1399 = arith.cmpi ne, %sign3A_1391, %sign3A_1398 : i32
        %rem3A_1400 = arith.remsi %add3A_1382, %jit3A_1383 : i32
        %ne3A_1401 = arith.constant 0 : i32
        %ne3A_1402 = arith.cmpi ne, %rem3A_1400, %ne3A_1401 : i32
        %and3A_1403 = arith.andi %ne3A_1399, %ne3A_1402 : i1
        %sub3A_1404 = arith.constant 1 : i32
        %sub3A_1405 = arith.subi %div3A_1384, %sub3A_1404 : i32
        %select_n3A_1406 = arith.select %and3A_1403, %sub3A_1405, %div3A_1384 : i32
        %add3A_1407 = arith.addi %mul3A_0, %select_n3A_1406 : i32
        %jit3A_1408 = arith.constant 2 : i32
        %eq3A_1409 = arith.constant 0 : i32
        %eq3A_1410 = arith.cmpi eq, %jit3A_1408, %eq3A_1409 : i32
        %jit3A_1411 = arith.constant 1 : i32
        %select_n3A_1412 = arith.select %eq3A_1410, %jit3A_1411, %jit3A_1408 : i32
        %rem3A_1413 = arith.remsi %add3A_1382, %select_n3A_1412 : i32
        %ne3A_1414 = arith.constant 0 : i32
        %ne3A_1415 = arith.cmpi ne, %rem3A_1413, %ne3A_1414 : i32
        %lt3A_1416 = arith.constant 0 : i32
        %lt3A_1417 = arith.cmpi slt, %rem3A_1413, %lt3A_1416 : i32
        %lt3A_1418 = arith.constant 0 : i32
        %lt3A_1419 = arith.cmpi slt, %select_n3A_1412, %lt3A_1418 : i32
        %ne3A_1420 = arith.xori %lt3A_1417, %lt3A_1419 : i1
        %and3A_1421 = arith.andi %ne3A_1420, %ne3A_1415 : i1
        %add3A_1422 = arith.addi %rem3A_1413, %select_n3A_1412 : i32
        %select_n3A_1423 = arith.select %and3A_1421, %add3A_1422, %rem3A_1413 : i32
        %mul3A_1424 = arith.constant 2048 : i32
        %mul3A_1425 = arith.muli %select_n3A_1423, %mul3A_1424 : i32
        %jit3A_1426 = arith.constant 8 : i32
        %div3A_1427 = arith.divsi %add3A_1407, %jit3A_1426 : i32
        %sign3A_1428 = arith.constant 0 : i32
        %sign3A_1429 = arith.cmpi sgt, %add3A_1407, %sign3A_1428 : i32
        %sign3A_1430 = arith.extui %sign3A_1429 : i1 to i32
        %sign3A_1431 = arith.constant 0 : i32
        %sign3A_1432 = arith.cmpi slt, %add3A_1407, %sign3A_1431 : i32
        %sign3A_1433 = arith.extui %sign3A_1432 : i1 to i32
        %sign3A_1434 = arith.subi %sign3A_1430, %sign3A_1433 : i32
        %sign3A_1435 = arith.constant 0 : i32
        %sign3A_1436 = arith.cmpi sgt, %jit3A_1426, %sign3A_1435 : i32
        %sign3A_1437 = arith.extui %sign3A_1436 : i1 to i32
        %sign3A_1438 = arith.constant 0 : i32
        %sign3A_1439 = arith.cmpi slt, %jit3A_1426, %sign3A_1438 : i32
        %sign3A_1440 = arith.extui %sign3A_1439 : i1 to i32
        %sign3A_1441 = arith.subi %sign3A_1437, %sign3A_1440 : i32
        %ne3A_1442 = arith.cmpi ne, %sign3A_1434, %sign3A_1441 : i32
        %rem3A_1443 = arith.remsi %add3A_1407, %jit3A_1426 : i32
        %ne3A_1444 = arith.constant 0 : i32
        %ne3A_1445 = arith.cmpi ne, %rem3A_1443, %ne3A_1444 : i32
        %and3A_1446 = arith.andi %ne3A_1442, %ne3A_1445 : i1
        %sub3A_1447 = arith.constant 1 : i32
        %sub3A_1448 = arith.subi %div3A_1427, %sub3A_1447 : i32
        %select_n3A_1449 = arith.select %and3A_1446, %sub3A_1448, %div3A_1427 : i32
        %jit3A_1450 = arith.constant 128 : i32
        %div3A_1451 = arith.divsi %mul3A_1425, %jit3A_1450 : i32
        %sign3A_1452 = arith.constant 0 : i32
        %sign3A_1453 = arith.cmpi sgt, %mul3A_1425, %sign3A_1452 : i32
        %sign3A_1454 = arith.extui %sign3A_1453 : i1 to i32
        %sign3A_1455 = arith.constant 0 : i32
        %sign3A_1456 = arith.cmpi slt, %mul3A_1425, %sign3A_1455 : i32
        %sign3A_1457 = arith.extui %sign3A_1456 : i1 to i32
        %sign3A_1458 = arith.subi %sign3A_1454, %sign3A_1457 : i32
        %sign3A_1459 = arith.constant 0 : i32
        %sign3A_1460 = arith.cmpi sgt, %jit3A_1450, %sign3A_1459 : i32
        %sign3A_1461 = arith.extui %sign3A_1460 : i1 to i32
        %sign3A_1462 = arith.constant 0 : i32
        %sign3A_1463 = arith.cmpi slt, %jit3A_1450, %sign3A_1462 : i32
        %sign3A_1464 = arith.extui %sign3A_1463 : i1 to i32
        %sign3A_1465 = arith.subi %sign3A_1461, %sign3A_1464 : i32
        %ne3A_1466 = arith.cmpi ne, %sign3A_1458, %sign3A_1465 : i32
        %rem3A_1467 = arith.remsi %mul3A_1425, %jit3A_1450 : i32
        %ne3A_1468 = arith.constant 0 : i32
        %ne3A_1469 = arith.cmpi ne, %rem3A_1467, %ne3A_1468 : i32
        %and3A_1470 = arith.andi %ne3A_1466, %ne3A_1469 : i1
        %sub3A_1471 = arith.constant 1 : i32
        %sub3A_1472 = arith.subi %div3A_1451, %sub3A_1471 : i32
        %select_n3A_1473 = arith.select %and3A_1470, %sub3A_1472, %div3A_1451 : i32
        %jit3A_1474 = arith.constant 8 : i32
        %eq3A_1475 = arith.constant 0 : i32
        %eq3A_1476 = arith.cmpi eq, %jit3A_1474, %eq3A_1475 : i32
        %jit3A_1477 = arith.constant 1 : i32
        %select_n3A_1478 = arith.select %eq3A_1476, %jit3A_1477, %jit3A_1474 : i32
        %rem3A_1479 = arith.remsi %add3A_1407, %select_n3A_1478 : i32
        %ne3A_1480 = arith.constant 0 : i32
        %ne3A_1481 = arith.cmpi ne, %rem3A_1479, %ne3A_1480 : i32
        %lt3A_1482 = arith.constant 0 : i32
        %lt3A_1483 = arith.cmpi slt, %rem3A_1479, %lt3A_1482 : i32
        %lt3A_1484 = arith.constant 0 : i32
        %lt3A_1485 = arith.cmpi slt, %select_n3A_1478, %lt3A_1484 : i32
        %ne3A_1486 = arith.xori %lt3A_1483, %lt3A_1485 : i1
        %and3A_1487 = arith.andi %ne3A_1486, %ne3A_1481 : i1
        %add3A_1488 = arith.addi %rem3A_1479, %select_n3A_1478 : i32
        %select_n3A_1489 = arith.select %and3A_1487, %add3A_1488, %rem3A_1479 : i32
        %dma_start3A_1490 = arith.constant 2 : i32
        %dma_start3A_1491 = arith.constant 0 : i32
        %dma_start3A_1492 = arith.constant 0 : i32
        %dma_start3A_1493 = tpu.memref_slice %arg7[%dma_start3A_1490, %dma_start3A_1491, %dma_start3A_1492] : memref<4x16x128xi32, #tpu.memory_space<vmem>> -> memref<1x16x128xi32, #tpu.memory_space<vmem>>
        %dma_start3A_1494 = tpu.memref_squeeze %dma_start3A_1493 : memref<1x16x128xi32, #tpu.memory_space<vmem>> -> memref<16x128xi32, #tpu.memory_space<vmem>>
        %dma_start3A_1495 = arith.constant 0 : i32
        %dma_start3A_1496 = tpu.memref_slice %arg2[%select_n3A_1449, %select_n3A_1473, %select_n3A_1489, %dma_start3A_1495] : memref<25x32x8x128xi32, #tpu.memory_space<hbm>> -> memref<1x16x1x128xi32, #tpu.memory_space<hbm>>
        %dma_start3A_1497 = tpu.memref_squeeze %dma_start3A_1496 : memref<1x16x1x128xi32, #tpu.memory_space<hbm>> -> memref<16x128xi32, #tpu.memory_space<hbm>>
        %dma_start3A_1498 = arith.constant 0 : i32
        %dma_start3A_1499 = arith.constant 0 : i32
        %dma_start3A_1500 = tpu.memref_slice %arg7[%dma_start3A_1490, %dma_start3A_1498, %dma_start3A_1499] : memref<4x16x128xi32, #tpu.memory_space<vmem>> -> memref<1x16x128xi32, #tpu.memory_space<vmem>>
        %dma_start3A_1501 = tpu.memref_squeeze %dma_start3A_1500 : memref<1x16x128xi32, #tpu.memory_space<vmem>> -> memref<16x128xi32, #tpu.memory_space<vmem>>
        %dma_start3A_1502 = arith.constant 0 : i32
        %dma_start3A_1503 = tpu.memref_slice %arg2[%select_n3A_1449, %select_n3A_1473, %select_n3A_1489, %dma_start3A_1502] : memref<25x32x8x128xi32, #tpu.memory_space<hbm>> -> memref<1x16x1x128xi32, #tpu.memory_space<hbm>>
        %dma_start3A_1504 = tpu.memref_squeeze %dma_start3A_1503 : memref<1x16x1x128xi32, #tpu.memory_space<hbm>> -> memref<16x128xi32, #tpu.memory_space<hbm>>
        tpu.enqueue_dma source(%dma_start3A_1504 : memref<16x128xi32, #tpu.memory_space<hbm>>) target(%dma_start3A_1501 : memref<16x128xi32, #tpu.memory_space<vmem>>) target_semaphore(%arg12 : memref<!tpu.dma_semaphore, #tpu.memory_space<semaphore_mem>>)
      } else {
      }
      %add3A_1112 = arith.constant 3 : i32
      %add3A_1113 = arith.addi %mul3A_309, %add3A_1112 : i32
      %jit3A_1114 = arith.constant 2 : i32
      %div3A_1115 = arith.divsi %add3A_1113, %jit3A_1114 : i32
      %sign3A_1116 = arith.constant 0 : i32
      %sign3A_1117 = arith.cmpi sgt, %add3A_1113, %sign3A_1116 : i32
      %sign3A_1118 = arith.extui %sign3A_1117 : i1 to i32
      %sign3A_1119 = arith.constant 0 : i32
      %sign3A_1120 = arith.cmpi slt, %add3A_1113, %sign3A_1119 : i32
      %sign3A_1121 = arith.extui %sign3A_1120 : i1 to i32
      %sign3A_1122 = arith.subi %sign3A_1118, %sign3A_1121 : i32
      %sign3A_1123 = arith.constant 0 : i32
      %sign3A_1124 = arith.cmpi sgt, %jit3A_1114, %sign3A_1123 : i32
      %sign3A_1125 = arith.extui %sign3A_1124 : i1 to i32
      %sign3A_1126 = arith.constant 0 : i32
      %sign3A_1127 = arith.cmpi slt, %jit3A_1114, %sign3A_1126 : i32
      %sign3A_1128 = arith.extui %sign3A_1127 : i1 to i32
      %sign3A_1129 = arith.subi %sign3A_1125, %sign3A_1128 : i32
      %ne3A_1130 = arith.cmpi ne, %sign3A_1122, %sign3A_1129 : i32
      %rem3A_1131 = arith.remsi %add3A_1113, %jit3A_1114 : i32
      %ne3A_1132 = arith.constant 0 : i32
      %ne3A_1133 = arith.cmpi ne, %rem3A_1131, %ne3A_1132 : i32
      %and3A_1134 = arith.andi %ne3A_1130, %ne3A_1133 : i1
      %sub3A_1135 = arith.constant 1 : i32
      %sub3A_1136 = arith.subi %div3A_1115, %sub3A_1135 : i32
      %select_n3A_1137 = arith.select %and3A_1134, %sub3A_1136, %div3A_1115 : i32
      %add3A_1138 = arith.addi %mul3A_0, %select_n3A_1137 : i32
      %jit3A_1139 = arith.constant 2 : i32
      %eq3A_1140 = arith.constant 0 : i32
      %eq3A_1141 = arith.cmpi eq, %jit3A_1139, %eq3A_1140 : i32
      %jit3A_1142 = arith.constant 1 : i32
      %select_n3A_1143 = arith.select %eq3A_1141, %jit3A_1142, %jit3A_1139 : i32
      %rem3A_1144 = arith.remsi %add3A_1113, %select_n3A_1143 : i32
      %ne3A_1145 = arith.constant 0 : i32
      %ne3A_1146 = arith.cmpi ne, %rem3A_1144, %ne3A_1145 : i32
      %lt3A_1147 = arith.constant 0 : i32
      %lt3A_1148 = arith.cmpi slt, %rem3A_1144, %lt3A_1147 : i32
      %lt3A_1149 = arith.constant 0 : i32
      %lt3A_1150 = arith.cmpi slt, %select_n3A_1143, %lt3A_1149 : i32
      %ne3A_1151 = arith.xori %lt3A_1148, %lt3A_1150 : i1
      %and3A_1152 = arith.andi %ne3A_1151, %ne3A_1146 : i1
      %add3A_1153 = arith.addi %rem3A_1144, %select_n3A_1143 : i32
      %select_n3A_1154 = arith.select %and3A_1152, %add3A_1153, %rem3A_1144 : i32
      %mul3A_1155 = arith.constant 2048 : i32
      %mul3A_1156 = arith.muli %select_n3A_1154, %mul3A_1155 : i32
      %jit3A_1157 = arith.constant 8 : i32
      %div3A_1158 = arith.divsi %add3A_1138, %jit3A_1157 : i32
      %sign3A_1159 = arith.constant 0 : i32
      %sign3A_1160 = arith.cmpi sgt, %add3A_1138, %sign3A_1159 : i32
      %sign3A_1161 = arith.extui %sign3A_1160 : i1 to i32
      %sign3A_1162 = arith.constant 0 : i32
      %sign3A_1163 = arith.cmpi slt, %add3A_1138, %sign3A_1162 : i32
      %sign3A_1164 = arith.extui %sign3A_1163 : i1 to i32
      %sign3A_1165 = arith.subi %sign3A_1161, %sign3A_1164 : i32
      %sign3A_1166 = arith.constant 0 : i32
      %sign3A_1167 = arith.cmpi sgt, %jit3A_1157, %sign3A_1166 : i32
      %sign3A_1168 = arith.extui %sign3A_1167 : i1 to i32
      %sign3A_1169 = arith.constant 0 : i32
      %sign3A_1170 = arith.cmpi slt, %jit3A_1157, %sign3A_1169 : i32
      %sign3A_1171 = arith.extui %sign3A_1170 : i1 to i32
      %sign3A_1172 = arith.subi %sign3A_1168, %sign3A_1171 : i32
      %ne3A_1173 = arith.cmpi ne, %sign3A_1165, %sign3A_1172 : i32
      %rem3A_1174 = arith.remsi %add3A_1138, %jit3A_1157 : i32
      %ne3A_1175 = arith.constant 0 : i32
      %ne3A_1176 = arith.cmpi ne, %rem3A_1174, %ne3A_1175 : i32
      %and3A_1177 = arith.andi %ne3A_1173, %ne3A_1176 : i1
      %sub3A_1178 = arith.constant 1 : i32
      %sub3A_1179 = arith.subi %div3A_1158, %sub3A_1178 : i32
      %select_n3A_1180 = arith.select %and3A_1177, %sub3A_1179, %div3A_1158 : i32
      %jit3A_1181 = arith.constant 128 : i32
      %div3A_1182 = arith.divsi %mul3A_1156, %jit3A_1181 : i32
      %sign3A_1183 = arith.constant 0 : i32
      %sign3A_1184 = arith.cmpi sgt, %mul3A_1156, %sign3A_1183 : i32
      %sign3A_1185 = arith.extui %sign3A_1184 : i1 to i32
      %sign3A_1186 = arith.constant 0 : i32
      %sign3A_1187 = arith.cmpi slt, %mul3A_1156, %sign3A_1186 : i32
      %sign3A_1188 = arith.extui %sign3A_1187 : i1 to i32
      %sign3A_1189 = arith.subi %sign3A_1185, %sign3A_1188 : i32
      %sign3A_1190 = arith.constant 0 : i32
      %sign3A_1191 = arith.cmpi sgt, %jit3A_1181, %sign3A_1190 : i32
      %sign3A_1192 = arith.extui %sign3A_1191 : i1 to i32
      %sign3A_1193 = arith.constant 0 : i32
      %sign3A_1194 = arith.cmpi slt, %jit3A_1181, %sign3A_1193 : i32
      %sign3A_1195 = arith.extui %sign3A_1194 : i1 to i32
      %sign3A_1196 = arith.subi %sign3A_1192, %sign3A_1195 : i32
      %ne3A_1197 = arith.cmpi ne, %sign3A_1189, %sign3A_1196 : i32
      %rem3A_1198 = arith.remsi %mul3A_1156, %jit3A_1181 : i32
      %ne3A_1199 = arith.constant 0 : i32
      %ne3A_1200 = arith.cmpi ne, %rem3A_1198, %ne3A_1199 : i32
      %and3A_1201 = arith.andi %ne3A_1197, %ne3A_1200 : i1
      %sub3A_1202 = arith.constant 1 : i32
      %sub3A_1203 = arith.subi %div3A_1182, %sub3A_1202 : i32
      %select_n3A_1204 = arith.select %and3A_1201, %sub3A_1203, %div3A_1182 : i32
      %jit3A_1205 = arith.constant 8 : i32
      %eq3A_1206 = arith.constant 0 : i32
      %eq3A_1207 = arith.cmpi eq, %jit3A_1205, %eq3A_1206 : i32
      %jit3A_1208 = arith.constant 1 : i32
      %select_n3A_1209 = arith.select %eq3A_1207, %jit3A_1208, %jit3A_1205 : i32
      %rem3A_1210 = arith.remsi %add3A_1138, %select_n3A_1209 : i32
      %ne3A_1211 = arith.constant 0 : i32
      %ne3A_1212 = arith.cmpi ne, %rem3A_1210, %ne3A_1211 : i32
      %lt3A_1213 = arith.constant 0 : i32
      %lt3A_1214 = arith.cmpi slt, %rem3A_1210, %lt3A_1213 : i32
      %lt3A_1215 = arith.constant 0 : i32
      %lt3A_1216 = arith.cmpi slt, %select_n3A_1209, %lt3A_1215 : i32
      %ne3A_1217 = arith.xori %lt3A_1214, %lt3A_1216 : i1
      %and3A_1218 = arith.andi %ne3A_1217, %ne3A_1212 : i1
      %add3A_1219 = arith.addi %rem3A_1210, %select_n3A_1209 : i32
      %select_n3A_1220 = arith.select %and3A_1218, %add3A_1219, %rem3A_1210 : i32
      %dma_wait3A_1221 = arith.constant 3 : i32
      %dma_wait3A_1222 = arith.constant 0 : i32
      %dma_wait3A_1223 = arith.constant 0 : i32
      %dma_wait3A_1224 = tpu.memref_slice %arg7[%dma_wait3A_1221, %dma_wait3A_1222, %dma_wait3A_1223] : memref<4x16x128xi32, #tpu.memory_space<vmem>> -> memref<1x16x128xi32, #tpu.memory_space<vmem>>
      %dma_wait3A_1225 = tpu.memref_squeeze %dma_wait3A_1224 : memref<1x16x128xi32, #tpu.memory_space<vmem>> -> memref<16x128xi32, #tpu.memory_space<vmem>>
      %dma_wait3A_1226 = arith.constant 0 : i32
      %dma_wait3A_1227 = tpu.memref_slice %arg2[%select_n3A_1180, %select_n3A_1204, %select_n3A_1220, %dma_wait3A_1226] : memref<25x32x8x128xi32, #tpu.memory_space<hbm>> -> memref<1x16x1x128xi32, #tpu.memory_space<hbm>>
      %dma_wait3A_1228 = tpu.memref_squeeze %dma_wait3A_1227 : memref<1x16x1x128xi32, #tpu.memory_space<hbm>> -> memref<16x128xi32, #tpu.memory_space<hbm>>
      %dma_wait3A_1229 = arith.constant 0 : i32
      %dma_wait3A_1230 = arith.constant 0 : i32
      %dma_wait3A_1231 = tpu.memref_slice %arg7[%dma_wait3A_1221, %dma_wait3A_1229, %dma_wait3A_1230] : memref<4x16x128xi32, #tpu.memory_space<vmem>> -> memref<1x16x128xi32, #tpu.memory_space<vmem>>
      %dma_wait3A_1232 = tpu.memref_squeeze %dma_wait3A_1231 : memref<1x16x128xi32, #tpu.memory_space<vmem>> -> memref<16x128xi32, #tpu.memory_space<vmem>>
      %dma_wait3A_1233 = arith.constant 0 : i32
      %dma_wait3A_1234 = tpu.memref_slice %arg2[%select_n3A_1180, %select_n3A_1204, %select_n3A_1220, %dma_wait3A_1233] : memref<25x32x8x128xi32, #tpu.memory_space<hbm>> -> memref<1x16x1x128xi32, #tpu.memory_space<hbm>>
      %dma_wait3A_1235 = tpu.memref_squeeze %dma_wait3A_1234 : memref<1x16x1x128xi32, #tpu.memory_space<hbm>> -> memref<16x128xi32, #tpu.memory_space<hbm>>
      tpu.wait_dma2 semaphore(%arg13 : memref<!tpu.dma_semaphore, #tpu.memory_space<semaphore_mem>>) src(%dma_wait3A_1235 : memref<16x128xi32, #tpu.memory_space<hbm>>) dst(%dma_wait3A_1232 : memref<16x128xi32, #tpu.memory_space<vmem>>)
      %ge3A_1236 = arith.constant 2 : i32
      %ge3A_1237 = arith.cmpi sge, %add3A_1113, %ge3A_1236 : i32
      %convert_element_type3A_1238 = arith.extui %ge3A_1237 : i1 to i32
      %cond3A_1239 = arith.constant 0 : i32
      %cond3A_1240 = arith.cmpi ne, %convert_element_type3A_1238, %cond3A_1239 : i32
      scf.if %cond3A_1240 {
        %sub3A_1381 = arith.constant 2 : i32
        %sub3A_1382 = arith.subi %add3A_1113, %sub3A_1381 : i32
        %jit3A_1383 = arith.constant 2 : i32
        %div3A_1384 = arith.divsi %sub3A_1382, %jit3A_1383 : i32
        %sign3A_1385 = arith.constant 0 : i32
        %sign3A_1386 = arith.cmpi sgt, %sub3A_1382, %sign3A_1385 : i32
        %sign3A_1387 = arith.extui %sign3A_1386 : i1 to i32
        %sign3A_1388 = arith.constant 0 : i32
        %sign3A_1389 = arith.cmpi slt, %sub3A_1382, %sign3A_1388 : i32
        %sign3A_1390 = arith.extui %sign3A_1389 : i1 to i32
        %sign3A_1391 = arith.subi %sign3A_1387, %sign3A_1390 : i32
        %sign3A_1392 = arith.constant 0 : i32
        %sign3A_1393 = arith.cmpi sgt, %jit3A_1383, %sign3A_1392 : i32
        %sign3A_1394 = arith.extui %sign3A_1393 : i1 to i32
        %sign3A_1395 = arith.constant 0 : i32
        %sign3A_1396 = arith.cmpi slt, %jit3A_1383, %sign3A_1395 : i32
        %sign3A_1397 = arith.extui %sign3A_1396 : i1 to i32
        %sign3A_1398 = arith.subi %sign3A_1394, %sign3A_1397 : i32
        %ne3A_1399 = arith.cmpi ne, %sign3A_1391, %sign3A_1398 : i32
        %rem3A_1400 = arith.remsi %sub3A_1382, %jit3A_1383 : i32
        %ne3A_1401 = arith.constant 0 : i32
        %ne3A_1402 = arith.cmpi ne, %rem3A_1400, %ne3A_1401 : i32
        %and3A_1403 = arith.andi %ne3A_1399, %ne3A_1402 : i1
        %sub3A_1404 = arith.constant 1 : i32
        %sub3A_1405 = arith.subi %div3A_1384, %sub3A_1404 : i32
        %select_n3A_1406 = arith.select %and3A_1403, %sub3A_1405, %div3A_1384 : i32
        %add3A_1407 = arith.addi %mul3A_0, %select_n3A_1406 : i32
        %jit3A_1408 = arith.constant 2 : i32
        %eq3A_1409 = arith.constant 0 : i32
        %eq3A_1410 = arith.cmpi eq, %jit3A_1408, %eq3A_1409 : i32
        %jit3A_1411 = arith.constant 1 : i32
        %select_n3A_1412 = arith.select %eq3A_1410, %jit3A_1411, %jit3A_1408 : i32
        %rem3A_1413 = arith.remsi %sub3A_1382, %select_n3A_1412 : i32
        %ne3A_1414 = arith.constant 0 : i32
        %ne3A_1415 = arith.cmpi ne, %rem3A_1413, %ne3A_1414 : i32
        %lt3A_1416 = arith.constant 0 : i32
        %lt3A_1417 = arith.cmpi slt, %rem3A_1413, %lt3A_1416 : i32
        %lt3A_1418 = arith.constant 0 : i32
        %lt3A_1419 = arith.cmpi slt, %select_n3A_1412, %lt3A_1418 : i32
        %ne3A_1420 = arith.xori %lt3A_1417, %lt3A_1419 : i1
        %and3A_1421 = arith.andi %ne3A_1420, %ne3A_1415 : i1
        %add3A_1422 = arith.addi %rem3A_1413, %select_n3A_1412 : i32
        %select_n3A_1423 = arith.select %and3A_1421, %add3A_1422, %rem3A_1413 : i32
        %mul3A_1424 = arith.constant 2048 : i32
        %mul3A_1425 = arith.muli %select_n3A_1423, %mul3A_1424 : i32
        %jit3A_1426 = arith.constant 128 : i32
        %div3A_1427 = arith.divsi %mul3A_1425, %jit3A_1426 : i32
        %sign3A_1428 = arith.constant 0 : i32
        %sign3A_1429 = arith.cmpi sgt, %mul3A_1425, %sign3A_1428 : i32
        %sign3A_1430 = arith.extui %sign3A_1429 : i1 to i32
        %sign3A_1431 = arith.constant 0 : i32
        %sign3A_1432 = arith.cmpi slt, %mul3A_1425, %sign3A_1431 : i32
        %sign3A_1433 = arith.extui %sign3A_1432 : i1 to i32
        %sign3A_1434 = arith.subi %sign3A_1430, %sign3A_1433 : i32
        %sign3A_1435 = arith.constant 0 : i32
        %sign3A_1436 = arith.cmpi sgt, %jit3A_1426, %sign3A_1435 : i32
        %sign3A_1437 = arith.extui %sign3A_1436 : i1 to i32
        %sign3A_1438 = arith.constant 0 : i32
        %sign3A_1439 = arith.cmpi slt, %jit3A_1426, %sign3A_1438 : i32
        %sign3A_1440 = arith.extui %sign3A_1439 : i1 to i32
        %sign3A_1441 = arith.subi %sign3A_1437, %sign3A_1440 : i32
        %ne3A_1442 = arith.cmpi ne, %sign3A_1434, %sign3A_1441 : i32
        %rem3A_1443 = arith.remsi %mul3A_1425, %jit3A_1426 : i32
        %ne3A_1444 = arith.constant 0 : i32
        %ne3A_1445 = arith.cmpi ne, %rem3A_1443, %ne3A_1444 : i32
        %and3A_1446 = arith.andi %ne3A_1442, %ne3A_1445 : i1
        %sub3A_1447 = arith.constant 1 : i32
        %sub3A_1448 = arith.subi %div3A_1427, %sub3A_1447 : i32
        %select_n3A_1449 = arith.select %and3A_1446, %sub3A_1448, %div3A_1427 : i32
        %dma_wait3A_1450 = arith.constant 1 : i32
        %dma_wait3A_1451 = arith.constant 0 : i32
        %dma_wait3A_1452 = arith.constant 0 : i32
        %dma_wait3A_1453 = tpu.memref_slice %arg8[%dma_wait3A_1450, %dma_wait3A_1451, %dma_wait3A_1452] : memref<2x16x128xf32, #tpu.memory_space<vmem>> -> memref<1x16x128xf32, #tpu.memory_space<vmem>>
        %dma_wait3A_1454 = tpu.memref_squeeze %dma_wait3A_1453 : memref<1x16x128xf32, #tpu.memory_space<vmem>> -> memref<16x128xf32, #tpu.memory_space<vmem>>
        %dma_wait3A_1455 = arith.constant 0 : i32
        %dma_wait3A_1456 = tpu.memref_slice %arg5[%add3A_1407, %select_n3A, %select_n3A_1449, %select_n3A_29, %dma_wait3A_1455] : memref<200x2x32x8x128xf32, #tpu.memory_space<hbm>> -> memref<1x1x16x1x128xf32, #tpu.memory_space<hbm>>
        %dma_wait3A_1457 = tpu.memref_squeeze %dma_wait3A_1456 : memref<1x1x16x1x128xf32, #tpu.memory_space<hbm>> -> memref<16x128xf32, #tpu.memory_space<hbm>>
        %dma_wait3A_1458 = arith.constant 0 : i32
        %dma_wait3A_1459 = tpu.memref_slice %arg5[%add3A_1407, %select_n3A, %select_n3A_1449, %select_n3A_29, %dma_wait3A_1458] : memref<200x2x32x8x128xf32, #tpu.memory_space<hbm>> -> memref<1x1x16x1x128xf32, #tpu.memory_space<hbm>>
        %dma_wait3A_1460 = tpu.memref_squeeze %dma_wait3A_1459 : memref<1x1x16x1x128xf32, #tpu.memory_space<hbm>> -> memref<16x128xf32, #tpu.memory_space<hbm>>
        %dma_wait3A_1461 = arith.constant 0 : i32
        %dma_wait3A_1462 = arith.constant 0 : i32
        %dma_wait3A_1463 = tpu.memref_slice %arg8[%dma_wait3A_1450, %dma_wait3A_1461, %dma_wait3A_1462] : memref<2x16x128xf32, #tpu.memory_space<vmem>> -> memref<1x16x128xf32, #tpu.memory_space<vmem>>
        %dma_wait3A_1464 = tpu.memref_squeeze %dma_wait3A_1463 : memref<1x16x128xf32, #tpu.memory_space<vmem>> -> memref<16x128xf32, #tpu.memory_space<vmem>>
        tpu.wait_dma2 semaphore(%arg15 : memref<!tpu.dma_semaphore, #tpu.memory_space<semaphore_mem>>) src(%dma_wait3A_1464 : memref<16x128xf32, #tpu.memory_space<vmem>>) dst(%dma_wait3A_1460 : memref<16x128xf32, #tpu.memory_space<hbm>>)
      } else {
      }
      %jit3A_1241 = arith.constant 2 : i32
      %div3A_1242 = arith.divsi %add3A_1113, %jit3A_1241 : i32
      %sign3A_1243 = arith.constant 0 : i32
      %sign3A_1244 = arith.cmpi sgt, %add3A_1113, %sign3A_1243 : i32
      %sign3A_1245 = arith.extui %sign3A_1244 : i1 to i32
      %sign3A_1246 = arith.constant 0 : i32
      %sign3A_1247 = arith.cmpi slt, %add3A_1113, %sign3A_1246 : i32
      %sign3A_1248 = arith.extui %sign3A_1247 : i1 to i32
      %sign3A_1249 = arith.subi %sign3A_1245, %sign3A_1248 : i32
      %sign3A_1250 = arith.constant 0 : i32
      %sign3A_1251 = arith.cmpi sgt, %jit3A_1241, %sign3A_1250 : i32
      %sign3A_1252 = arith.extui %sign3A_1251 : i1 to i32
      %sign3A_1253 = arith.constant 0 : i32
      %sign3A_1254 = arith.cmpi slt, %jit3A_1241, %sign3A_1253 : i32
      %sign3A_1255 = arith.extui %sign3A_1254 : i1 to i32
      %sign3A_1256 = arith.subi %sign3A_1252, %sign3A_1255 : i32
      %ne3A_1257 = arith.cmpi ne, %sign3A_1249, %sign3A_1256 : i32
      %rem3A_1258 = arith.remsi %add3A_1113, %jit3A_1241 : i32
      %ne3A_1259 = arith.constant 0 : i32
      %ne3A_1260 = arith.cmpi ne, %rem3A_1258, %ne3A_1259 : i32
      %and3A_1261 = arith.andi %ne3A_1257, %ne3A_1260 : i1
      %sub3A_1262 = arith.constant 1 : i32
      %sub3A_1263 = arith.subi %div3A_1242, %sub3A_1262 : i32
      %select_n3A_1264 = arith.select %and3A_1261, %sub3A_1263, %div3A_1242 : i32
      %add3A_1265 = arith.addi %mul3A_0, %select_n3A_1264 : i32
      %jit3A_1266 = arith.constant 2 : i32
      %eq3A_1267 = arith.constant 0 : i32
      %eq3A_1268 = arith.cmpi eq, %jit3A_1266, %eq3A_1267 : i32
      %jit3A_1269 = arith.constant 1 : i32
      %select_n3A_1270 = arith.select %eq3A_1268, %jit3A_1269, %jit3A_1266 : i32
      %rem3A_1271 = arith.remsi %add3A_1113, %select_n3A_1270 : i32
      %ne3A_1272 = arith.constant 0 : i32
      %ne3A_1273 = arith.cmpi ne, %rem3A_1271, %ne3A_1272 : i32
      %lt3A_1274 = arith.constant 0 : i32
      %lt3A_1275 = arith.cmpi slt, %rem3A_1271, %lt3A_1274 : i32
      %lt3A_1276 = arith.constant 0 : i32
      %lt3A_1277 = arith.cmpi slt, %select_n3A_1270, %lt3A_1276 : i32
      %ne3A_1278 = arith.xori %lt3A_1275, %lt3A_1277 : i1
      %and3A_1279 = arith.andi %ne3A_1278, %ne3A_1273 : i1
      %add3A_1280 = arith.addi %rem3A_1271, %select_n3A_1270 : i32
      %select_n3A_1281 = arith.select %and3A_1279, %add3A_1280, %rem3A_1271 : i32
      %mul3A_1282 = arith.constant 2048 : i32
      %mul3A_1283 = arith.muli %select_n3A_1281, %mul3A_1282 : i32
      %get3A_1284 = arith.index_cast %add3A_1265 : i32 to index
      %get3A_1285 = arith.constant 0 : index
      %get3A_1286 = tpu.vector_load %arg9[%get3A_1284, %get3A_1285] {strides = array<i32>} : memref<200x16xf32, #tpu.memory_space<vmem>>, vector<16xf32>,
      %parallel_loop3A_1287 = arith.constant 0 : i32
      %parallel_loop3A_1288 = arith.constant 128 : i32
      %parallel_loop3A_1289 = arith.constant 1 : i32
      %parallel_loop3A_1290 = arith.constant 3 : i32
      %parallel_loop3A_1291 = arith.constant 1 : i32
      scf.for %parallel_loop3A_1381 = %parallel_loop3A_1287 to %parallel_loop3A_1288 step %parallel_loop3A_1289  : i32 {
        %parallel_loop3A_1382 = arith.constant 8 : i32
        %parallel_loop3A_1383 = arith.divsi %parallel_loop3A_1381, %parallel_loop3A_1382 : i32
        %parallel_loop3A_1384 = arith.constant 0 : i32
        %parallel_loop3A_1385 = arith.cmpi sgt, %parallel_loop3A_1381, %parallel_loop3A_1384 : i32
        %parallel_loop3A_1386 = arith.extui %parallel_loop3A_1385 : i1 to i32
        %parallel_loop3A_1387 = arith.constant 0 : i32
        %parallel_loop3A_1388 = arith.cmpi slt, %parallel_loop3A_1381, %parallel_loop3A_1387 : i32
        %parallel_loop3A_1389 = arith.extui %parallel_loop3A_1388 : i1 to i32
        %parallel_loop3A_1390 = arith.subi %parallel_loop3A_1386, %parallel_loop3A_1389 : i32
        %parallel_loop3A_1391 = arith.constant 0 : i32
        %parallel_loop3A_1392 = arith.cmpi sgt, %parallel_loop3A_1382, %parallel_loop3A_1391 : i32
        %parallel_loop3A_1393 = arith.extui %parallel_loop3A_1392 : i1 to i32
        %parallel_loop3A_1394 = arith.constant 0 : i32
        %parallel_loop3A_1395 = arith.cmpi slt, %parallel_loop3A_1382, %parallel_loop3A_1394 : i32
        %parallel_loop3A_1396 = arith.extui %parallel_loop3A_1395 : i1 to i32
        %parallel_loop3A_1397 = arith.subi %parallel_loop3A_1393, %parallel_loop3A_1396 : i32
        %parallel_loop3A_1398 = arith.cmpi ne, %parallel_loop3A_1390, %parallel_loop3A_1397 : i32
        %parallel_loop3A_1399 = arith.remsi %parallel_loop3A_1381, %parallel_loop3A_1382 : i32
        %parallel_loop3A_1400 = arith.constant 0 : i32
        %parallel_loop3A_1401 = arith.cmpi ne, %parallel_loop3A_1399, %parallel_loop3A_1400 : i32
        %parallel_loop3A_1402 = arith.andi %parallel_loop3A_1398, %parallel_loop3A_1401 : i1
        %parallel_loop3A_1403 = arith.constant 1 : i32
        %parallel_loop3A_1404 = arith.subi %parallel_loop3A_1383, %parallel_loop3A_1403 : i32
        %parallel_loop3A_1405 = arith.select %parallel_loop3A_1402, %parallel_loop3A_1404, %parallel_loop3A_1383 : i32
        %parallel_loop3A_1406 = arith.constant 8 : i32
        %parallel_loop3A_1407 = arith.constant 0 : i32
        %parallel_loop3A_1408 = arith.cmpi eq, %parallel_loop3A_1406, %parallel_loop3A_1407 : i32
        %parallel_loop3A_1409 = arith.constant 1 : i32
        %parallel_loop3A_1410 = arith.select %parallel_loop3A_1408, %parallel_loop3A_1409, %parallel_loop3A_1406 : i32
        %parallel_loop3A_1411 = arith.remsi %parallel_loop3A_1381, %parallel_loop3A_1410 : i32
        %parallel_loop3A_1412 = arith.constant 0 : i32
        %parallel_loop3A_1413 = arith.cmpi ne, %parallel_loop3A_1411, %parallel_loop3A_1412 : i32
        %parallel_loop3A_1414 = arith.constant 0 : i32
        %parallel_loop3A_1415 = arith.cmpi slt, %parallel_loop3A_1411, %parallel_loop3A_1414 : i32
        %parallel_loop3A_1416 = arith.constant 0 : i32
        %parallel_loop3A_1417 = arith.cmpi slt, %parallel_loop3A_1410, %parallel_loop3A_1416 : i32
        %parallel_loop3A_1418 = arith.xori %parallel_loop3A_1415, %parallel_loop3A_1417 : i1
        %parallel_loop3A_1419 = arith.andi %parallel_loop3A_1418, %parallel_loop3A_1413 : i1
        %parallel_loop3A_1420 = arith.addi %parallel_loop3A_1411, %parallel_loop3A_1410 : i32
        %parallel_loop3A_1421 = arith.select %parallel_loop3A_1419, %parallel_loop3A_1420, %parallel_loop3A_1411 : i32
        %parallel_loop3A_1422 = arith.constant 16 : i32
        %parallel_loop3A_1423 = arith.muli %parallel_loop3A_1421, %parallel_loop3A_1422 : i32
        %parallel_loop3A_1424 = arith.constant 0 : i32
        %parallel_loop3A_1425 = arith.constant 0 : i32
        %parallel_loop3A_1426 = tpu.memref_slice %arg7[%parallel_loop3A_1290, %parallel_loop3A_1424, %parallel_loop3A_1425] : memref<4x16x128xi32, #tpu.memory_space<vmem>> -> memref<1x16x128xi32, #tpu.memory_space<vmem>>
        %parallel_loop3A_1427 = tpu.memref_squeeze %parallel_loop3A_1426 : memref<1x16x128xi32, #tpu.memory_space<vmem>> -> memref<16x128xi32, #tpu.memory_space<vmem>>
        %parallel_loop3A_1428 = arith.index_cast %parallel_loop3A_1405 : i32 to index
        %parallel_loop3A_1429 = arith.index_cast %parallel_loop3A_1423 : i32 to index
        %parallel_loop3A_1430 = tpu.vector_load %parallel_loop3A_1427[%parallel_loop3A_1428, %parallel_loop3A_1429] {strides = array<i32>} : memref<16x128xi32, #tpu.memory_space<vmem>>, vector<16xi32>,
        %parallel_loop3A_1431 = tpu.vector_load_idx %arg6[%parallel_loop3A_1430] : memref<100000xf32, #tpu.memory_space<vmem>>[vector<16xi32>], vector<16xf32>,
        %parallel_loop3A_1432 = arith.addf %parallel_loop3A_1431, %get3A_1286 : vector<16xf32>
        %parallel_loop3A_1433 = arith.constant 8 : i32
        %parallel_loop3A_1434 = arith.divsi %parallel_loop3A_1381, %parallel_loop3A_1433 : i32
        %parallel_loop3A_1435 = arith.constant 0 : i32
        %parallel_loop3A_1436 = arith.cmpi sgt, %parallel_loop3A_1381, %parallel_loop3A_1435 : i32
        %parallel_loop3A_1437 = arith.extui %parallel_loop3A_1436 : i1 to i32
        %parallel_loop3A_1438 = arith.constant 0 : i32
        %parallel_loop3A_1439 = arith.cmpi slt, %parallel_loop3A_1381, %parallel_loop3A_1438 : i32
        %parallel_loop3A_1440 = arith.extui %parallel_loop3A_1439 : i1 to i32
        %parallel_loop3A_1441 = arith.subi %parallel_loop3A_1437, %parallel_loop3A_1440 : i32
        %parallel_loop3A_1442 = arith.constant 0 : i32
        %parallel_loop3A_1443 = arith.cmpi sgt, %parallel_loop3A_1433, %parallel_loop3A_1442 : i32
        %parallel_loop3A_1444 = arith.extui %parallel_loop3A_1443 : i1 to i32
        %parallel_loop3A_1445 = arith.constant 0 : i32
        %parallel_loop3A_1446 = arith.cmpi slt, %parallel_loop3A_1433, %parallel_loop3A_1445 : i32
        %parallel_loop3A_1447 = arith.extui %parallel_loop3A_1446 : i1 to i32
        %parallel_loop3A_1448 = arith.subi %parallel_loop3A_1444, %parallel_loop3A_1447 : i32
        %parallel_loop3A_1449 = arith.cmpi ne, %parallel_loop3A_1441, %parallel_loop3A_1448 : i32
        %parallel_loop3A_1450 = arith.remsi %parallel_loop3A_1381, %parallel_loop3A_1433 : i32
        %parallel_loop3A_1451 = arith.constant 0 : i32
        %parallel_loop3A_1452 = arith.cmpi ne, %parallel_loop3A_1450, %parallel_loop3A_1451 : i32
        %parallel_loop3A_1453 = arith.andi %parallel_loop3A_1449, %parallel_loop3A_1452 : i1
        %parallel_loop3A_1454 = arith.constant 1 : i32
        %parallel_loop3A_1455 = arith.subi %parallel_loop3A_1434, %parallel_loop3A_1454 : i32
        %parallel_loop3A_1456 = arith.select %parallel_loop3A_1453, %parallel_loop3A_1455, %parallel_loop3A_1434 : i32
        %parallel_loop3A_1457 = arith.constant 8 : i32
        %parallel_loop3A_1458 = arith.constant 0 : i32
        %parallel_loop3A_1459 = arith.cmpi eq, %parallel_loop3A_1457, %parallel_loop3A_1458 : i32
        %parallel_loop3A_1460 = arith.constant 1 : i32
        %parallel_loop3A_1461 = arith.select %parallel_loop3A_1459, %parallel_loop3A_1460, %parallel_loop3A_1457 : i32
        %parallel_loop3A_1462 = arith.remsi %parallel_loop3A_1381, %parallel_loop3A_1461 : i32
        %parallel_loop3A_1463 = arith.constant 0 : i32
        %parallel_loop3A_1464 = arith.cmpi ne, %parallel_loop3A_1462, %parallel_loop3A_1463 : i32
        %parallel_loop3A_1465 = arith.constant 0 : i32
        %parallel_loop3A_1466 = arith.cmpi slt, %parallel_loop3A_1462, %parallel_loop3A_1465 : i32
        %parallel_loop3A_1467 = arith.constant 0 : i32
        %parallel_loop3A_1468 = arith.cmpi slt, %parallel_loop3A_1461, %parallel_loop3A_1467 : i32
        %parallel_loop3A_1469 = arith.xori %parallel_loop3A_1466, %parallel_loop3A_1468 : i1
        %parallel_loop3A_1470 = arith.andi %parallel_loop3A_1469, %parallel_loop3A_1464 : i1
        %parallel_loop3A_1471 = arith.addi %parallel_loop3A_1462, %parallel_loop3A_1461 : i32
        %parallel_loop3A_1472 = arith.select %parallel_loop3A_1470, %parallel_loop3A_1471, %parallel_loop3A_1462 : i32
        %parallel_loop3A_1473 = arith.constant 16 : i32
        %parallel_loop3A_1474 = arith.muli %parallel_loop3A_1472, %parallel_loop3A_1473 : i32
        %parallel_loop3A_1475 = arith.constant 0 : i32
        %parallel_loop3A_1476 = arith.constant 0 : i32
        %parallel_loop3A_1477 = tpu.memref_slice %arg8[%parallel_loop3A_1291, %parallel_loop3A_1475, %parallel_loop3A_1476] : memref<2x16x128xf32, #tpu.memory_space<vmem>> -> memref<1x16x128xf32, #tpu.memory_space<vmem>>
        %parallel_loop3A_1478 = tpu.memref_squeeze %parallel_loop3A_1477 : memref<1x16x128xf32, #tpu.memory_space<vmem>> -> memref<16x128xf32, #tpu.memory_space<vmem>>
        %parallel_loop3A_1479 = arith.index_cast %parallel_loop3A_1456 : i32 to index
        %parallel_loop3A_1480 = arith.index_cast %parallel_loop3A_1474 : i32 to index
        %parallel_loop3A_1481 = tpu.vector_load %parallel_loop3A_1478[%parallel_loop3A_1479, %parallel_loop3A_1480] {strides = array<i32>} : memref<16x128xf32, #tpu.memory_space<vmem>>, vector<16xf32>,
        tpu.vector_store %parallel_loop3A_1478[%parallel_loop3A_1479, %parallel_loop3A_1480], %parallel_loop3A_1432 {strides = array<i32>} : memref<16x128xf32, #tpu.memory_space<vmem>>, vector<16xf32>,
      } {sc.loop_unroll_factor = 8 : i64, sc.parallel_access}
      %jit3A_1292 = arith.constant 2 : i32
      %div3A_1293 = arith.divsi %add3A_1113, %jit3A_1292 : i32
      %sign3A_1294 = arith.constant 0 : i32
      %sign3A_1295 = arith.cmpi sgt, %add3A_1113, %sign3A_1294 : i32
      %sign3A_1296 = arith.extui %sign3A_1295 : i1 to i32
      %sign3A_1297 = arith.constant 0 : i32
      %sign3A_1298 = arith.cmpi slt, %add3A_1113, %sign3A_1297 : i32
      %sign3A_1299 = arith.extui %sign3A_1298 : i1 to i32
      %sign3A_1300 = arith.subi %sign3A_1296, %sign3A_1299 : i32
      %sign3A_1301 = arith.constant 0 : i32
      %sign3A_1302 = arith.cmpi sgt, %jit3A_1292, %sign3A_1301 : i32
      %sign3A_1303 = arith.extui %sign3A_1302 : i1 to i32
      %sign3A_1304 = arith.constant 0 : i32
      %sign3A_1305 = arith.cmpi slt, %jit3A_1292, %sign3A_1304 : i32
      %sign3A_1306 = arith.extui %sign3A_1305 : i1 to i32
      %sign3A_1307 = arith.subi %sign3A_1303, %sign3A_1306 : i32
      %ne3A_1308 = arith.cmpi ne, %sign3A_1300, %sign3A_1307 : i32
      %rem3A_1309 = arith.remsi %add3A_1113, %jit3A_1292 : i32
      %ne3A_1310 = arith.constant 0 : i32
      %ne3A_1311 = arith.cmpi ne, %rem3A_1309, %ne3A_1310 : i32
      %and3A_1312 = arith.andi %ne3A_1308, %ne3A_1311 : i1
      %sub3A_1313 = arith.constant 1 : i32
      %sub3A_1314 = arith.subi %div3A_1293, %sub3A_1313 : i32
      %select_n3A_1315 = arith.select %and3A_1312, %sub3A_1314, %div3A_1293 : i32
      %add3A_1316 = arith.addi %mul3A_0, %select_n3A_1315 : i32
      %jit3A_1317 = arith.constant 2 : i32
      %eq3A_1318 = arith.constant 0 : i32
      %eq3A_1319 = arith.cmpi eq, %jit3A_1317, %eq3A_1318 : i32
      %jit3A_1320 = arith.constant 1 : i32
      %select_n3A_1321 = arith.select %eq3A_1319, %jit3A_1320, %jit3A_1317 : i32
      %rem3A_1322 = arith.remsi %add3A_1113, %select_n3A_1321 : i32
      %ne3A_1323 = arith.constant 0 : i32
      %ne3A_1324 = arith.cmpi ne, %rem3A_1322, %ne3A_1323 : i32
      %lt3A_1325 = arith.constant 0 : i32
      %lt3A_1326 = arith.cmpi slt, %rem3A_1322, %lt3A_1325 : i32
      %lt3A_1327 = arith.constant 0 : i32
      %lt3A_1328 = arith.cmpi slt, %select_n3A_1321, %lt3A_1327 : i32
      %ne3A_1329 = arith.xori %lt3A_1326, %lt3A_1328 : i1
      %and3A_1330 = arith.andi %ne3A_1329, %ne3A_1324 : i1
      %add3A_1331 = arith.addi %rem3A_1322, %select_n3A_1321 : i32
      %select_n3A_1332 = arith.select %and3A_1330, %add3A_1331, %rem3A_1322 : i32
      %mul3A_1333 = arith.constant 2048 : i32
      %mul3A_1334 = arith.muli %select_n3A_1332, %mul3A_1333 : i32
      %jit3A_1335 = arith.constant 128 : i32
      %div3A_1336 = arith.divsi %mul3A_1334, %jit3A_1335 : i32
      %sign3A_1337 = arith.constant 0 : i32
      %sign3A_1338 = arith.cmpi sgt, %mul3A_1334, %sign3A_1337 : i32
      %sign3A_1339 = arith.extui %sign3A_1338 : i1 to i32
      %sign3A_1340 = arith.constant 0 : i32
      %sign3A_1341 = arith.cmpi slt, %mul3A_1334, %sign3A_1340 : i32
      %sign3A_1342 = arith.extui %sign3A_1341 : i1 to i32
      %sign3A_1343 = arith.subi %sign3A_1339, %sign3A_1342 : i32
      %sign3A_1344 = arith.constant 0 : i32
      %sign3A_1345 = arith.cmpi sgt, %jit3A_1335, %sign3A_1344 : i32
      %sign3A_1346 = arith.extui %sign3A_1345 : i1 to i32
      %sign3A_1347 = arith.constant 0 : i32
      %sign3A_1348 = arith.cmpi slt, %jit3A_1335, %sign3A_1347 : i32
      %sign3A_1349 = arith.extui %sign3A_1348 : i1 to i32
      %sign3A_1350 = arith.subi %sign3A_1346, %sign3A_1349 : i32
      %ne3A_1351 = arith.cmpi ne, %sign3A_1343, %sign3A_1350 : i32
      %rem3A_1352 = arith.remsi %mul3A_1334, %jit3A_1335 : i32
      %ne3A_1353 = arith.constant 0 : i32
      %ne3A_1354 = arith.cmpi ne, %rem3A_1352, %ne3A_1353 : i32
      %and3A_1355 = arith.andi %ne3A_1351, %ne3A_1354 : i1
      %sub3A_1356 = arith.constant 1 : i32
      %sub3A_1357 = arith.subi %div3A_1336, %sub3A_1356 : i32
      %select_n3A_1358 = arith.select %and3A_1355, %sub3A_1357, %div3A_1336 : i32
      %dma_start3A_1359 = arith.constant 1 : i32
      %dma_start3A_1360 = arith.constant 0 : i32
      %dma_start3A_1361 = arith.constant 0 : i32
      %dma_start3A_1362 = tpu.memref_slice %arg8[%dma_start3A_1359, %dma_start3A_1360, %dma_start3A_1361] : memref<2x16x128xf32, #tpu.memory_space<vmem>> -> memref<1x16x128xf32, #tpu.memory_space<vmem>>
      %dma_start3A_1363 = tpu.memref_squeeze %dma_start3A_1362 : memref<1x16x128xf32, #tpu.memory_space<vmem>> -> memref<16x128xf32, #tpu.memory_space<vmem>>
      %dma_start3A_1364 = arith.constant 0 : i32
      %dma_start3A_1365 = tpu.memref_slice %arg5[%add3A_1316, %select_n3A, %select_n3A_1358, %select_n3A_29, %dma_start3A_1364] : memref<200x2x32x8x128xf32, #tpu.memory_space<hbm>> -> memref<1x1x16x1x128xf32, #tpu.memory_space<hbm>>
      %dma_start3A_1366 = tpu.memref_squeeze %dma_start3A_1365 : memref<1x1x16x1x128xf32, #tpu.memory_space<hbm>> -> memref<16x128xf32, #tpu.memory_space<hbm>>
      %dma_start3A_1367 = arith.constant 0 : i32
      %dma_start3A_1368 = tpu.memref_slice %arg5[%add3A_1316, %select_n3A, %select_n3A_1358, %select_n3A_29, %dma_start3A_1367] : memref<200x2x32x8x128xf32, #tpu.memory_space<hbm>> -> memref<1x1x16x1x128xf32, #tpu.memory_space<hbm>>
      %dma_start3A_1369 = tpu.memref_squeeze %dma_start3A_1368 : memref<1x1x16x1x128xf32, #tpu.memory_space<hbm>> -> memref<16x128xf32, #tpu.memory_space<hbm>>
      %dma_start3A_1370 = arith.constant 0 : i32
      %dma_start3A_1371 = arith.constant 0 : i32
      %dma_start3A_1372 = tpu.memref_slice %arg8[%dma_start3A_1359, %dma_start3A_1370, %dma_start3A_1371] : memref<2x16x128xf32, #tpu.memory_space<vmem>> -> memref<1x16x128xf32, #tpu.memory_space<vmem>>
      %dma_start3A_1373 = tpu.memref_squeeze %dma_start3A_1372 : memref<1x16x128xf32, #tpu.memory_space<vmem>> -> memref<16x128xf32, #tpu.memory_space<vmem>>
      tpu.enqueue_dma source(%dma_start3A_1373 : memref<16x128xf32, #tpu.memory_space<vmem>>) target(%dma_start3A_1369 : memref<16x128xf32, #tpu.memory_space<hbm>>) target_semaphore(%arg15 : memref<!tpu.dma_semaphore, #tpu.memory_space<semaphore_mem>>)
      %add3A_1374 = arith.constant 4 : i32
      %add3A_1375 = arith.addi %add3A_1113, %add3A_1374 : i32
      %lt3A_1376 = arith.constant 200 : i32
      %lt3A_1377 = arith.cmpi slt, %add3A_1375, %lt3A_1376 : i32
      %convert_element_type3A_1378 = arith.extui %lt3A_1377 : i1 to i32
      %cond3A_1379 = arith.constant 0 : i32
      %cond3A_1380 = arith.cmpi ne, %convert_element_type3A_1378, %cond3A_1379 : i32
      scf.if %cond3A_1380 {
        %add3A_1381 = arith.constant 4 : i32
        %add3A_1382 = arith.addi %add3A_1113, %add3A_1381 : i32
        %jit3A_1383 = arith.constant 2 : i32
        %div3A_1384 = arith.divsi %add3A_1382, %jit3A_1383 : i32
        %sign3A_1385 = arith.constant 0 : i32
        %sign3A_1386 = arith.cmpi sgt, %add3A_1382, %sign3A_1385 : i32
        %sign3A_1387 = arith.extui %sign3A_1386 : i1 to i32
        %sign3A_1388 = arith.constant 0 : i32
        %sign3A_1389 = arith.cmpi slt, %add3A_1382, %sign3A_1388 : i32
        %sign3A_1390 = arith.extui %sign3A_1389 : i1 to i32
        %sign3A_1391 = arith.subi %sign3A_1387, %sign3A_1390 : i32
        %sign3A_1392 = arith.constant 0 : i32
        %sign3A_1393 = arith.cmpi sgt, %jit3A_1383, %sign3A_1392 : i32
        %sign3A_1394 = arith.extui %sign3A_1393 : i1 to i32
        %sign3A_1395 = arith.constant 0 : i32
        %sign3A_1396 = arith.cmpi slt, %jit3A_1383, %sign3A_1395 : i32
        %sign3A_1397 = arith.extui %sign3A_1396 : i1 to i32
        %sign3A_1398 = arith.subi %sign3A_1394, %sign3A_1397 : i32
        %ne3A_1399 = arith.cmpi ne, %sign3A_1391, %sign3A_1398 : i32
        %rem3A_1400 = arith.remsi %add3A_1382, %jit3A_1383 : i32
        %ne3A_1401 = arith.constant 0 : i32
        %ne3A_1402 = arith.cmpi ne, %rem3A_1400, %ne3A_1401 : i32
        %and3A_1403 = arith.andi %ne3A_1399, %ne3A_1402 : i1
        %sub3A_1404 = arith.constant 1 : i32
        %sub3A_1405 = arith.subi %div3A_1384, %sub3A_1404 : i32
        %select_n3A_1406 = arith.select %and3A_1403, %sub3A_1405, %div3A_1384 : i32
        %add3A_1407 = arith.addi %mul3A_0, %select_n3A_1406 : i32
        %jit3A_1408 = arith.constant 2 : i32
        %eq3A_1409 = arith.constant 0 : i32
        %eq3A_1410 = arith.cmpi eq, %jit3A_1408, %eq3A_1409 : i32
        %jit3A_1411 = arith.constant 1 : i32
        %select_n3A_1412 = arith.select %eq3A_1410, %jit3A_1411, %jit3A_1408 : i32
        %rem3A_1413 = arith.remsi %add3A_1382, %select_n3A_1412 : i32
        %ne3A_1414 = arith.constant 0 : i32
        %ne3A_1415 = arith.cmpi ne, %rem3A_1413, %ne3A_1414 : i32
        %lt3A_1416 = arith.constant 0 : i32
        %lt3A_1417 = arith.cmpi slt, %rem3A_1413, %lt3A_1416 : i32
        %lt3A_1418 = arith.constant 0 : i32
        %lt3A_1419 = arith.cmpi slt, %select_n3A_1412, %lt3A_1418 : i32
        %ne3A_1420 = arith.xori %lt3A_1417, %lt3A_1419 : i1
        %and3A_1421 = arith.andi %ne3A_1420, %ne3A_1415 : i1
        %add3A_1422 = arith.addi %rem3A_1413, %select_n3A_1412 : i32
        %select_n3A_1423 = arith.select %and3A_1421, %add3A_1422, %rem3A_1413 : i32
        %mul3A_1424 = arith.constant 2048 : i32
        %mul3A_1425 = arith.muli %select_n3A_1423, %mul3A_1424 : i32
        %jit3A_1426 = arith.constant 8 : i32
        %div3A_1427 = arith.divsi %add3A_1407, %jit3A_1426 : i32
        %sign3A_1428 = arith.constant 0 : i32
        %sign3A_1429 = arith.cmpi sgt, %add3A_1407, %sign3A_1428 : i32
        %sign3A_1430 = arith.extui %sign3A_1429 : i1 to i32
        %sign3A_1431 = arith.constant 0 : i32
        %sign3A_1432 = arith.cmpi slt, %add3A_1407, %sign3A_1431 : i32
        %sign3A_1433 = arith.extui %sign3A_1432 : i1 to i32
        %sign3A_1434 = arith.subi %sign3A_1430, %sign3A_1433 : i32
        %sign3A_1435 = arith.constant 0 : i32
        %sign3A_1436 = arith.cmpi sgt, %jit3A_1426, %sign3A_1435 : i32
        %sign3A_1437 = arith.extui %sign3A_1436 : i1 to i32
        %sign3A_1438 = arith.constant 0 : i32
        %sign3A_1439 = arith.cmpi slt, %jit3A_1426, %sign3A_1438 : i32
        %sign3A_1440 = arith.extui %sign3A_1439 : i1 to i32
        %sign3A_1441 = arith.subi %sign3A_1437, %sign3A_1440 : i32
        %ne3A_1442 = arith.cmpi ne, %sign3A_1434, %sign3A_1441 : i32
        %rem3A_1443 = arith.remsi %add3A_1407, %jit3A_1426 : i32
        %ne3A_1444 = arith.constant 0 : i32
        %ne3A_1445 = arith.cmpi ne, %rem3A_1443, %ne3A_1444 : i32
        %and3A_1446 = arith.andi %ne3A_1442, %ne3A_1445 : i1
        %sub3A_1447 = arith.constant 1 : i32
        %sub3A_1448 = arith.subi %div3A_1427, %sub3A_1447 : i32
        %select_n3A_1449 = arith.select %and3A_1446, %sub3A_1448, %div3A_1427 : i32
        %jit3A_1450 = arith.constant 128 : i32
        %div3A_1451 = arith.divsi %mul3A_1425, %jit3A_1450 : i32
        %sign3A_1452 = arith.constant 0 : i32
        %sign3A_1453 = arith.cmpi sgt, %mul3A_1425, %sign3A_1452 : i32
        %sign3A_1454 = arith.extui %sign3A_1453 : i1 to i32
        %sign3A_1455 = arith.constant 0 : i32
        %sign3A_1456 = arith.cmpi slt, %mul3A_1425, %sign3A_1455 : i32
        %sign3A_1457 = arith.extui %sign3A_1456 : i1 to i32
        %sign3A_1458 = arith.subi %sign3A_1454, %sign3A_1457 : i32
        %sign3A_1459 = arith.constant 0 : i32
        %sign3A_1460 = arith.cmpi sgt, %jit3A_1450, %sign3A_1459 : i32
        %sign3A_1461 = arith.extui %sign3A_1460 : i1 to i32
        %sign3A_1462 = arith.constant 0 : i32
        %sign3A_1463 = arith.cmpi slt, %jit3A_1450, %sign3A_1462 : i32
        %sign3A_1464 = arith.extui %sign3A_1463 : i1 to i32
        %sign3A_1465 = arith.subi %sign3A_1461, %sign3A_1464 : i32
        %ne3A_1466 = arith.cmpi ne, %sign3A_1458, %sign3A_1465 : i32
        %rem3A_1467 = arith.remsi %mul3A_1425, %jit3A_1450 : i32
        %ne3A_1468 = arith.constant 0 : i32
        %ne3A_1469 = arith.cmpi ne, %rem3A_1467, %ne3A_1468 : i32
        %and3A_1470 = arith.andi %ne3A_1466, %ne3A_1469 : i1
        %sub3A_1471 = arith.constant 1 : i32
        %sub3A_1472 = arith.subi %div3A_1451, %sub3A_1471 : i32
        %select_n3A_1473 = arith.select %and3A_1470, %sub3A_1472, %div3A_1451 : i32
        %jit3A_1474 = arith.constant 8 : i32
        %eq3A_1475 = arith.constant 0 : i32
        %eq3A_1476 = arith.cmpi eq, %jit3A_1474, %eq3A_1475 : i32
        %jit3A_1477 = arith.constant 1 : i32
        %select_n3A_1478 = arith.select %eq3A_1476, %jit3A_1477, %jit3A_1474 : i32
        %rem3A_1479 = arith.remsi %add3A_1407, %select_n3A_1478 : i32
        %ne3A_1480 = arith.constant 0 : i32
        %ne3A_1481 = arith.cmpi ne, %rem3A_1479, %ne3A_1480 : i32
        %lt3A_1482 = arith.constant 0 : i32
        %lt3A_1483 = arith.cmpi slt, %rem3A_1479, %lt3A_1482 : i32
        %lt3A_1484 = arith.constant 0 : i32
        %lt3A_1485 = arith.cmpi slt, %select_n3A_1478, %lt3A_1484 : i32
        %ne3A_1486 = arith.xori %lt3A_1483, %lt3A_1485 : i1
        %and3A_1487 = arith.andi %ne3A_1486, %ne3A_1481 : i1
        %add3A_1488 = arith.addi %rem3A_1479, %select_n3A_1478 : i32
        %select_n3A_1489 = arith.select %and3A_1487, %add3A_1488, %rem3A_1479 : i32
        %dma_start3A_1490 = arith.constant 3 : i32
        %dma_start3A_1491 = arith.constant 0 : i32
        %dma_start3A_1492 = arith.constant 0 : i32
        %dma_start3A_1493 = tpu.memref_slice %arg7[%dma_start3A_1490, %dma_start3A_1491, %dma_start3A_1492] : memref<4x16x128xi32, #tpu.memory_space<vmem>> -> memref<1x16x128xi32, #tpu.memory_space<vmem>>
        %dma_start3A_1494 = tpu.memref_squeeze %dma_start3A_1493 : memref<1x16x128xi32, #tpu.memory_space<vmem>> -> memref<16x128xi32, #tpu.memory_space<vmem>>
        %dma_start3A_1495 = arith.constant 0 : i32
        %dma_start3A_1496 = tpu.memref_slice %arg2[%select_n3A_1449, %select_n3A_1473, %select_n3A_1489, %dma_start3A_1495] : memref<25x32x8x128xi32, #tpu.memory_space<hbm>> -> memref<1x16x1x128xi32, #tpu.memory_space<hbm>>
        %dma_start3A_1497 = tpu.memref_squeeze %dma_start3A_1496 : memref<1x16x1x128xi32, #tpu.memory_space<hbm>> -> memref<16x128xi32, #tpu.memory_space<hbm>>
        %dma_start3A_1498 = arith.constant 0 : i32
        %dma_start3A_1499 = arith.constant 0 : i32
        %dma_start3A_1500 = tpu.memref_slice %arg7[%dma_start3A_1490, %dma_start3A_1498, %dma_start3A_1499] : memref<4x16x128xi32, #tpu.memory_space<vmem>> -> memref<1x16x128xi32, #tpu.memory_space<vmem>>
        %dma_start3A_1501 = tpu.memref_squeeze %dma_start3A_1500 : memref<1x16x128xi32, #tpu.memory_space<vmem>> -> memref<16x128xi32, #tpu.memory_space<vmem>>
        %dma_start3A_1502 = arith.constant 0 : i32
        %dma_start3A_1503 = tpu.memref_slice %arg2[%select_n3A_1449, %select_n3A_1473, %select_n3A_1489, %dma_start3A_1502] : memref<25x32x8x128xi32, #tpu.memory_space<hbm>> -> memref<1x16x1x128xi32, #tpu.memory_space<hbm>>
        %dma_start3A_1504 = tpu.memref_squeeze %dma_start3A_1503 : memref<1x16x1x128xi32, #tpu.memory_space<hbm>> -> memref<16x128xi32, #tpu.memory_space<hbm>>
        tpu.enqueue_dma source(%dma_start3A_1504 : memref<16x128xi32, #tpu.memory_space<hbm>>) target(%dma_start3A_1501 : memref<16x128xi32, #tpu.memory_space<vmem>>) target_semaphore(%arg13 : memref<!tpu.dma_semaphore, #tpu.memory_space<semaphore_mem>>)
      } else {
      }
    }
    %scan3A_269 = arith.constant 50 : i32
    %add3A_270 = arith.constant 99 : i32
    %add3A_271 = arith.addi %mul3A_0, %add3A_270 : i32
    %dma_wait3A = arith.constant 0 : i32
    %dma_wait3A_272 = arith.constant 0 : i32
    %dma_wait3A_273 = arith.constant 0 : i32
    %dma_wait3A_274 = tpu.memref_slice %arg8[%dma_wait3A, %dma_wait3A_272, %dma_wait3A_273] : memref<2x16x128xf32, #tpu.memory_space<vmem>> -> memref<1x16x128xf32, #tpu.memory_space<vmem>>
    %dma_wait3A_275 = tpu.memref_squeeze %dma_wait3A_274 : memref<1x16x128xf32, #tpu.memory_space<vmem>> -> memref<16x128xf32, #tpu.memory_space<vmem>>
    %dma_wait3A_276 = arith.constant 0 : i32
    %dma_wait3A_277 = arith.constant 0 : i32
    %dma_wait3A_278 = tpu.memref_slice %arg5[%add3A_271, %select_n3A, %dma_wait3A_276, %select_n3A_29, %dma_wait3A_277] : memref<200x2x32x8x128xf32, #tpu.memory_space<hbm>> -> memref<1x1x16x1x128xf32, #tpu.memory_space<hbm>>
    %dma_wait3A_279 = tpu.memref_squeeze %dma_wait3A_278 : memref<1x1x16x1x128xf32, #tpu.memory_space<hbm>> -> memref<16x128xf32, #tpu.memory_space<hbm>>
    %dma_wait3A_280 = arith.constant 0 : i32
    %dma_wait3A_281 = arith.constant 0 : i32
    %dma_wait3A_282 = tpu.memref_slice %arg5[%add3A_271, %select_n3A, %dma_wait3A_280, %select_n3A_29, %dma_wait3A_281] : memref<200x2x32x8x128xf32, #tpu.memory_space<hbm>> -> memref<1x1x16x1x128xf32, #tpu.memory_space<hbm>>
    %dma_wait3A_283 = tpu.memref_squeeze %dma_wait3A_282 : memref<1x1x16x1x128xf32, #tpu.memory_space<hbm>> -> memref<16x128xf32, #tpu.memory_space<hbm>>
    %dma_wait3A_284 = arith.constant 0 : i32
    %dma_wait3A_285 = arith.constant 0 : i32
    %dma_wait3A_286 = tpu.memref_slice %arg8[%dma_wait3A, %dma_wait3A_284, %dma_wait3A_285] : memref<2x16x128xf32, #tpu.memory_space<vmem>> -> memref<1x16x128xf32, #tpu.memory_space<vmem>>
    %dma_wait3A_287 = tpu.memref_squeeze %dma_wait3A_286 : memref<1x16x128xf32, #tpu.memory_space<vmem>> -> memref<16x128xf32, #tpu.memory_space<vmem>>
    tpu.wait_dma2 semaphore(%arg14 : memref<!tpu.dma_semaphore, #tpu.memory_space<semaphore_mem>>) src(%dma_wait3A_287 : memref<16x128xf32, #tpu.memory_space<vmem>>) dst(%dma_wait3A_283 : memref<16x128xf32, #tpu.memory_space<hbm>>)
    %add3A_288 = arith.constant 99 : i32
    %add3A_289 = arith.addi %mul3A_0, %add3A_288 : i32
    %dma_wait3A_290 = arith.constant 1 : i32
    %dma_wait3A_291 = arith.constant 0 : i32
    %dma_wait3A_292 = arith.constant 0 : i32
    %dma_wait3A_293 = tpu.memref_slice %arg8[%dma_wait3A_290, %dma_wait3A_291, %dma_wait3A_292] : memref<2x16x128xf32, #tpu.memory_space<vmem>> -> memref<1x16x128xf32, #tpu.memory_space<vmem>>
    %dma_wait3A_294 = tpu.memref_squeeze %dma_wait3A_293 : memref<1x16x128xf32, #tpu.memory_space<vmem>> -> memref<16x128xf32, #tpu.memory_space<vmem>>
    %dma_wait3A_295 = arith.constant 16 : i32
    %dma_wait3A_296 = arith.constant 0 : i32
    %dma_wait3A_297 = tpu.memref_slice %arg5[%add3A_289, %select_n3A, %dma_wait3A_295, %select_n3A_29, %dma_wait3A_296] : memref<200x2x32x8x128xf32, #tpu.memory_space<hbm>> -> memref<1x1x16x1x128xf32, #tpu.memory_space<hbm>>
    %dma_wait3A_298 = tpu.memref_squeeze %dma_wait3A_297 : memref<1x1x16x1x128xf32, #tpu.memory_space<hbm>> -> memref<16x128xf32, #tpu.memory_space<hbm>>
    %dma_wait3A_299 = arith.constant 16 : i32
    %dma_wait3A_300 = arith.constant 0 : i32
    %dma_wait3A_301 = tpu.memref_slice %arg5[%add3A_289, %select_n3A, %dma_wait3A_299, %select_n3A_29, %dma_wait3A_300] : memref<200x2x32x8x128xf32, #tpu.memory_space<hbm>> -> memref<1x1x16x1x128xf32, #tpu.memory_space<hbm>>
    %dma_wait3A_302 = tpu.memref_squeeze %dma_wait3A_301 : memref<1x1x16x1x128xf32, #tpu.memory_space<hbm>> -> memref<16x128xf32, #tpu.memory_space<hbm>>
    %dma_wait3A_303 = arith.constant 0 : i32
    %dma_wait3A_304 = arith.constant 0 : i32
    %dma_wait3A_305 = tpu.memref_slice %arg8[%dma_wait3A_290, %dma_wait3A_303, %dma_wait3A_304] : memref<2x16x128xf32, #tpu.memory_space<vmem>> -> memref<1x16x128xf32, #tpu.memory_space<vmem>>
    %dma_wait3A_306 = tpu.memref_squeeze %dma_wait3A_305 : memref<1x16x128xf32, #tpu.memory_space<vmem>> -> memref<16x128xf32, #tpu.memory_space<vmem>>
    tpu.wait_dma2 semaphore(%arg15 : memref<!tpu.dma_semaphore, #tpu.memory_space<semaphore_mem>>) src(%dma_wait3A_306 : memref<16x128xf32, #tpu.memory_space<vmem>>) dst(%dma_wait3A_302 : memref<16x128xf32, #tpu.memory_space<hbm>>)
    return
  }
}

</mosaic_0001>

<sc_bundles>
// kernel: kernel.3.cloned.1.call-start
scs
__scs_entry_jumppad:
0x0: {  	(pc) =	sbr.rel $0x88, $3  }
0x1: {  	(tag) =	ssettag $0x0;
	lr =	simm.s32 $0x1  }
0x2: {  	[smem:$0x3F9F] =	sst lr;
	_ =	strace $0xD0000000  }
0x3: {  	_ = 	snop  }
0x4: {  	_ = 	snop  }
0x5: {  	_ = 	snop  }
0x6: {  	_ = 	snop  }
0x7: {  	_ = 	snop  }
__scs_overlays_trampoline_lowered:
0x8: {  	[smem:$0x3FAE] =	sst s0  }
0x9: {  	[smem:$0x3FAF] =	sst s1  }
0xa: {  	[smem:$0x3FB0] =	sst s2  }
0xb: {  	[smem:$0x3FB1] =	sst s3  }
0xc: {  	[smem:$0x3FB2] =	sst s4  }
0xd: {  	[smem:$0x3FB3] =	sst s5  }
0xe: {  	[smem:$0x3FB4] =	sst s6  }
0xf: {  	[smem:$0x3FB5] =	sst s7  }
0x10: {  	[smem:$0x3FB6] =	sst s8  }
0x11: {  	[smem:$0x3FB7] =	sst s9;
	s0 =	simm.s32 @!p0 $0x0  }
0x12: {  	s1 =	sld [smem:$0x3F9D];
	s0 =	simm.s32 @p0 $0x1  }
0x13: {  	[smem:$0x3FB8] =	sst s0;
	s0 =	simm.s32 @!p1 $0x0  }
0x14: {  	s2 =	sld [smem:$0x3F9C];
	s0 =	simm.s32 @p1 $0x1  }
0x15: {  	[smem:$0x3FB9] =	sst s0;
	s0 =	simm.s32 @!p2 $0x0  }
0x16: {  	s3 =	sld [smem:$0x3FDB];
	s0 =	simm.s32 @p2 $0x1  }
0x17: {  	s4 =	simm.s32 $0x1BF5;
	[smem:$0x3FBB] =	sst s0  }
0x18: {  	s0 =	sld [smem:$0x3F9E];
	_ =	swait.ge [sflag:s4], $0x0  }
0x19: {  	s7 =	sld [smem:$0x3F9F]  }
0x1a: {  	s8 =	sadd.s32 $0xFFFFE003, lr  }
0x1b: {  	s9 =	sadd.s32 $0xFFFFFEF7, lr;
	s5 =	simm.s32 $0xFFFFFFFF;
	p2 =	slt.u32 s8, $0xFFFFF086  }
0x1c: {  	p1 =	slt.u32 s9, $0xF7A;
	s5 =	simm.s32 @!p2 $0x0  }
0x1d: {  	s5 =	simm.s32 @p1 $0x1;
	p0 =	seq.s32 s7, s2  }
0x1e: {  	s7 =	smul.u32 @!p0 $0xF7A, s2;
	p2 =	seq.s32 @!p0 s5, $0x0  }
0x1f: {  	s9 =	smul.u32 $0xF7A, s1;
	s8 =	simm.s32 @!p0 $0x1BF5;
	p2 =	por !p2, p0  }
0x20: {  	[sflag:s8] =	ssyncset.s32 @!p0 $0xFFFFF086;
	s6 =	sadd.s32 @!p0 s3, s7;
	s7 =	simm.s32 @!p0 $0x108  }
0x21: {  	s3 =	sadd.s32 s3, s9;
	s6 =	sadd.s32 @!p0 $0x88, s6;
	s7 =	simm.s32 @p2 $0x1082  }
0x22: {  	[simem:s7], [sflag:s8] =	dma.local @!p0 [hbm:s6], $0xF7A  }
0x23: {  	s9 =	sor.u32 $0xD0000000, s2;
	s6 =	simm.s32 $0x108;
	_ =	swait.ge @!p0 [sflag:s8], $0x0  }
0x24: {  	s3 =	sadd.s32 $0x88, s3;
	s6 =	simm.s32 @!p1 $0x1082;
	[sflag:s4] =	ssyncset.s32 $0xFFFFF086  }
0x25: {  	[simem:s6], [sflag:s4] =	dma.local [hbm:s3], $0xF7A  }
0x26: {  	[smem:$0x3F9F] =	sst s1;
	(tag) =	ssettag s2;
	_ =	strace s9  }
0x27: {  	s1 =	sld [smem:$0x3FAF]  }
0x28: {  	s2 =	sld [smem:$0x3FB0]  }
0x29: {  	s4 =	sld [smem:$0x3FB2]  }
0x2a: {  	p0 =	seq.s32 s5, $0x0;
	s5 =	sld [smem:$0x3FB3]  }
0x2b: {  	s6 =	sld [smem:$0x3FB4]  }
0x2c: {  	s7 =	sld [smem:$0x3FB5]  }
0x2d: {  	s3 =	simm.s32 $0x108;
	s8 =	sld [smem:$0x3FB6]  }
0x2e: {  	s3 =	simm.s32 @!p0 $0x1082;
	s9 =	sld [smem:$0x3FB7]  }
0x2f: {  	lr =	sadd.s32 s0, s3;
	s0 =	sld [smem:$0x3FAE]  }
0x30: {  	s3 =	sld [smem:$0x3FB1]  }
0x31: {  	[smem:$0x3FBA] =	sst s10  }
0x32: {  	s10 =	sld [smem:$0x3FB8];
	_ =	sdelay $0x3  }
0x33: {  	p0 =	seq.s32 s10, $0x1;
	s10 =	sld [smem:$0x3FBA];
	_ =	sdelay $0x3  }
0x34: {  	[smem:$0x3FBA] =	sst s10  }
0x35: {  	s10 =	sld [smem:$0x3FB9];
	_ =	sdelay $0x3  }
0x36: {  	p1 =	seq.s32 s10, $0x1;
	s10 =	sld [smem:$0x3FBA];
	_ =	sdelay $0x3  }
0x37: {  	[smem:$0x3FBA] =	sst s10  }
0x38: {  	s10 =	sld [smem:$0x3FBB]  }
0x39: {  	_ = 	snop;
	(pc) =	sbr.ind lr, $3  }
0x3a: {  	_ = 	snop  }
0x3b: {  	_ = 	snop  }
0x3c: {  	p2 =	seq.s32 s10, $0x1;
	s10 =	sld [smem:$0x3FBA]  }
0x3d: {  	_ =	shalt  }
0x3e: {  	_ =	shalt  }
0x3f: {  	_ =	shalt  }
0x40: {  	_ =	shalt  }
0x41: {  	_ =	shalt  }
0x42: {  	_ =	shalt  }
0x43: {  	_ =	shalt  }
0x44: {  	_ =	shalt  }
0x45: {  	_ =	shalt  }
0x46: {  	_ =	shalt  }
0x47: {  	_ =	shalt  }
0x48: {  	_ =	shalt  }
0x49: {  	_ =	shalt  }
0x4a: {  	_ =	shalt  }
0x4b: {  	_ =	shalt  }
0x4c: {  	_ =	shalt  }
0x4d: {  	_ =	shalt  }
0x4e: {  	_ =	shalt  }
0x4f: {  	_ =	shalt  }
0x50: {  	_ =	shalt  }
0x51: {  	_ =	shalt  }
0x52: {  	_ =	shalt  }
0x53: {  	_ =	shalt  }
0x54: {  	_ =	shalt  }
0x55: {  	_ =	shalt  }
0x56: {  	_ =	shalt  }
0x57: {  	_ =	shalt  }
0x58: {  	_ =	shalt  }
0x59: {  	_ =	shalt  }
0x5a: {  	_ =	shalt  }
0x5b: {  	_ =	shalt  }
0x5c: {  	_ =	shalt  }
0x5d: {  	_ =	shalt  }
0x5e: {  	_ =	shalt  }
0x5f: {  	_ =	shalt  }
0x60: {  	_ =	shalt  }
0x61: {  	_ =	shalt  }
0x62: {  	_ =	shalt  }
0x63: {  	_ =	shalt  }
0x64: {  	_ =	shalt  }
0x65: {  	_ =	shalt  }
0x66: {  	_ =	shalt  }
0x67: {  	_ =	shalt  }
0x68: {  	_ =	shalt  }
0x69: {  	_ =	shalt  }
0x6a: {  	_ =	shalt  }
0x6b: {  	_ =	shalt  }
0x6c: {  	_ =	shalt  }
0x6d: {  	_ =	shalt  }
0x6e: {  	_ =	shalt  }
0x6f: {  	_ =	shalt  }
0x70: {  	_ =	shalt  }
0x71: {  	_ =	shalt  }
0x72: {  	_ =	shalt  }
0x73: {  	_ =	shalt  }
0x74: {  	_ =	shalt  }
0x75: {  	_ =	shalt  }
0x76: {  	_ =	shalt  }
0x77: {  	_ =	shalt  }
0x78: {  	_ =	shalt  }
0x79: {  	_ =	shalt  }
0x7a: {  	_ =	shalt  }
0x7b: {  	_ =	shalt  }
0x7c: {  	_ =	shalt  }
0x7d: {  	_ =	shalt  }
0x7e: {  	_ =	shalt  }
0x7f: {  	_ =	shalt  }
0x80: {  	_ =	shalt  }
0x81: {  	_ =	shalt  }
0x82: {  	_ =	shalt  }
0x83: {  	_ =	shalt  }
0x84: {  	_ =	shalt  }
0x85: {  	_ =	shalt  }
0x86: {  	_ =	shalt  }
0x87: {  	_ =	shalt  }
.Lfunc_end0:
.L_simem_size_0:
called_computation_lowered:
.L_overlay_start_0:
0x88: {  	s2 =	sld [smem:$0x3FD9]  }
0x89: {  	s3 =	sld [smem:$0x3FFE];
	_ =	sdelay $0x1  }
0x8a: {  	s1 =	srdreg.scid  }
0x8b: {  	s0 =	sand.u32 $0x1, s1  }
0x8c: {  	s17 =	sshll.u32 s0, $0xA;
	s2 =	sadd.s32 s3, s2  }
0x8d: {  	s2 =	sadd.s32 s2, s17  }
0x8e: {  	[smem:$0x3FC6] =	sst s2  }
0x8f: {  	_ = 	snop  }
0x90: {  	s2 =	sld [smem:$0x3FC9]  }
0x91: {  	s18 =	sld [smem:$0x3FD0];
	(tm) =	ssettm $0x1  }
0x92: {  	s4 =	sld [smem:$0x3FFB];
	_ =	sdelay $0x3  }
0x93: {  	_ =	strace s4  }
0x94: {  	s4 =	sld [smem:$0x3FFC];
	_ =	sdelay $0x3  }
0x95: {  	_ =	strace s4  }
0x96: {  	s4 =	sld [smem:$0x3FFD];
	_ =	sdelay $0x3  }
0x97: {  	_ =	strace s4  }
0x98: {  	_ =	strace $0x8FFFFFFF  }
0x99: {  	s19 =	sld [smem:$0x3FDB];
	_ =	sdelay $0x1  }
0x9a: {  	s5 =	simm.s32 $_scs_section_size  }
0x9b: {  	s6 =	simm.s32 $_size__tile_overlayer_lowered;
	s7 =	simm.s32 $_tile_overlayer_lowered  }
0x9c: {  	s22 =	simm.s32 $0x1BFF;
	s21 =	sshll.u32 s7, $0x1;
	s4 =	sadd.s32 s5, s19  }
0x9d: {  	s8 =	simm.s32 $0x0;
	s20 =	sshll.u32 s6, $0x1;
	s6 =	sadd.s32 s21, s4  }
0x9e: {  	[timem:s8], [sflag:s22] =	dma.local [hbm:s6], s20  }
0x9f: {  	_ =	swait.ge [sflag:s22], s20  }
0xa0: {  	s5 =	ssub.s32 $0x0, s20;
	[sflag:s22] =	ssyncset.done $0x0  }
0xa1: {  	[sflag:s22] =	ssyncadd.s32 s5;
	_ =	sdelay $0x1  }
0xa2: {  	s23 =	simm.s32 $0x1B8B  }
0xa3: {  	_ =	swait.ge [sflag:s23], $0x1  }
0xa4: {  	[sflag:s23] =	ssyncset.done $0x0  }
0xa5: {  	s25 =	simm.s32 $0x1B8E;
	s24 =	sld [smem:$0x3FFE];
	[sflag:s23] =	ssyncadd.s32 $0xFFFFFFFF  }
0xa6: {  	s26 =	simm.s32 $execute0_lowered;
	[smem:$0x3FD2] =	sst s25  }
0xa7: {  	s6 =	sshll.u32 s26, $0x1;
	_ =	strace $0x80000046;
	[dreg:$0x1] =	wrdreg $0xFFFFFFFF  }
0xa8: {  	s28 =	simm.s32 $_size_execute0_lowered;
	s4 =	sadd.s32 s4, s6;
	[dreg:$0x0] =	wrdreg $0x0  }
0xa9: {  	s6 =	sshll.u32 s28, $0x1;
	[dreg:$0x2] =	wrdreg s4  }
0xaa: {  	[dreg:$0x3] =	wrdreg s6  }
0xab: {  	[dreg:$0x4] =	wrdreg $0xC0  }
0xac: {  	_ =	task [dreg:s8], $0x5FFFF  }
0xad: {  	[dreg:$0x1] =	wrdreg $0xFFFFFFFF  }
0xae: {  	[dreg:$0x0] =	wrdreg $0x60  }
0xaf: {  	[dreg:$0x2] =	wrdreg s2  }
0xb0: {  	[dreg:$0x3] =	wrdreg s24  }
0xb1: {  	[dreg:$0x4] =	wrdreg s18  }
0xb2: {  	[dreg:$0x5] =	wrdreg $0x9  }
0xb3: {  	_ =	task.clear_ibuf [dreg:s8], $0x6FFFF;
	_ =	strace $0x90000046  }
0xb4: {  	s29 =	simm.s32 $0x9;
	_ =	strace $0x80000048  }
0xb5: {  	_ =	swait.ge [sflag:s29], $0x1  }
0xb6: {  	[sflag:s29] =	ssyncadd.s32 $0xFFFFFFFF  }
0xb7: {  	_ =	strace $0x90000048  }
0xb8: {  	_ =	sfence  }
0xb9: {  	s30 =	sld [smem:$0x0];
	_ =	sdelay $0x2  }
0xba: {  	s31 =	sshll.u32 s1, $0xD;
	s1 =	sshrl.u32 s1, $0x2  }
0xbb: {  	s3 =	sand.u32 $0x4000, s31;
	s1 =	sadd.s32 s1, s30  }
0xbc: {  	s0 =	sor.u32 s3, s0;
	s1 =	sshll.u32 s1, $0x11  }
0xbd: {  	s0 =	sor.u32 s1, s0  }
0xbe: {  	s0 =	sadd.s32 $0x8F2B, s0  }
0xbf: {  	[sflag:s0] =	ssyncadd.remote.s32 $0x1  }
0xc0: {  	_ =	sfence.sel $0xFFFF  }
0xc1: {  	[dreg:$0x0] =	wrdreg $0xFFFFFFFF;
	(pc) =	sbr.abs _section_cstart, $3  }
0xc2: {  	[dreg:$0x1] =	wrdreg $0xFFFFFFFF  }
0xc3: {  	_ =	task.clear_ibuf [dreg:s8], $0x2FFFF;
	_ =	strace $0x9FFFFFFF  }
0xc4: {  	(tm) =	ssettm $0x7FFFFFFF  }
0xc5: {  	_ =	shalt  }
tec
execute0_lowered:
.L_overlay_start_1:
0x0: {  	(tag) =	ssettag $0x1  }
0x1: {  	s2 =	rddreg [dreg:$0x0]  }
0x2: {  	s0 =	rddreg [dreg:$0x1]  }
0x3: {  	s3 =	rddreg [dreg:$0x2]  }
0x4: {  	s11 =	stileid.u32;
	s4 =	simm.s32 $0x0;
	s5 =	srdreg.scid  }
0x5: {  	s17 =	simm.s32 $0x7;
	s18 =	simm.s32 $0x80;
	s19 =	simm.s32 $0x400  }
0x6: {  	s20 =	simm.s32 $0x186A0;
	s28 =	simm.s32 $0x6;
	s29 =	simm.s32 $0x1AEA0  }
0x7: {  	s30 =	simm.s32 $0x3;
	s31 =	simm.s32 $0x5;
	s1 =	smul.u32 $0x190, s11  }
0x8: {  	[smem:$0x7FF] =	sst s4;
	s6 =	sand.u32 $0x1, s5;
	s8 =	smul.u32 $0x30D4, s11  }
0x9: {  	s5 =	sshll.u32 s5, $0x9;
	s25 =	sshll.u32 s11, $0xC;
	s26 =	sshll.u32 s11, $0x7  }
0xa: {  	s13 =	sadd.s32 $0x800, s3;
	_ =	strace $0x80000047;
	s7 =	smul.u32 $0x64000, s6  }
0xb: {  	s9 =	ssub.s32 $0x2, s6;
	s5 =	sand.u32 $0x200, s5;
	s1 =	sadd.s32 s1, s0  }
0xc: {  	s10 =	sshrl.u32 s9, $0x1;
	s0 =	sadd.s32 s8, s0;
	s8 =	sadd.s32 $0x800, s2  }
0xd: {  	s7 =	sand.u32 $0x78000, s7;
	s9 =	ssub.s32 s9, s10;
	s1 =	sadd.s32 $0x400, s1  }
0xe: {  	s0 =	sadd.s32 $0x1E00, s0;
	s7 =	sor.u32 s5, s7;
	[dreg:$0x4] =	wrdreg s1  }
0xf: {  	s5 =	smul.u32 $0x64, s6;
	[dreg:$0x5] =	wrdreg s0;
	s0 =	sor.u32 s26, s25  }
0x10: {  	s14 =	smax.u32 s9, $0x1;
	s25 =	simm.s32 $0x1A6A0;
	s21 =	sshrl.u32 s7, $0x3  }
.Ltmp0:
0x11: {  	s26 =	simm.s32 $0x2;
	s23 =	sadd.s32 s2, s21;
	(pc) =	sbr.rel .LBB2_1-.Ltmp0, $4  }
0x12: {  	s15 =	sand.u32 $0x8380, s0;
	s1 =	sadd.s32 s21, s8;
	[dreg:$0x6] =	wrdreg s23  }
0x13: {  	s0 =	simm.s32 $0x4;
	s22 =	sor.u32 $0x10, s21;
	[dreg:$0x7] =	wrdreg s1  }
0x14: {  	s24 =	sadd.s32 s2, s22;
	s12 =	sadd.s32 s22, s8;
	s23 =	simm.s32 $0x19EA0  }
0x15: {  	s1 =	simm.s32 $0x0;
	[dreg:$0x8] =	wrdreg s24;
	s24 =	simm.s32 $0x1  }
.LBB2_16:
0x16: {  	s1 =	sadd.s32 $0x1, s1  }
0x17: {  	_ =	swait.ge [sflag:s31], $0x800;
	p0 =	sne.s32 s1, s14  }
.Ltmp1:
0x18: {  	[sflag:s31] =	ssyncset.done $0x0;
	(pc) =	sbr.rel @!p0 .LBB2_17-.Ltmp1, $4  }
0x19: {  	[sflag:s31] =	ssyncadd.s32 $0xFFFFF800  }
0x1a: {  	_ =	swait.ge [sflag:s28], $0x800  }
0x1b: {  	[sflag:s28] =	ssyncset.done $0x0  }
0x1c: {  	[sflag:s28] =	ssyncadd.s32 $0xFFFFF800  }
.LBB2_1:
0x1d: {  	s6 =	rddreg [dreg:$0x4];
	s7 =	simm.s32 $0x1B6A0  }
0x1e: {  	[tilespmem:s7], [sflag:$0x7] =	stream.linear.gather [hbm4b:s6+s4], $0xC80, $0x38;
	[tilespmem:$0x1C320] =	vst v63  }
0x1f: {  	_ =	swait.ge [sflag:s17], $0xC80  }
0x20: {  	[sflag:s17] =	ssyncset.done $0x0  }
0x21: {  	s9 =	rddreg [dreg:$0x5];
	[sflag:s17] =	ssyncadd.s32 $0xFFFFF380  }
0x22: {  	[tilespmem:s4], [sflag:$0x7] =	stream.linear.gather [hbm4b:s9+s4], $0x186A0, $0x38;
	[tilespmem:$0x1C320] =	vst v63  }
0x23: {  	_ =	swait.ge [sflag:s17], $0x186A0  }
0x24: {  	[sflag:s17] =	ssyncset.done $0x0  }
0x25: {  	s10 =	rddreg [dreg:$0x6];
	[sflag:s17] =	ssyncadd.s32 $0xFFFE7960  }
0x26: {  	[tilespmem:s20], [sflag:$0x1] =	stream.strided.gather [hbm4b:s10+s18], $0x800, s19, s18, $0x38;
	[tilespmem:$0x1C320] =	vst v63  }
0x27: {  	s16 =	simm.s32 $0x18EA0;
	s11 =	rddreg [dreg:$0x7]  }
0x28: {  	[tilespmem:s16], [sflag:$0x2] =	stream.strided.gather [hbm4b:s11+s18], $0x800, s19, s18, $0x38;
	[tilespmem:$0x1C320] =	vst v63  }
0x29: {  	s22 =	simm.s32 $0x196A0;
	s21 =	rddreg [dreg:$0x8]  }
0x2a: {  	[tilespmem:s22], [sflag:$0x3] =	stream.strided.gather [hbm4b:s21+s18], $0x800, s19, s18, $0x38;
	[tilespmem:$0x1C320] =	vst v63  }
0x2b: {  	s16 =	simm.s32 $0x0  }
0x2c: {  	[tilespmem:s23], [sflag:$0x4] =	stream.strided.gather [hbm4b:s12+s18], $0x800, s19, s18, $0x38;
	[tilespmem:$0x1C320] =	vst v63  }
.LBB2_2:
0x2d: {  	_ =	swait.ge [sflag:s24], $0x800  }
0x2e: {  	p0 =	seq.s32 s16, $0x0;
	[sflag:s24] =	ssyncset.done $0x0  }
0x2f: {  	s22 =	sshll.u32 s16, $0x1;
	s6 =	simm.s32 @!p0 $0x5;
	[sflag:s24] =	ssyncadd.s32 $0xFFFFF800  }
0x30: {  	s7 =	sadd.s32 s5, s22;
	_ =	swait.ge @!p0 [sflag:s6], $0x800  }
0x31: {  	s9 =	sshll.u32 s7, $0x6;
	[sflag:s6] =	ssyncset.done @!p0 $0x0  }
0x32: {  	[sflag:s6] =	ssyncadd.s32 @!p0 $0xFFFFF800;
	s6 =	sshrl.u32 s9, $0x2  }
0x33: {  	s21 =	simm.s32 $0x186E0;
	v0 =	vld [tilespmem:s6+$0x1B6A0]  }
0x34: {  	v1 =	vld [tilespmem:s21+$0x30]  }
0x35: {  	v2 =	vld [tilespmem:s21+$0xFFFFFFD0]  }
0x36: {  	v3 =	vld [tilespmem:s21+$0xFFFFFFE0]  }
0x37: {  	v4 =	vld [tilespmem:s21+$0xFFFFFFF0]  }
0x38: {  	v7 =	vld [tilespmem:s21+$0x0]  }
0x39: {  	v8 =	vld [tilespmem:s21+$0x10]  }
0x3a: {  	v9 =	vld [tilespmem:s21+$0x20]  }
0x3b: {  	v10 =	vld [tilespmem:s21+$0xFFFFFFC0]  }
0x3c: {  	v11 =	vld.idx.msk [tilespmem:v1+s4+$0x0], $0xffff  }
0x3d: {  	v12 =	vld.idx.msk [tilespmem:v2+s4+$0x0], $0xffff  }
0x3e: {  	v6 =	vld.idx.msk [tilespmem:v3+s4+$0x0], $0xffff  }
0x3f: {  	v5 =	vld.idx.msk [tilespmem:v4+s4+$0x0], $0xffff  }
0x40: {  	v4 =	vld.idx.msk [tilespmem:v7+s4+$0x0], $0xffff  }
0x41: {  	v2 =	vld.idx.msk [tilespmem:v8+s4+$0x0], $0xffff  }
0x42: {  	s10 =	simm.s32 $0x0;
	v1 =	vld.idx.msk [tilespmem:v9+s4+$0x0], $0xffff;
	v7 =	vadd.f32 v11, v0  }
0x43: {  	s11 =	simm.s32 $0x18760;
	s9 =	simm.s32 $0x1A6E0;
	s21 =	sshll.u32 s16, $0x2;
	v3 =	vld.idx.msk [tilespmem:v10+s4+$0x0], $0xffff;
	v8 =	vadd.f32 v12, v0  }
.LBB2_3:
0x44: {  	v9 =	vld [tilespmem:s11+$0x30];
	s10 =	sadd.s32 $0x8, s10;
	v6 =	vadd.f32 v6, v0;
	[tilespmem:s9+$0x30] =	vst v7  }
0x45: {  	v5 =	vadd.f32 v5, v0;
	v7 =	vld [tilespmem:s11+$0xFFFFFFD0];
	p1 =	slt.u32 s10, $0x78;
	[tilespmem:s9+$0xFFFFFFD0] =	vst v8  }
0x46: {  	v4 =	vadd.f32 v4, v0;
	v8 =	vld [tilespmem:s11+$0xFFFFFFE0];
	[tilespmem:s9+$0xFFFFFFE0] =	vst v6  }
0x47: {  	v2 =	vadd.f32 v2, v0;
	v10 =	vld [tilespmem:s11+$0xFFFFFFF0];
	[tilespmem:s9+$0xFFFFFFF0] =	vst v5  }
0x48: {  	v1 =	vadd.f32 v1, v0;
	v11 =	vld [tilespmem:s11+$0x0];
	[tilespmem:s9+$0x0] =	vst v4  }
0x49: {  	v3 =	vadd.f32 v3, v0;
	v12 =	vld [tilespmem:s11+$0x10];
	[tilespmem:s9+$0x10] =	vst v2  }
0x4a: {  	v13 =	vld [tilespmem:s11+$0x20];
	[tilespmem:s9+$0x20] =	vst v1  }
0x4b: {  	v14 =	vld [tilespmem:s11+$0xFFFFFFC0];
	[tilespmem:s9+$0xFFFFFFC0] =	vst v3  }
0x4c: {  	v3 =	vld.idx.msk [tilespmem:v9+s4+$0x0], $0xffff  }
0x4d: {  	v9 =	vld.idx.msk [tilespmem:v7+s4+$0x0], $0xffff  }
0x4e: {  	v6 =	vld.idx.msk [tilespmem:v8+s4+$0x0], $0xffff  }
.Ltmp2:
0x4f: {  	v5 =	vld.idx.msk [tilespmem:v10+s4+$0x0], $0xffff;
	(pc) =	sbr.rel @p1 .LBB2_3-.Ltmp2, $4  }
0x50: {  	v4 =	vld.idx.msk [tilespmem:v11+s4+$0x0], $0xffff  }
0x51: {  	v2 =	vld.idx.msk [tilespmem:v12+s4+$0x0], $0xffff  }
0x52: {  	v7 =	vadd.f32 v3, v0;
	v1 =	vld.idx.msk [tilespmem:v13+s4+$0x0], $0xffff  }
0x53: {  	s11 =	sadd.s32 $0x80, s11;
	s9 =	sadd.s32 $0x80, s9;
	v8 =	vadd.f32 v9, v0;
	v3 =	vld.idx.msk [tilespmem:v14+s4+$0x0], $0xffff  }
0x54: {  	v6 =	vadd.f32 v6, v0;
	[tilespmem:s9+$0x30] =	vst v7  }
0x55: {  	v5 =	vadd.f32 v5, v0;
	[tilespmem:s9+$0xFFFFFFD0] =	vst v8  }
0x56: {  	v4 =	vadd.f32 v4, v0;
	[tilespmem:s9+$0xFFFFFFE0] =	vst v6  }
0x57: {  	p1 =	sne.s32 s16, $0x31;
	[tilespmem:s9+$0xFFFFFFF0] =	vst v5;
	v2 =	vadd.f32 v2, v0  }
.Ltmp3:
0x58: {  	s7 =	sshll.u32 s7, $0x10;
	[tilespmem:s9+$0x0] =	vst v4;
	v1 =	vadd.f32 v1, v0;
	(pc) =	sbr.rel @p1 .LBB2_6-.Ltmp3, $4  }
0x59: {  	s7 =	sor.u32 s15, s7;
	v63 =	vadd.f32 v3, v0;
	[tilespmem:s9+$0x10] =	vst v2  }
0x5a: {  	s7 =	sshrl.u32 s7, $0x3;
	[tilespmem:s9+$0x20] =	vst v1  }
0x5b: {  	s11 =	sadd.s32 s3, s7;
	[tilespmem:s9+$0xFFFFFFC0] =	vst v63  }
0x5c: {  	[hbm4b:s11+s18] =	stream.strided.scatter [tilespmem:s25], [sflag:$0x5], $0x800, s19, s18, $0x38;
	[tilespmem:$0x1C320] =	vst v63  }
.Ltmp4:
0x5d: {  	(pc) =	sbr.rel .LBB2_7-.Ltmp4, $4  }
0x5e: {  	_ = 	snop  }
0x5f: {  	_ =	swait.ge [sflag:s26], $0x800  }
0x60: {  	[sflag:s26] =	ssyncset.done $0x0  }
0x61: {  	[sflag:s26] =	ssyncadd.s32 $0xFFFFF800  }
.LBB2_6:
0x62: {  	s9 =	sshrl.u32 s21, $0x1  }
0x63: {  	s9 =	sadd.s32 s5, s9  }
0x64: {  	s9 =	sadd.s32 $0x2, s9  }
0x65: {  	s10 =	sshll.u32 s9, $0x4  }
0x66: {  	s9 =	sshll.u32 s9, $0x9;
	s10 =	sand.u32 $0x60, s10  }
0x67: {  	s9 =	sand.u32 $0xFFFF000, s9;
	s10 =	sadd.s32 s2, s10  }
.Ltmp5:
0x68: {  	s9 =	sadd.s32 s9, s10;
	(pc) =	sbr.rel @p0 .LBB2_8-.Ltmp5, $4  }
0x69: {  	[tilespmem:s20], [sflag:$0x1] =	stream.strided.gather [hbm4b:s9+s18], $0x800, s19, s18, $0x38;
	[tilespmem:$0x1C320] =	vst v63  }
0x6a: {  	_ =	swait.ge [sflag:s26], $0x800  }
0x6b: {  	[sflag:s26] =	ssyncset.done $0x0  }
0x6c: {  	[sflag:s26] =	ssyncadd.s32 $0xFFFFF800  }
.LBB2_7:
0x6d: {  	_ =	swait.ge [sflag:s28], $0x800  }
0x6e: {  	[sflag:s28] =	ssyncset.done $0x0  }
0x6f: {  	[sflag:s28] =	ssyncadd.s32 $0xFFFFF800  }
.LBB2_8:
0x70: {  	v0 =	vld [tilespmem:s6+$0x1B6A0];
	s11 =	simm.s32 $0x18F10  }
0x71: {  	v1 =	vld [tilespmem:s11+$0x0]  }
0x72: {  	v2 =	vld [tilespmem:s11+$0xFFFFFFA0]  }
0x73: {  	v3 =	vld [tilespmem:s11+$0xFFFFFFB0]  }
0x74: {  	v4 =	vld [tilespmem:s11+$0xFFFFFFC0]  }
0x75: {  	v7 =	vld [tilespmem:s11+$0xFFFFFFD0]  }
0x76: {  	v8 =	vld [tilespmem:s11+$0xFFFFFFE0]  }
0x77: {  	v9 =	vld [tilespmem:s11+$0xFFFFFFF0]  }
0x78: {  	v10 =	vld [tilespmem:s11+$0xFFFFFF90]  }
0x79: {  	v11 =	vld.idx.msk [tilespmem:v1+s4+$0x0], $0xffff  }
0x7a: {  	v12 =	vld.idx.msk [tilespmem:v2+s4+$0x0], $0xffff  }
0x7b: {  	v6 =	vld.idx.msk [tilespmem:v3+s4+$0x0], $0xffff  }
0x7c: {  	v5 =	vld.idx.msk [tilespmem:v4+s4+$0x0], $0xffff  }
0x7d: {  	v4 =	vld.idx.msk [tilespmem:v7+s4+$0x0], $0xffff  }
0x7e: {  	v2 =	vld.idx.msk [tilespmem:v8+s4+$0x0], $0xffff  }
0x7f: {  	v1 =	vld.idx.msk [tilespmem:v9+s4+$0x0], $0xffff;
	v7 =	vadd.f32 v11, v0  }
0x80: {  	s6 =	simm.s32 $0x1AF10;
	s9 =	simm.s32 $0x0;
	s10 =	simm.s32 $0x18F90;
	v3 =	vld.idx.msk [tilespmem:v10+s4+$0x0], $0xffff;
	v8 =	vadd.f32 v12, v0  }
.LBB2_9:
0x81: {  	v9 =	vld [tilespmem:s10+$0x0];
	s9 =	sadd.s32 $0x8, s9;
	v6 =	vadd.f32 v6, v0;
	[tilespmem:s6+$0x0] =	vst v7  }
0x82: {  	v5 =	vadd.f32 v5, v0;
	v7 =	vld [tilespmem:s10+$0xFFFFFFA0];
	p0 =	slt.u32 s9, $0x78;
	[tilespmem:s6+$0xFFFFFFA0] =	vst v8  }
0x83: {  	v4 =	vadd.f32 v4, v0;
	v8 =	vld [tilespmem:s10+$0xFFFFFFB0];
	[tilespmem:s6+$0xFFFFFFB0] =	vst v6  }
0x84: {  	v2 =	vadd.f32 v2, v0;
	v10 =	vld [tilespmem:s10+$0xFFFFFFC0];
	[tilespmem:s6+$0xFFFFFFC0] =	vst v5  }
0x85: {  	v1 =	vadd.f32 v1, v0;
	v11 =	vld [tilespmem:s10+$0xFFFFFFD0];
	[tilespmem:s6+$0xFFFFFFD0] =	vst v4  }
0x86: {  	v3 =	vadd.f32 v3, v0;
	v12 =	vld [tilespmem:s10+$0xFFFFFFE0];
	[tilespmem:s6+$0xFFFFFFE0] =	vst v2  }
0x87: {  	v13 =	vld [tilespmem:s10+$0xFFFFFFF0];
	[tilespmem:s6+$0xFFFFFFF0] =	vst v1  }
0x88: {  	v14 =	vld [tilespmem:s10+$0xFFFFFF90];
	[tilespmem:s6+$0xFFFFFF90] =	vst v3  }
0x89: {  	v3 =	vld.idx.msk [tilespmem:v9+s4+$0x0], $0xffff  }
0x8a: {  	v9 =	vld.idx.msk [tilespmem:v7+s4+$0x0], $0xffff  }
0x8b: {  	v6 =	vld.idx.msk [tilespmem:v8+s4+$0x0], $0xffff  }
.Ltmp6:
0x8c: {  	v5 =	vld.idx.msk [tilespmem:v10+s4+$0x0], $0xffff;
	(pc) =	sbr.rel @p0 .LBB2_9-.Ltmp6, $4  }
0x8d: {  	v4 =	vld.idx.msk [tilespmem:v11+s4+$0x0], $0xffff  }
0x8e: {  	v2 =	vld.idx.msk [tilespmem:v12+s4+$0x0], $0xffff  }
0x8f: {  	v7 =	vadd.f32 v3, v0;
	v1 =	vld.idx.msk [tilespmem:v13+s4+$0x0], $0xffff  }
0x90: {  	s10 =	sadd.s32 $0x80, s10;
	s6 =	sadd.s32 $0x80, s6;
	v8 =	vadd.f32 v9, v0;
	v3 =	vld.idx.msk [tilespmem:v14+s4+$0x0], $0xffff  }
0x91: {  	v6 =	vadd.f32 v6, v0;
	[tilespmem:s6+$0x0] =	vst v7  }
0x92: {  	v5 =	vadd.f32 v5, v0;
	[tilespmem:s6+$0xFFFFFFA0] =	vst v8  }
0x93: {  	v4 =	vadd.f32 v4, v0;
	[tilespmem:s6+$0xFFFFFFB0] =	vst v6  }
0x94: {  	[tilespmem:s6+$0xFFFFFFC0] =	vst v5;
	v2 =	vadd.f32 v2, v0  }
0x95: {  	[tilespmem:s6+$0xFFFFFFD0] =	vst v4;
	v1 =	vadd.f32 v1, v0  }
0x96: {  	v0 =	vadd.f32 v3, v0;
	[tilespmem:s6+$0xFFFFFFE0] =	vst v2  }
0x97: {  	p0 =	seq.s32 s16, $0x31;
	[tilespmem:s6+$0xFFFFFFF0] =	vst v1  }
0x98: {  	s10 =	sadd.s32 s7, s13;
	[tilespmem:s6+$0xFFFFFF90] =	vst v0;
	s6 =	sshrl.u32 @!p0 s21, $0x1  }
0x99: {  	[hbm4b:s10+s18] =	stream.strided.scatter [tilespmem:s29], [sflag:$0x6], $0x800, s19, s18, $0x38;
	[tilespmem:$0x1C320] =	vst v63  }
0x9a: {  	s6 =	sadd.s32 @!p0 s5, s6  }
0x9b: {  	s6 =	sadd.s32 @!p0 $0x2, s6  }
0x9c: {  	s7 =	sshll.u32 @!p0 s6, $0x9;
	s6 =	sshll.u32 @!p0 s6, $0x4  }
0x9d: {  	s7 =	sand.u32 @!p0 $0xFFFF000, s7;
	s6 =	sand.u32 @!p0 $0x60, s6  }
0x9e: {  	s9 =	simm.s32 @!p0 $0x400;
	s6 =	sor.u32 @!p0 s6, s7  }
0x9f: {  	s10 =	simm.s32 @!p0 $0x18EA0;
	s7 =	simm.s32 @!p0 $0x80;
	s6 =	sadd.s32 @!p0 s6, s8  }
0xa0: {  	[tilespmem:s10], [sflag:$0x2] =	stream.strided.gather @!p0 [hbm4b:s6+s7], $0x800, s9, s7, $0x38;
	[tilespmem:$0x1C320] =	vst v63  }
0xa1: {  	_ =	swait.ge [sflag:s30], $0x800  }
0xa2: {  	[sflag:s30] =	ssyncset.done $0x0  }
0xa3: {  	s11 =	sadd.s32 s22, s5;
	[sflag:s30] =	ssyncadd.s32 $0xFFFFF800  }
0xa4: {  	s7 =	sadd.s32 $0x1, s11;
	_ =	swait.ge [sflag:s31], $0x800  }
0xa5: {  	s6 =	sshll.u32 s7, $0x6;
	[sflag:s31] =	ssyncset.done $0x0  }
0xa6: {  	s6 =	sshrl.u32 s6, $0x2;
	[sflag:s31] =	ssyncadd.s32 $0xFFFFF800  }
0xa7: {  	s22 =	simm.s32 $0x19710;
	v0 =	vld [tilespmem:s6+$0x1B6A0]  }
0xa8: {  	v1 =	vld [tilespmem:s22+$0x0]  }
0xa9: {  	v2 =	vld [tilespmem:s22+$0xFFFFFFA0]  }
0xaa: {  	v3 =	vld [tilespmem:s22+$0xFFFFFFB0]  }
0xab: {  	v4 =	vld [tilespmem:s22+$0xFFFFFFC0]  }
0xac: {  	v7 =	vld [tilespmem:s22+$0xFFFFFFD0]  }
0xad: {  	v8 =	vld [tilespmem:s22+$0xFFFFFFE0]  }
0xae: {  	v9 =	vld [tilespmem:s22+$0xFFFFFFF0]  }
0xaf: {  	v10 =	vld [tilespmem:s22+$0xFFFFFF90]  }
0xb0: {  	v11 =	vld.idx.msk [tilespmem:v1+s4+$0x0], $0xffff  }
0xb1: {  	v12 =	vld.idx.msk [tilespmem:v2+s4+$0x0], $0xffff  }
0xb2: {  	v6 =	vld.idx.msk [tilespmem:v3+s4+$0x0], $0xffff  }
0xb3: {  	v5 =	vld.idx.msk [tilespmem:v4+s4+$0x0], $0xffff  }
0xb4: {  	v4 =	vld.idx.msk [tilespmem:v7+s4+$0x0], $0xffff  }
0xb5: {  	v3 =	vld.idx.msk [tilespmem:v8+s4+$0x0], $0xffff  }
0xb6: {  	v1 =	vld.idx.msk [tilespmem:v9+s4+$0x0], $0xffff;
	v7 =	vadd.f32 v11, v0  }
0xb7: {  	s9 =	simm.s32 $0x1A6E0;
	s10 =	simm.s32 $0x0;
	s11 =	simm.s32 $0x19790;
	v2 =	vld.idx.msk [tilespmem:v10+s4+$0x0], $0xffff;
	v8 =	vadd.f32 v12, v0  }
.LBB2_11:
0xb8: {  	v9 =	vld [tilespmem:s11+$0x0];
	s10 =	sadd.s32 $0x8, s10;
	v6 =	vadd.f32 v6, v0;
	[tilespmem:s9+$0x30] =	vst v7  }
0xb9: {  	v5 =	vadd.f32 v5, v0;
	v7 =	vld [tilespmem:s11+$0xFFFFFFA0];
	p1 =	slt.u32 s10, $0x78;
	[tilespmem:s9+$0xFFFFFFD0] =	vst v8  }
0xba: {  	v4 =	vadd.f32 v4, v0;
	v8 =	vld [tilespmem:s11+$0xFFFFFFB0];
	[tilespmem:s9+$0xFFFFFFE0] =	vst v6  }
0xbb: {  	v3 =	vadd.f32 v3, v0;
	v10 =	vld [tilespmem:s11+$0xFFFFFFC0];
	[tilespmem:s9+$0xFFFFFFF0] =	vst v5  }
0xbc: {  	v1 =	vadd.f32 v1, v0;
	v11 =	vld [tilespmem:s11+$0xFFFFFFD0];
	[tilespmem:s9+$0x0] =	vst v4  }
0xbd: {  	v2 =	vadd.f32 v2, v0;
	v12 =	vld [tilespmem:s11+$0xFFFFFFE0];
	[tilespmem:s9+$0x10] =	vst v3  }
0xbe: {  	v13 =	vld [tilespmem:s11+$0xFFFFFFF0];
	[tilespmem:s9+$0x20] =	vst v1  }
0xbf: {  	v14 =	vld [tilespmem:s11+$0xFFFFFF90];
	[tilespmem:s9+$0xFFFFFFC0] =	vst v2  }
0xc0: {  	v2 =	vld.idx.msk [tilespmem:v9+s4+$0x0], $0xffff  }
0xc1: {  	v9 =	vld.idx.msk [tilespmem:v7+s4+$0x0], $0xffff  }
0xc2: {  	v6 =	vld.idx.msk [tilespmem:v8+s4+$0x0], $0xffff  }
.Ltmp7:
0xc3: {  	v5 =	vld.idx.msk [tilespmem:v10+s4+$0x0], $0xffff;
	(pc) =	sbr.rel @p1 .LBB2_11-.Ltmp7, $4  }
0xc4: {  	v4 =	vld.idx.msk [tilespmem:v11+s4+$0x0], $0xffff  }
0xc5: {  	v3 =	vld.idx.msk [tilespmem:v12+s4+$0x0], $0xffff  }
0xc6: {  	v7 =	vadd.f32 v2, v0;
	v1 =	vld.idx.msk [tilespmem:v13+s4+$0x0], $0xffff  }
0xc7: {  	s11 =	sadd.s32 $0x80, s11;
	s9 =	sadd.s32 $0x80, s9;
	v8 =	vadd.f32 v9, v0;
	v2 =	vld.idx.msk [tilespmem:v14+s4+$0x0], $0xffff  }
0xc8: {  	v6 =	vadd.f32 v6, v0;
	[tilespmem:s9+$0x30] =	vst v7  }
0xc9: {  	v5 =	vadd.f32 v5, v0;
	[tilespmem:s9+$0xFFFFFFD0] =	vst v8  }
0xca: {  	v4 =	vadd.f32 v4, v0;
	[tilespmem:s9+$0xFFFFFFE0] =	vst v6  }
0xcb: {  	[tilespmem:s9+$0xFFFFFFF0] =	vst v5;
	v3 =	vadd.f32 v3, v0  }
0xcc: {  	s7 =	sshll.u32 s7, $0x10;
	[tilespmem:s9+$0x0] =	vst v4;
	v1 =	vadd.f32 v1, v0  }
0xcd: {  	s7 =	sor.u32 s15, s7;
	v0 =	vadd.f32 v2, v0;
	[tilespmem:s9+$0x10] =	vst v3  }
0xce: {  	s7 =	sshrl.u32 s7, $0x3;
	[tilespmem:s9+$0x20] =	vst v1  }
0xcf: {  	s11 =	sadd.s32 s3, s7;
	[tilespmem:s9+$0xFFFFFFC0] =	vst v0;
	s9 =	sadd.s32 @!p0 $0x6, s21  }
0xd0: {  	[hbm4b:s11+s18] =	stream.strided.scatter [tilespmem:s25], [sflag:$0x5], $0x800, s19, s18, $0x38;
	[tilespmem:$0x1C320] =	vst v63  }
0xd1: {  	s9 =	sshrl.u32 @!p0 s9, $0x1  }
0xd2: {  	s9 =	sadd.s32 @!p0 s5, s9  }
0xd3: {  	s10 =	sshll.u32 @!p0 s9, $0x4  }
0xd4: {  	s9 =	sshll.u32 @!p0 s9, $0x9;
	s10 =	sand.u32 @!p0 $0x70, s10  }
0xd5: {  	s22 =	simm.s32 @!p0 $0x196A0;
	s9 =	sand.u32 @!p0 $0xFFFF000, s9;
	s10 =	sadd.s32 @!p0 s2, s10  }
0xd6: {  	s11 =	simm.s32 @!p0 $0x400;
	s9 =	sadd.s32 @!p0 s9, s10;
	s10 =	simm.s32 @!p0 $0x80  }
0xd7: {  	[tilespmem:s22], [sflag:$0x3] =	stream.strided.gather @!p0 [hbm4b:s9+s10], $0x800, s11, s10, $0x38;
	[tilespmem:$0x1C320] =	vst v63  }
0xd8: {  	_ =	swait.ge [sflag:s0], $0x800  }
0xd9: {  	[sflag:s0] =	ssyncset.done $0x0  }
0xda: {  	[sflag:s0] =	ssyncadd.s32 $0xFFFFF800  }
0xdb: {  	_ =	swait.ge [sflag:s28], $0x800  }
0xdc: {  	[sflag:s28] =	ssyncset.done $0x0  }
0xdd: {  	[sflag:s28] =	ssyncadd.s32 $0xFFFFF800  }
0xde: {  	s22 =	simm.s32 $0x19F10;
	v0 =	vld [tilespmem:s6+$0x1B6A0]  }
0xdf: {  	v1 =	vld [tilespmem:s22+$0x0]  }
0xe0: {  	v2 =	vld [tilespmem:s22+$0xFFFFFFA0]  }
0xe1: {  	v3 =	vld [tilespmem:s22+$0xFFFFFFB0]  }
0xe2: {  	v4 =	vld [tilespmem:s22+$0xFFFFFFC0]  }
0xe3: {  	v7 =	vld [tilespmem:s22+$0xFFFFFFD0]  }
0xe4: {  	v8 =	vld [tilespmem:s22+$0xFFFFFFE0]  }
0xe5: {  	v9 =	vld [tilespmem:s22+$0xFFFFFFF0]  }
0xe6: {  	v10 =	vld [tilespmem:s22+$0xFFFFFF90]  }
0xe7: {  	v11 =	vld.idx.msk [tilespmem:v1+s4+$0x0], $0xffff  }
0xe8: {  	v12 =	vld.idx.msk [tilespmem:v2+s4+$0x0], $0xffff  }
0xe9: {  	v6 =	vld.idx.msk [tilespmem:v3+s4+$0x0], $0xffff  }
0xea: {  	v5 =	vld.idx.msk [tilespmem:v4+s4+$0x0], $0xffff  }
0xeb: {  	v4 =	vld.idx.msk [tilespmem:v7+s4+$0x0], $0xffff  }
0xec: {  	v2 =	vld.idx.msk [tilespmem:v8+s4+$0x0], $0xffff  }
0xed: {  	v1 =	vld.idx.msk [tilespmem:v9+s4+$0x0], $0xffff;
	v7 =	vadd.f32 v11, v0  }
0xee: {  	s9 =	simm.s32 $0x0;
	s10 =	simm.s32 $0x19F90;
	s6 =	simm.s32 $0x1AF10;
	v3 =	vld.idx.msk [tilespmem:v10+s4+$0x0], $0xffff;
	v8 =	vadd.f32 v12, v0  }
.LBB2_13:
0xef: {  	v9 =	vld [tilespmem:s10+$0x0];
	s9 =	sadd.s32 $0x8, s9;
	v6 =	vadd.f32 v6, v0;
	[tilespmem:s6+$0x0] =	vst v7  }
0xf0: {  	v5 =	vadd.f32 v5, v0;
	v7 =	vld [tilespmem:s10+$0xFFFFFFA0];
	p1 =	slt.u32 s9, $0x78;
	[tilespmem:s6+$0xFFFFFFA0] =	vst v8  }
0xf1: {  	v4 =	vadd.f32 v4, v0;
	v8 =	vld [tilespmem:s10+$0xFFFFFFB0];
	[tilespmem:s6+$0xFFFFFFB0] =	vst v6  }
0xf2: {  	v2 =	vadd.f32 v2, v0;
	v10 =	vld [tilespmem:s10+$0xFFFFFFC0];
	[tilespmem:s6+$0xFFFFFFC0] =	vst v5  }
0xf3: {  	v1 =	vadd.f32 v1, v0;
	v11 =	vld [tilespmem:s10+$0xFFFFFFD0];
	[tilespmem:s6+$0xFFFFFFD0] =	vst v4  }
0xf4: {  	v3 =	vadd.f32 v3, v0;
	v12 =	vld [tilespmem:s10+$0xFFFFFFE0];
	[tilespmem:s6+$0xFFFFFFE0] =	vst v2  }
0xf5: {  	v13 =	vld [tilespmem:s10+$0xFFFFFFF0];
	[tilespmem:s6+$0xFFFFFFF0] =	vst v1  }
0xf6: {  	v14 =	vld [tilespmem:s10+$0xFFFFFF90];
	[tilespmem:s6+$0xFFFFFF90] =	vst v3  }
0xf7: {  	v3 =	vld.idx.msk [tilespmem:v9+s4+$0x0], $0xffff  }
0xf8: {  	v9 =	vld.idx.msk [tilespmem:v7+s4+$0x0], $0xffff  }
0xf9: {  	v6 =	vld.idx.msk [tilespmem:v8+s4+$0x0], $0xffff  }
.Ltmp8:
0xfa: {  	v5 =	vld.idx.msk [tilespmem:v10+s4+$0x0], $0xffff;
	(pc) =	sbr.rel @p1 .LBB2_13-.Ltmp8, $4  }
0xfb: {  	v4 =	vld.idx.msk [tilespmem:v11+s4+$0x0], $0xffff  }
0xfc: {  	v2 =	vld.idx.msk [tilespmem:v12+s4+$0x0], $0xffff  }
0xfd: {  	v7 =	vadd.f32 v3, v0;
	v1 =	vld.idx.msk [tilespmem:v13+s4+$0x0], $0xffff  }
0xfe: {  	s10 =	sadd.s32 $0x80, s10;
	s6 =	sadd.s32 $0x80, s6;
	v8 =	vadd.f32 v9, v0;
	v3 =	vld.idx.msk [tilespmem:v14+s4+$0x0], $0xffff  }
0xff: {  	v6 =	vadd.f32 v6, v0;
	[tilespmem:s6+$0x0] =	vst v7  }
0x100: {  	v5 =	vadd.f32 v5, v0;
	[tilespmem:s6+$0xFFFFFFA0] =	vst v8  }
0x101: {  	v4 =	vadd.f32 v4, v0;
	[tilespmem:s6+$0xFFFFFFB0] =	vst v6  }
0x102: {  	[tilespmem:s6+$0xFFFFFFC0] =	vst v5;
	v2 =	vadd.f32 v2, v0  }
.Ltmp9:
0x103: {  	[tilespmem:s6+$0xFFFFFFD0] =	vst v4;
	v1 =	vadd.f32 v1, v0;
	(pc) =	sbr.rel @p0 .LBB2_16-.Ltmp9, $4  }
0x104: {  	v63 =	vadd.f32 v3, v0;
	[tilespmem:s6+$0xFFFFFFE0] =	vst v2  }
0x105: {  	[tilespmem:s6+$0xFFFFFFF0] =	vst v1  }
0x106: {  	s22 =	sadd.s32 s7, s13;
	[tilespmem:s6+$0xFFFFFF90] =	vst v63  }
0x107: {  	[hbm4b:s22+s18] =	stream.strided.scatter [tilespmem:s29], [sflag:$0x6], $0x800, s19, s18, $0x38;
	[tilespmem:$0x1C320] =	vst v63  }
0x108: {  	s6 =	sadd.s32 $0x6, s21  }
0x109: {  	s6 =	sshrl.u32 s6, $0x1  }
0x10a: {  	s6 =	sadd.s32 s5, s6  }
.Ltmp10:
0x10b: {  	s7 =	sshll.u32 s6, $0x9;
	s6 =	sshll.u32 s6, $0x4;
	(pc) =	sbr.rel .LBB2_2-.Ltmp10, $4  }
0x10c: {  	s7 =	sand.u32 $0xFFFF000, s7;
	s6 =	sand.u32 $0x70, s6  }
0x10d: {  	s6 =	sor.u32 s6, s7  }
0x10e: {  	s16 =	sadd.s32 $0x1, s16;
	s6 =	sadd.s32 s6, s8  }
0x10f: {  	[tilespmem:s23], [sflag:$0x4] =	stream.strided.gather [hbm4b:s6+s18], $0x800, s19, s18, $0x38;
	[tilespmem:$0x1C320] =	vst v63  }
.LBB2_17:
0x110: {  	_ =	sfence.sel $0x180000  }
0x111: {  	[bflag:$0x0] =	sbarrier.arrive $0xFFFF  }
0x112: {  	_ =	strace $0x90000047  }
0x113: {  	s0 =	stileid.u32;
	[bflag:$0x2] =	sbarrier.arrive $0xFFFF  }
0x114: {  	p0 =	sne.s32 s0, $0x0;
	s0 =	rddreg [dreg:$0x3]  }
0x115: {  	s0 =	sadd.s32 @!p0 $0x100000, s0  }
0x116: {  	[sflag:s0] =	ssyncadd.tile.s32 @!p0 $0x1;
	_ =	shalt  }
.Lfunc_end2:
_tile_overlayer_lowered:
.L_overlay_start_2:
0x117: {  	(tag) =	ssettag $0x2  }
0x118: {  	s0 =	rddreg [dreg:$0x0];
	s2 =	stileid.u32  }
0x119: {  	s1 =	rddreg [dreg:$0x1];
	p0 =	sne.s32 s2, $0x0  }
0x11a: {  	s3 =	rddreg [dreg:$0x2];
	[bflag:$0x3] =	sbarrier.arrive $0xFFFF;
	s2 =	simm.s32 @!p0 $0x1C07  }
0x11b: {  	[timem:s3], [sflag:s2] =	dma.local @!p0 [hbm:s0], s1  }
0x11c: {  	s0 =	simm.s32 @!p0 $0x7  }
0x11d: {  	_ =	swait.ge @!p0 [sflag:s0], s1  }
0x11e: {  	s1 =	ssub.s32 @!p0 $0x0, s1;
	[sflag:s0] =	ssyncset.done @!p0 $0x0  }
0x11f: {  	[sflag:s0] =	ssyncadd.s32 @!p0 s1  }
0x120: {  	[bflag:$0x3] =	sbarrier.arrive $0xFFFF  }
0x121: {  	_ =	shalt  }

</sc_bundles>
